<compile_context>
chip_gen: v7x
topology: tpu7x:2x2x1
jax: 0.10.2.dev20260603
libtpu: 0.0.44.dev20260713+nightly
codegen_flags: <defaults>
</compile_context>

<pallas_src>
import functools

import jax
import jax.numpy as jnp
from jax import lax
from jax.experimental import pallas as pl
from jax.experimental.pallas import tpu as pltpu
from jax.experimental.pallas import tpu_sc as plsc

N = 10000
NP = 10240
E = 320000
D_IN = 128
D_HID = 64

NC, NS = 2, 16
NW = NC * NS
CHUNK = 128
JPT = 80
EPT = JPT * CHUNK
EPAD = NW * EPT
TRASH = N
RPT = NP // NS

_MESH = plsc.VectorSubcoreMesh(core_axis_name="c", subcore_axis_name="s")



@functools.partial(
    pl.kernel,
    out_type=jax.ShapeDtypeStruct((NC, NP), jnp.float32),
    mesh=_MESH,
    scratch_types=[
        pltpu.VMEM_SHARED((NP,), jnp.float32),
        pltpu.VMEM((JPT, CHUNK), jnp.int32),
        pltpu.VMEM((CHUNK,), jnp.float32),
        pltpu.VMEM((RPT,), jnp.float32),
        pltpu.SemaphoreType.DMA,
    ],
    compiler_params=pltpu.CompilerParams(use_tc_tiling_on_sc=False),
)
def _deg_kernel(ei_hbm, out_hbm, acc, dst_idx, ones_v, zeros_v, sem):
    cid = lax.axis_index("c")
    sid = lax.axis_index("s")
    wid = cid * NS + sid

    for i in range(RPT // 16):
        zeros_v[pl.ds(16 * i, 16)] = jnp.zeros((16,), jnp.float32)
    for i in range(CHUNK // 16):
        ones_v[pl.ds(16 * i, 16)] = jnp.ones((16,), jnp.float32)

    pltpu.sync_copy(ei_hbm.at[1, pl.ds(wid * JPT, JPT)], dst_idx)
    pltpu.sync_copy(zeros_v, acc.at[pl.ds(sid * RPT, RPT)])
    plsc.subcore_barrier()

    def fire(j, carry):
        pltpu.async_copy(ones_v, acc.at[dst_idx.at[j]], sem, add=True)
        return carry

    lax.fori_loop(0, JPT, fire, 0)

    def drain(j, carry):
        pltpu.make_async_copy(ones_v, acc.at[dst_idx.at[j]], sem).wait()
        return carry

    lax.fori_loop(0, JPT, drain, 0)
    plsc.subcore_barrier()
    pltpu.sync_copy(acc.at[pl.ds(sid * RPT, RPT)],
                    out_hbm.at[cid, pl.ds(sid * RPT, RPT)])


@functools.partial(
    pl.kernel,
    out_type=jax.ShapeDtypeStruct((NC, NP, D_HID), jnp.float32),
    mesh=_MESH,
    scratch_types=[
        pltpu.VMEM_SHARED((NP, D_HID), jnp.float32),
        pltpu.VMEM_SHARED((NP, D_HID), jnp.float32),
        pltpu.VMEM((JPT // 2, CHUNK), jnp.int32),
        pltpu.VMEM((JPT // 2, CHUNK), jnp.int32),
        pltpu.VMEM((CHUNK, D_HID), jnp.float32),
        pltpu.VMEM((CHUNK, D_HID), jnp.float32),
        pltpu.VMEM((CHUNK, D_HID), jnp.float32),
        pltpu.VMEM((CHUNK, D_HID), jnp.float32),
        pltpu.SemaphoreType.DMA,
        pltpu.SemaphoreType.DMA,
        pltpu.SemaphoreType.DMA,
        pltpu.SemaphoreType.DMA,
    ],
    compiler_params=pltpu.CompilerParams(use_tc_tiling_on_sc=False),
)
def _agg_kernel(y_hbm, ei_hbm, out_hbm, acc, ytab, src_idx, dst_idx,
                rows0, rows1, rows2, rows3, sem0, sem1, sem2, sem3):
    cid = lax.axis_index("c")
    sid = lax.axis_index("s")
    wid = cid * NS + sid
    rows = (rows0, rows1, rows2, rows3)
    sems = (sem0, sem1, sem2, sem3)

    r0 = sid * RPT
    pltpu.sync_copy(y_hbm.at[pl.ds(r0, RPT)], acc.at[pl.ds(r0, RPT)])
    pltpu.sync_copy(y_hbm.at[pl.ds(r0, RPT)], ytab.at[pl.ds(r0, RPT)])
    plsc.subcore_barrier()

    def gather(j, k):
        pltpu.async_copy(ytab.at[src_idx.at[j]], rows[k], sems[k])

    def gather_wait(j, k):
        pltpu.make_async_copy(ytab.at[src_idx.at[j]], rows[k], sems[k]).wait()

    def scatter(j, k):
        pltpu.async_copy(rows[k], acc.at[dst_idx.at[j]], sems[k], add=True)

    def scatter_wait(j, k):
        pltpu.make_async_copy(rows[k], acc.at[dst_idx.at[j]], sems[k]).wait()

    JH = JPT // 2
    for phase in range(2):
        base_c = wid * JPT + phase * JH
        pltpu.sync_copy(ei_hbm.at[0, pl.ds(base_c, JH)], src_idx)
        pltpu.sync_copy(ei_hbm.at[1, pl.ds(base_c, JH)], dst_idx)

        gather(0, 0)
        gather(1, 1)
        gather_wait(0, 0)
        scatter(0, 0)
        gather(2, 2)
        gather_wait(1, 1)
        scatter(1, 1)
        gather(3, 3)

        def body(jj, carry):
            base = 4 * jj + 2
            for t in range(4):
                j = base + t
                k = (2 + t) % 4
                kn = t
                gather_wait(j, k)
                scatter(j, k)
                scatter_wait(j - 2, kn)
                gather(j + 2, kn)
            return carry

        lax.fori_loop(0, (JH - 4) // 4, body, 0)
        gather_wait(JH - 2, 2)
        scatter(JH - 2, 2)
        scatter_wait(JH - 4, 0)
        gather_wait(JH - 1, 3)
        scatter(JH - 1, 3)
        scatter_wait(JH - 3, 1)
        scatter_wait(JH - 2, 2)
        scatter_wait(JH - 1, 3)
    plsc.subcore_barrier()
    pltpu.sync_copy(acc.at[pl.ds(r0, RPT)], out_hbm.at[cid, pl.ds(r0, RPT)])



_BS = 1024


def _tc_matmul(x_ref, w_ref, y_ref):
    y_ref[...] = jnp.dot(x_ref[...], w_ref[...],
                         preferred_element_type=jnp.float32)


def _tc_scale(yraw_ref, deg_ref, y_ref, dinv_ref):
    deg = 1.0 + deg_ref[0] + deg_ref[1]
    dinv = lax.rsqrt(deg)
    y_ref[...] = dinv * yraw_ref[...]
    dinv_ref[...] = dinv


def _tc_mid(acc_ref, y_ref, dinv_ref, bias_ref, w_ref, out_ref):
    s = acc_ref[0] + acc_ref[1] - y_ref[...]
    h = jnp.maximum(dinv_ref[...] * s + bias_ref[...], 0.0)
    out_ref[...] = dinv_ref[...] * jnp.dot(h, w_ref[...],
                                           preferred_element_type=jnp.float32)


def _tc_out(acc_ref, y_ref, dinv_ref, bias_ref, w_ref, bout_ref, out_ref):
    s = acc_ref[0] + acc_ref[1] - y_ref[...]
    h = jnp.maximum(dinv_ref[...] * s + bias_ref[...], 0.0)
    out_ref[...] = jnp.dot(h, w_ref[...],
                           preferred_element_type=jnp.float32) + bout_ref[...]


_matmul = pl.pallas_call(
    _tc_matmul,
    out_shape=jax.ShapeDtypeStruct((NP, D_HID), jnp.float32),
)

_scale = pl.pallas_call(
    _tc_scale,
    out_shape=[jax.ShapeDtypeStruct((NP, D_HID), jnp.float32),
               jax.ShapeDtypeStruct((NP, 1), jnp.float32)],
)

_mid = pl.pallas_call(
    _tc_mid,
    out_shape=jax.ShapeDtypeStruct((NP, D_HID), jnp.float32),
)

_out = pl.pallas_call(
    _tc_out,
    out_shape=jax.ShapeDtypeStruct((NP, 1), jnp.float32),
)


def kernel(x, edge_index, W1, b1, W2, b2, Wout, bout):
    pad = EPAD - E
    eip = jnp.pad(edge_index, ((0, 0), (0, pad)),
                  constant_values=TRASH).reshape(2, NW * JPT, CHUNK)
    xp = jnp.pad(x, ((0, NP - N), (0, 0)))

    degp = _deg_kernel(eip).reshape(NC, NP, 1)
    y1_raw = _matmul(xp, W1)

    y1, dinv = _scale(y1_raw, degp)
    acc1 = _agg_kernel(y1, eip)
    y2 = _mid(acc1, y1, dinv, b1.reshape(1, D_HID), W2)
    acc2 = _agg_kernel(y2, eip)
    out = _out(acc2, y2, dinv, b2.reshape(1, D_HID), Wout, bout.reshape(1, 1))
    return out.reshape(NP)[:N]

# --- scband reference (transcript-rebuilt; emitter-appended) ---
"""Pipeline reference for scband-simple-gcn-20212116095606 (READ-ONLY COPY).

The authoritative reference and input builder live on the scoring server;
editing this copy changes nothing except your own understanding.
"""

import jax, jax.numpy as jnp
import numpy as np

N_NODES = 10000
N_EDGES = 320000
D_IN = 128
D_HID = 64


def setup_inputs(seed: int = 0) -> dict:
    key = jax.random.key(seed)
    ks = jax.random.split(key, 8)
    x = jax.random.normal(ks[0], (N_NODES, D_IN), dtype=jnp.float32)
    edge_index = jax.random.randint(ks[1], (2, N_EDGES), 0, N_NODES, dtype=jnp.int32)
    s1 = 1.0 / np.sqrt(D_IN)
    s2 = 1.0 / np.sqrt(D_HID)
    W1 = jax.random.uniform(ks[2], (D_IN, D_HID), dtype=jnp.float32, minval=-s1, maxval=s1)
    b1 = jnp.zeros((D_HID,), dtype=jnp.float32)
    W2 = jax.random.uniform(ks[3], (D_HID, D_HID), dtype=jnp.float32, minval=-s2, maxval=s2)
    b2 = jnp.zeros((D_HID,), dtype=jnp.float32)
    Wout = jax.random.uniform(ks[4], (D_HID, 1), dtype=jnp.float32, minval=-s2, maxval=s2)
    bout = jnp.zeros((1,), dtype=jnp.float32)
    return {"x": x, "edge_index": edge_index, "W1": W1, "b1": b1, "W2": W2, "b2": b2, "Wout": Wout, "bout": bout}


def _gcn_conv(x, edge_index, W, b):
    # GCNConv: add self-loops, symmetric normalization D^{-1/2}(A+I)D^{-1/2} X W + b
    n = x.shape[0]
    loop = jnp.arange(n, dtype=edge_index.dtype)
    src = jnp.concatenate([edge_index[0], loop])
    dst = jnp.concatenate([edge_index[1], loop])
    deg = jax.ops.segment_sum(jnp.ones_like(dst, dtype=x.dtype), dst, num_segments=n)
    dinv = jnp.where(deg > 0, 1.0 / jnp.sqrt(deg), 0.0)
    norm = dinv[src] * dinv[dst]
    xw = x @ W
    msg = norm[:, None] * jnp.take(xw, src, axis=0)
    out = jax.ops.segment_sum(msg, dst, num_segments=n) + b
    return out


def reference(x, edge_index, W1, b1, W2, b2, Wout, bout):
    # eval mode: dropout is identity
    h = jax.nn.relu(_gcn_conv(x, edge_index, W1, b1))
    h = jax.nn.relu(_gcn_conv(h, edge_index, W2, b2))
    out = h @ Wout + bout
    return out.squeeze(-1)

if __name__ == "__main__":
    import jax
    _d = setup_inputs()
    print(jax.jit(kernel)(*tuple(_d.values())))

</pallas_src>

<mosaic_0001>
#map = affine_map<(d0, d1) -> (0, 0)>
#map1 = affine_map<(d0, d1) -> (0, 0, 0)>
module attributes {stable_mosaic.version = 14 : i64} {
  func.func @_agg_kernel(%arg0: i32, %arg1: i32, %arg2: memref<10240x64xf32, #tpu.memory_space<hbm>>, %arg3: memref<2x2560x128xi32, #tpu.memory_space<hbm>>, %arg4: memref<2x10240x64xf32, #tpu.memory_space<hbm>>, %arg5: memref<10240x64xf32, #tpu.memory_space<vmem_shared>>, %arg6: memref<10240x64xf32, #tpu.memory_space<vmem_shared>>, %arg7: memref<40x128xi32, #tpu.memory_space<vmem>>, %arg8: memref<40x128xi32, #tpu.memory_space<vmem>>, %arg9: memref<128x64xf32, #tpu.memory_space<vmem>>, %arg10: memref<128x64xf32, #tpu.memory_space<vmem>>, %arg11: memref<128x64xf32, #tpu.memory_space<vmem>>, %arg12: memref<128x64xf32, #tpu.memory_space<vmem>>, %arg13: memref<!tpu.dma_semaphore, #tpu.memory_space<semaphore_mem>>, %arg14: memref<!tpu.dma_semaphore, #tpu.memory_space<semaphore_mem>>, %arg15: memref<!tpu.dma_semaphore, #tpu.memory_space<semaphore_mem>>, %arg16: memref<!tpu.dma_semaphore, #tpu.memory_space<semaphore_mem>>) attributes {dimension_semantics = [#tpu.dimension_semantics<core_parallel>, #tpu.dimension_semantics<subcore_parallel>], iteration_bounds = array<i64: 2, 16>, scalar_prefetch = 0 : i64, scratch_operands = 12 : i64, tpu.core_type = #tpu.core_type<sc_vector_subcore>, window_params = [{transform_indices = #map}, {transform_indices = #map1}, {transform_indices = #map1}]} {
    %mul3A = arith.constant 16 : i32
    %mul3A_0 = arith.muli %arg0, %mul3A : i32
    %add3A = arith.addi %mul3A_0, %arg1 : i32
    %mul3A_1 = arith.constant 640 : i32
    %mul3A_2 = arith.muli %arg1, %mul3A_1 : i32
    "tpu.region"() ({
      %run_scoped3A_248 = tpu.sem_alloc : memref<!tpu.dma_semaphore, #tpu.memory_space<semaphore_mem>>
      %dma_start3A_249 = arith.constant 0 : i32
      %dma_start3A_250 = tpu.memref_slice %arg5[%mul3A_2, %dma_start3A_249] : memref<10240x64xf32, #tpu.memory_space<vmem_shared>> -> memref<640x64xf32, #tpu.memory_space<vmem_shared>>
      %dma_start3A_251 = arith.constant 0 : i32
      %dma_start3A_252 = tpu.memref_slice %arg2[%mul3A_2, %dma_start3A_251] : memref<10240x64xf32, #tpu.memory_space<hbm>> -> memref<640x64xf32, #tpu.memory_space<hbm>>
      tpu.enqueue_dma source(%dma_start3A_252 : memref<640x64xf32, #tpu.memory_space<hbm>>) target(%dma_start3A_250 : memref<640x64xf32, #tpu.memory_space<vmem_shared>>) target_semaphore(%run_scoped3A_248 : memref<!tpu.dma_semaphore, #tpu.memory_space<semaphore_mem>>)
      %dma_wait3A_253 = arith.constant 0 : i32
      %dma_wait3A_254 = tpu.memref_slice %arg5[%mul3A_2, %dma_wait3A_253] : memref<10240x64xf32, #tpu.memory_space<vmem_shared>> -> memref<640x64xf32, #tpu.memory_space<vmem_shared>>
      %dma_wait3A_255 = arith.constant 0 : i32
      %dma_wait3A_256 = tpu.memref_slice %arg2[%mul3A_2, %dma_wait3A_255] : memref<10240x64xf32, #tpu.memory_space<hbm>> -> memref<640x64xf32, #tpu.memory_space<hbm>>
      tpu.wait_dma2 semaphore(%run_scoped3A_248 : memref<!tpu.dma_semaphore, #tpu.memory_space<semaphore_mem>>) src(%dma_wait3A_256 : memref<640x64xf32, #tpu.memory_space<hbm>>) dst(%dma_wait3A_254 : memref<640x64xf32, #tpu.memory_space<vmem_shared>>)
      tpu.yield
    }) : () -> ()
    "tpu.region"() ({
      %run_scoped3A_248 = tpu.sem_alloc : memref<!tpu.dma_semaphore, #tpu.memory_space<semaphore_mem>>
      %dma_start3A_249 = arith.constant 0 : i32
      %dma_start3A_250 = tpu.memref_slice %arg6[%mul3A_2, %dma_start3A_249] : memref<10240x64xf32, #tpu.memory_space<vmem_shared>> -> memref<640x64xf32, #tpu.memory_space<vmem_shared>>
      %dma_start3A_251 = arith.constant 0 : i32
      %dma_start3A_252 = tpu.memref_slice %arg2[%mul3A_2, %dma_start3A_251] : memref<10240x64xf32, #tpu.memory_space<hbm>> -> memref<640x64xf32, #tpu.memory_space<hbm>>
      tpu.enqueue_dma source(%dma_start3A_252 : memref<640x64xf32, #tpu.memory_space<hbm>>) target(%dma_start3A_250 : memref<640x64xf32, #tpu.memory_space<vmem_shared>>) target_semaphore(%run_scoped3A_248 : memref<!tpu.dma_semaphore, #tpu.memory_space<semaphore_mem>>)
      %dma_wait3A_253 = arith.constant 0 : i32
      %dma_wait3A_254 = tpu.memref_slice %arg6[%mul3A_2, %dma_wait3A_253] : memref<10240x64xf32, #tpu.memory_space<vmem_shared>> -> memref<640x64xf32, #tpu.memory_space<vmem_shared>>
      %dma_wait3A_255 = arith.constant 0 : i32
      %dma_wait3A_256 = tpu.memref_slice %arg2[%mul3A_2, %dma_wait3A_255] : memref<10240x64xf32, #tpu.memory_space<hbm>> -> memref<640x64xf32, #tpu.memory_space<hbm>>
      tpu.wait_dma2 semaphore(%run_scoped3A_248 : memref<!tpu.dma_semaphore, #tpu.memory_space<semaphore_mem>>) src(%dma_wait3A_256 : memref<640x64xf32, #tpu.memory_space<hbm>>) dst(%dma_wait3A_254 : memref<640x64xf32, #tpu.memory_space<vmem_shared>>)
      tpu.yield
    }) : () -> ()
    %barrier3A = arith.constant 0 : index
    tpu.barrier barrier_id(%barrier3A)
    %mul3A_3 = arith.constant 80 : i32
    %mul3A_4 = arith.muli %add3A, %mul3A_3 : i32
    %add3A_5 = arith.constant 0 : i32
    %add3A_6 = arith.addi %mul3A_4, %add3A_5 : i32
    %run_scoped3A = arith.constant 0 : i32
    "tpu.region"() ({
      %run_scoped3A_248 = tpu.sem_alloc : memref<!tpu.dma_semaphore, #tpu.memory_space<semaphore_mem>>
      %dma_start3A_249 = arith.constant 0 : i32
      %dma_start3A_250 = tpu.memref_slice %arg3[%run_scoped3A, %add3A_6, %dma_start3A_249] : memref<2x2560x128xi32, #tpu.memory_space<hbm>> -> memref<1x40x128xi32, #tpu.memory_space<hbm>>
      %dma_start3A_251 = tpu.memref_squeeze %dma_start3A_250 : memref<1x40x128xi32, #tpu.memory_space<hbm>> -> memref<40x128xi32, #tpu.memory_space<hbm>>
      %dma_start3A_252 = arith.constant 0 : i32
      %dma_start3A_253 = tpu.memref_slice %arg3[%run_scoped3A, %add3A_6, %dma_start3A_252] : memref<2x2560x128xi32, #tpu.memory_space<hbm>> -> memref<1x40x128xi32, #tpu.memory_space<hbm>>
      %dma_start3A_254 = tpu.memref_squeeze %dma_start3A_253 : memref<1x40x128xi32, #tpu.memory_space<hbm>> -> memref<40x128xi32, #tpu.memory_space<hbm>>
      tpu.enqueue_dma source(%dma_start3A_254 : memref<40x128xi32, #tpu.memory_space<hbm>>) target(%arg7 : memref<40x128xi32, #tpu.memory_space<vmem>>) target_semaphore(%run_scoped3A_248 : memref<!tpu.dma_semaphore, #tpu.memory_space<semaphore_mem>>)
      %dma_wait3A_255 = arith.constant 0 : i32
      %dma_wait3A_256 = tpu.memref_slice %arg3[%run_scoped3A, %add3A_6, %dma_wait3A_255] : memref<2x2560x128xi32, #tpu.memory_space<hbm>> -> memref<1x40x128xi32, #tpu.memory_space<hbm>>
      %dma_wait3A_257 = tpu.memref_squeeze %dma_wait3A_256 : memref<1x40x128xi32, #tpu.memory_space<hbm>> -> memref<40x128xi32, #tpu.memory_space<hbm>>
      %dma_wait3A_258 = arith.constant 0 : i32
      %dma_wait3A_259 = tpu.memref_slice %arg3[%run_scoped3A, %add3A_6, %dma_wait3A_258] : memref<2x2560x128xi32, #tpu.memory_space<hbm>> -> memref<1x40x128xi32, #tpu.memory_space<hbm>>
      %dma_wait3A_260 = tpu.memref_squeeze %dma_wait3A_259 : memref<1x40x128xi32, #tpu.memory_space<hbm>> -> memref<40x128xi32, #tpu.memory_space<hbm>>
      tpu.wait_dma2 semaphore(%run_scoped3A_248 : memref<!tpu.dma_semaphore, #tpu.memory_space<semaphore_mem>>) src(%dma_wait3A_260 : memref<40x128xi32, #tpu.memory_space<hbm>>) dst(%arg7 : memref<40x128xi32, #tpu.memory_space<vmem>>)
      tpu.yield
    }) : () -> ()
    %run_scoped3A_7 = arith.constant 1 : i32
    "tpu.region"() ({
      %run_scoped3A_248 = tpu.sem_alloc : memref<!tpu.dma_semaphore, #tpu.memory_space<semaphore_mem>>
      %dma_start3A_249 = arith.constant 0 : i32
      %dma_start3A_250 = tpu.memref_slice %arg3[%run_scoped3A_7, %add3A_6, %dma_start3A_249] : memref<2x2560x128xi32, #tpu.memory_space<hbm>> -> memref<1x40x128xi32, #tpu.memory_space<hbm>>
      %dma_start3A_251 = tpu.memref_squeeze %dma_start3A_250 : memref<1x40x128xi32, #tpu.memory_space<hbm>> -> memref<40x128xi32, #tpu.memory_space<hbm>>
      %dma_start3A_252 = arith.constant 0 : i32
      %dma_start3A_253 = tpu.memref_slice %arg3[%run_scoped3A_7, %add3A_6, %dma_start3A_252] : memref<2x2560x128xi32, #tpu.memory_space<hbm>> -> memref<1x40x128xi32, #tpu.memory_space<hbm>>
      %dma_start3A_254 = tpu.memref_squeeze %dma_start3A_253 : memref<1x40x128xi32, #tpu.memory_space<hbm>> -> memref<40x128xi32, #tpu.memory_space<hbm>>
      tpu.enqueue_dma source(%dma_start3A_254 : memref<40x128xi32, #tpu.memory_space<hbm>>) target(%arg8 : memref<40x128xi32, #tpu.memory_space<vmem>>) target_semaphore(%run_scoped3A_248 : memref<!tpu.dma_semaphore, #tpu.memory_space<semaphore_mem>>)
      %dma_wait3A_255 = arith.constant 0 : i32
      %dma_wait3A_256 = tpu.memref_slice %arg3[%run_scoped3A_7, %add3A_6, %dma_wait3A_255] : memref<2x2560x128xi32, #tpu.memory_space<hbm>> -> memref<1x40x128xi32, #tpu.memory_space<hbm>>
      %dma_wait3A_257 = tpu.memref_squeeze %dma_wait3A_256 : memref<1x40x128xi32, #tpu.memory_space<hbm>> -> memref<40x128xi32, #tpu.memory_space<hbm>>
      %dma_wait3A_258 = arith.constant 0 : i32
      %dma_wait3A_259 = tpu.memref_slice %arg3[%run_scoped3A_7, %add3A_6, %dma_wait3A_258] : memref<2x2560x128xi32, #tpu.memory_space<hbm>> -> memref<1x40x128xi32, #tpu.memory_space<hbm>>
      %dma_wait3A_260 = tpu.memref_squeeze %dma_wait3A_259 : memref<1x40x128xi32, #tpu.memory_space<hbm>> -> memref<40x128xi32, #tpu.memory_space<hbm>>
      tpu.wait_dma2 semaphore(%run_scoped3A_248 : memref<!tpu.dma_semaphore, #tpu.memory_space<semaphore_mem>>) src(%dma_wait3A_260 : memref<40x128xi32, #tpu.memory_space<hbm>>) dst(%arg8 : memref<40x128xi32, #tpu.memory_space<vmem>>)
      tpu.yield
    }) : () -> ()
    %dma_start3A = arith.constant 0 : i32
    %dma_start3A_8 = arith.constant 0 : i32
    %dma_start3A_9 = tpu.memref_slice %arg7[%dma_start3A, %dma_start3A_8] : memref<40x128xi32, #tpu.memory_space<vmem>> -> memref<1x128xi32, #tpu.memory_space<vmem>>
    %dma_start3A_10 = tpu.memref_squeeze %dma_start3A_9 : memref<1x128xi32, #tpu.memory_space<vmem>> -> memref<128xi32, #tpu.memory_space<vmem>>
    %dma_start3A_11 = arith.constant 0 : i32
    %dma_start3A_12 = arith.constant 0 : i32
    %dma_start3A_13 = tpu.memref_slice %arg6[%dma_start3A_11, %dma_start3A_12] : memref<10240x64xf32, #tpu.memory_space<vmem_shared>> -> memref<10240x64xf32, #tpu.memory_space<vmem_shared>>
    tpu.enqueue_indirect_dma source(%dma_start3A_13 : memref<10240x64xf32, #tpu.memory_space<vmem_shared>>) target(%arg9 : memref<128x64xf32, #tpu.memory_space<vmem>>) offsets(%dma_start3A_10 : memref<128xi32, #tpu.memory_space<vmem>>) semaphore(%arg13 : memref<!tpu.dma_semaphore, #tpu.memory_space<semaphore_mem>>)
    %dma_start3A_14 = arith.constant 1 : i32
    %dma_start3A_15 = arith.constant 0 : i32
    %dma_start3A_16 = tpu.memref_slice %arg7[%dma_start3A_14, %dma_start3A_15] : memref<40x128xi32, #tpu.memory_space<vmem>> -> memref<1x128xi32, #tpu.memory_space<vmem>>
    %dma_start3A_17 = tpu.memref_squeeze %dma_start3A_16 : memref<1x128xi32, #tpu.memory_space<vmem>> -> memref<128xi32, #tpu.memory_space<vmem>>
    %dma_start3A_18 = arith.constant 0 : i32
    %dma_start3A_19 = arith.constant 0 : i32
    %dma_start3A_20 = tpu.memref_slice %arg6[%dma_start3A_18, %dma_start3A_19] : memref<10240x64xf32, #tpu.memory_space<vmem_shared>> -> memref<10240x64xf32, #tpu.memory_space<vmem_shared>>
    tpu.enqueue_indirect_dma source(%dma_start3A_20 : memref<10240x64xf32, #tpu.memory_space<vmem_shared>>) target(%arg10 : memref<128x64xf32, #tpu.memory_space<vmem>>) offsets(%dma_start3A_17 : memref<128xi32, #tpu.memory_space<vmem>>) semaphore(%arg14 : memref<!tpu.dma_semaphore, #tpu.memory_space<semaphore_mem>>)
    %dma_wait3A = arith.constant 0 : i32
    %dma_wait3A_21 = arith.constant 0 : i32
    %dma_wait3A_22 = tpu.memref_slice %arg7[%dma_wait3A, %dma_wait3A_21] : memref<40x128xi32, #tpu.memory_space<vmem>> -> memref<1x128xi32, #tpu.memory_space<vmem>>
    %dma_wait3A_23 = tpu.memref_squeeze %dma_wait3A_22 : memref<1x128xi32, #tpu.memory_space<vmem>> -> memref<128xi32, #tpu.memory_space<vmem>>
    %dma_wait3A_24 = arith.constant 0 : i32
    %dma_wait3A_25 = arith.constant 0 : i32
    %dma_wait3A_26 = tpu.memref_slice %arg6[%dma_wait3A_24, %dma_wait3A_25] : memref<10240x64xf32, #tpu.memory_space<vmem_shared>> -> memref<10240x64xf32, #tpu.memory_space<vmem_shared>>
    tpu.wait_indirect_dma semaphore(%arg13 : memref<!tpu.dma_semaphore, #tpu.memory_space<semaphore_mem>>) src(%dma_wait3A_26 : memref<10240x64xf32, #tpu.memory_space<vmem_shared>>) dst(%arg9 : memref<128x64xf32, #tpu.memory_space<vmem>>)
    %dma_start3A_27 = arith.constant 0 : i32
    %dma_start3A_28 = arith.constant 0 : i32
    %dma_start3A_29 = tpu.memref_slice %arg8[%dma_start3A_27, %dma_start3A_28] : memref<40x128xi32, #tpu.memory_space<vmem>> -> memref<1x128xi32, #tpu.memory_space<vmem>>
    %dma_start3A_30 = tpu.memref_squeeze %dma_start3A_29 : memref<1x128xi32, #tpu.memory_space<vmem>> -> memref<128xi32, #tpu.memory_space<vmem>>
    %dma_start3A_31 = arith.constant 0 : i32
    %dma_start3A_32 = arith.constant 0 : i32
    %dma_start3A_33 = tpu.memref_slice %arg5[%dma_start3A_31, %dma_start3A_32] : memref<10240x64xf32, #tpu.memory_space<vmem_shared>> -> memref<10240x64xf32, #tpu.memory_space<vmem_shared>>
    tpu.enqueue_indirect_dma source(%arg9 : memref<128x64xf32, #tpu.memory_space<vmem>>) target(%dma_start3A_33 : memref<10240x64xf32, #tpu.memory_space<vmem_shared>>) offsets(%dma_start3A_30 : memref<128xi32, #tpu.memory_space<vmem>>) semaphore(%arg13 : memref<!tpu.dma_semaphore, #tpu.memory_space<semaphore_mem>>) {add = true}
    %dma_start3A_34 = arith.constant 2 : i32
    %dma_start3A_35 = arith.constant 0 : i32
    %dma_start3A_36 = tpu.memref_slice %arg7[%dma_start3A_34, %dma_start3A_35] : memref<40x128xi32, #tpu.memory_space<vmem>> -> memref<1x128xi32, #tpu.memory_space<vmem>>
    %dma_start3A_37 = tpu.memref_squeeze %dma_start3A_36 : memref<1x128xi32, #tpu.memory_space<vmem>> -> memref<128xi32, #tpu.memory_space<vmem>>
    %dma_start3A_38 = arith.constant 0 : i32
    %dma_start3A_39 = arith.constant 0 : i32
    %dma_start3A_40 = tpu.memref_slice %arg6[%dma_start3A_38, %dma_start3A_39] : memref<10240x64xf32, #tpu.memory_space<vmem_shared>> -> memref<10240x64xf32, #tpu.memory_space<vmem_shared>>
    tpu.enqueue_indirect_dma source(%dma_start3A_40 : memref<10240x64xf32, #tpu.memory_space<vmem_shared>>) target(%arg11 : memref<128x64xf32, #tpu.memory_space<vmem>>) offsets(%dma_start3A_37 : memref<128xi32, #tpu.memory_space<vmem>>) semaphore(%arg15 : memref<!tpu.dma_semaphore, #tpu.memory_space<semaphore_mem>>)
    %dma_wait3A_41 = arith.constant 1 : i32
    %dma_wait3A_42 = arith.constant 0 : i32
    %dma_wait3A_43 = tpu.memref_slice %arg7[%dma_wait3A_41, %dma_wait3A_42] : memref<40x128xi32, #tpu.memory_space<vmem>> -> memref<1x128xi32, #tpu.memory_space<vmem>>
    %dma_wait3A_44 = tpu.memref_squeeze %dma_wait3A_43 : memref<1x128xi32, #tpu.memory_space<vmem>> -> memref<128xi32, #tpu.memory_space<vmem>>
    %dma_wait3A_45 = arith.constant 0 : i32
    %dma_wait3A_46 = arith.constant 0 : i32
    %dma_wait3A_47 = tpu.memref_slice %arg6[%dma_wait3A_45, %dma_wait3A_46] : memref<10240x64xf32, #tpu.memory_space<vmem_shared>> -> memref<10240x64xf32, #tpu.memory_space<vmem_shared>>
    tpu.wait_indirect_dma semaphore(%arg14 : memref<!tpu.dma_semaphore, #tpu.memory_space<semaphore_mem>>) src(%dma_wait3A_47 : memref<10240x64xf32, #tpu.memory_space<vmem_shared>>) dst(%arg10 : memref<128x64xf32, #tpu.memory_space<vmem>>)
    %dma_start3A_48 = arith.constant 1 : i32
    %dma_start3A_49 = arith.constant 0 : i32
    %dma_start3A_50 = tpu.memref_slice %arg8[%dma_start3A_48, %dma_start3A_49] : memref<40x128xi32, #tpu.memory_space<vmem>> -> memref<1x128xi32, #tpu.memory_space<vmem>>
    %dma_start3A_51 = tpu.memref_squeeze %dma_start3A_50 : memref<1x128xi32, #tpu.memory_space<vmem>> -> memref<128xi32, #tpu.memory_space<vmem>>
    %dma_start3A_52 = arith.constant 0 : i32
    %dma_start3A_53 = arith.constant 0 : i32
    %dma_start3A_54 = tpu.memref_slice %arg5[%dma_start3A_52, %dma_start3A_53] : memref<10240x64xf32, #tpu.memory_space<vmem_shared>> -> memref<10240x64xf32, #tpu.memory_space<vmem_shared>>
    tpu.enqueue_indirect_dma source(%arg10 : memref<128x64xf32, #tpu.memory_space<vmem>>) target(%dma_start3A_54 : memref<10240x64xf32, #tpu.memory_space<vmem_shared>>) offsets(%dma_start3A_51 : memref<128xi32, #tpu.memory_space<vmem>>) semaphore(%arg14 : memref<!tpu.dma_semaphore, #tpu.memory_space<semaphore_mem>>) {add = true}
    %dma_start3A_55 = arith.constant 3 : i32
    %dma_start3A_56 = arith.constant 0 : i32
    %dma_start3A_57 = tpu.memref_slice %arg7[%dma_start3A_55, %dma_start3A_56] : memref<40x128xi32, #tpu.memory_space<vmem>> -> memref<1x128xi32, #tpu.memory_space<vmem>>
    %dma_start3A_58 = tpu.memref_squeeze %dma_start3A_57 : memref<1x128xi32, #tpu.memory_space<vmem>> -> memref<128xi32, #tpu.memory_space<vmem>>
    %dma_start3A_59 = arith.constant 0 : i32
    %dma_start3A_60 = arith.constant 0 : i32
    %dma_start3A_61 = tpu.memref_slice %arg6[%dma_start3A_59, %dma_start3A_60] : memref<10240x64xf32, #tpu.memory_space<vmem_shared>> -> memref<10240x64xf32, #tpu.memory_space<vmem_shared>>
    tpu.enqueue_indirect_dma source(%dma_start3A_61 : memref<10240x64xf32, #tpu.memory_space<vmem_shared>>) target(%arg12 : memref<128x64xf32, #tpu.memory_space<vmem>>) offsets(%dma_start3A_58 : memref<128xi32, #tpu.memory_space<vmem>>) semaphore(%arg16 : memref<!tpu.dma_semaphore, #tpu.memory_space<semaphore_mem>>)
    %scan3A = arith.constant 0 : i32
    %scan3A_62 = arith.constant 0 : i32
    %scan3A_63 = arith.constant 9 : i32
    %scan3A_64 = arith.addi %scan3A_62, %scan3A_63 : i32
    %scan3A_65 = arith.constant 1 : i32
    scf.for %scan3A_248 = %scan3A_62 to %scan3A_64 step %scan3A_65  : i32 {
      %mul3A_249 = arith.constant 4 : i32
      %mul3A_250 = arith.muli %mul3A_249, %scan3A_248 : i32
      %add3A_251 = arith.constant 2 : i32
      %add3A_252 = arith.addi %mul3A_250, %add3A_251 : i32
      %add3A_253 = arith.constant 0 : i32
      %add3A_254 = arith.addi %add3A_252, %add3A_253 : i32
      %dma_wait3A_255 = arith.constant 0 : i32
      %dma_wait3A_256 = tpu.memref_slice %arg7[%add3A_254, %dma_wait3A_255] : memref<40x128xi32, #tpu.memory_space<vmem>> -> memref<1x128xi32, #tpu.memory_space<vmem>>
      %dma_wait3A_257 = tpu.memref_squeeze %dma_wait3A_256 : memref<1x128xi32, #tpu.memory_space<vmem>> -> memref<128xi32, #tpu.memory_space<vmem>>
      %dma_wait3A_258 = arith.constant 0 : i32
      %dma_wait3A_259 = arith.constant 0 : i32
      %dma_wait3A_260 = tpu.memref_slice %arg6[%dma_wait3A_258, %dma_wait3A_259] : memref<10240x64xf32, #tpu.memory_space<vmem_shared>> -> memref<10240x64xf32, #tpu.memory_space<vmem_shared>>
      tpu.wait_indirect_dma semaphore(%arg15 : memref<!tpu.dma_semaphore, #tpu.memory_space<semaphore_mem>>) src(%dma_wait3A_260 : memref<10240x64xf32, #tpu.memory_space<vmem_shared>>) dst(%arg11 : memref<128x64xf32, #tpu.memory_space<vmem>>)
      %dma_start3A_261 = arith.constant 0 : i32
      %dma_start3A_262 = tpu.memref_slice %arg8[%add3A_254, %dma_start3A_261] : memref<40x128xi32, #tpu.memory_space<vmem>> -> memref<1x128xi32, #tpu.memory_space<vmem>>
      %dma_start3A_263 = tpu.memref_squeeze %dma_start3A_262 : memref<1x128xi32, #tpu.memory_space<vmem>> -> memref<128xi32, #tpu.memory_space<vmem>>
      %dma_start3A_264 = arith.constant 0 : i32
      %dma_start3A_265 = arith.constant 0 : i32
      %dma_start3A_266 = tpu.memref_slice %arg5[%dma_start3A_264, %dma_start3A_265] : memref<10240x64xf32, #tpu.memory_space<vmem_shared>> -> memref<10240x64xf32, #tpu.memory_space<vmem_shared>>
      tpu.enqueue_indirect_dma source(%arg11 : memref<128x64xf32, #tpu.memory_space<vmem>>) target(%dma_start3A_266 : memref<10240x64xf32, #tpu.memory_space<vmem_shared>>) offsets(%dma_start3A_263 : memref<128xi32, #tpu.memory_space<vmem>>) semaphore(%arg15 : memref<!tpu.dma_semaphore, #tpu.memory_space<semaphore_mem>>) {add = true}
      %sub3A = arith.constant 2 : i32
      %sub3A_267 = arith.subi %add3A_254, %sub3A : i32
      %dma_wait3A_268 = arith.constant 0 : i32
      %dma_wait3A_269 = tpu.memref_slice %arg8[%sub3A_267, %dma_wait3A_268] : memref<40x128xi32, #tpu.memory_space<vmem>> -> memref<1x128xi32, #tpu.memory_space<vmem>>
      %dma_wait3A_270 = tpu.memref_squeeze %dma_wait3A_269 : memref<1x128xi32, #tpu.memory_space<vmem>> -> memref<128xi32, #tpu.memory_space<vmem>>
      %dma_wait3A_271 = arith.constant 0 : i32
      %dma_wait3A_272 = arith.constant 0 : i32
      %dma_wait3A_273 = tpu.memref_slice %arg5[%dma_wait3A_271, %dma_wait3A_272] : memref<10240x64xf32, #tpu.memory_space<vmem_shared>> -> memref<10240x64xf32, #tpu.memory_space<vmem_shared>>
      tpu.wait_indirect_dma semaphore(%arg13 : memref<!tpu.dma_semaphore, #tpu.memory_space<semaphore_mem>>) src(%arg9 : memref<128x64xf32, #tpu.memory_space<vmem>>) dst(%dma_wait3A_273 : memref<10240x64xf32, #tpu.memory_space<vmem_shared>>)
      %add3A_274 = arith.constant 2 : i32
      %add3A_275 = arith.addi %add3A_254, %add3A_274 : i32
      %dma_start3A_276 = arith.constant 0 : i32
      %dma_start3A_277 = tpu.memref_slice %arg7[%add3A_275, %dma_start3A_276] : memref<40x128xi32, #tpu.memory_space<vmem>> -> memref<1x128xi32, #tpu.memory_space<vmem>>
      %dma_start3A_278 = tpu.memref_squeeze %dma_start3A_277 : memref<1x128xi32, #tpu.memory_space<vmem>> -> memref<128xi32, #tpu.memory_space<vmem>>
      %dma_start3A_279 = arith.constant 0 : i32
      %dma_start3A_280 = arith.constant 0 : i32
      %dma_start3A_281 = tpu.memref_slice %arg6[%dma_start3A_279, %dma_start3A_280] : memref<10240x64xf32, #tpu.memory_space<vmem_shared>> -> memref<10240x64xf32, #tpu.memory_space<vmem_shared>>
      tpu.enqueue_indirect_dma source(%dma_start3A_281 : memref<10240x64xf32, #tpu.memory_space<vmem_shared>>) target(%arg9 : memref<128x64xf32, #tpu.memory_space<vmem>>) offsets(%dma_start3A_278 : memref<128xi32, #tpu.memory_space<vmem>>) semaphore(%arg13 : memref<!tpu.dma_semaphore, #tpu.memory_space<semaphore_mem>>)
      %add3A_282 = arith.constant 1 : i32
      %add3A_283 = arith.addi %add3A_252, %add3A_282 : i32
      %dma_wait3A_284 = arith.constant 0 : i32
      %dma_wait3A_285 = tpu.memref_slice %arg7[%add3A_283, %dma_wait3A_284] : memref<40x128xi32, #tpu.memory_space<vmem>> -> memref<1x128xi32, #tpu.memory_space<vmem>>
      %dma_wait3A_286 = tpu.memref_squeeze %dma_wait3A_285 : memref<1x128xi32, #tpu.memory_space<vmem>> -> memref<128xi32, #tpu.memory_space<vmem>>
      %dma_wait3A_287 = arith.constant 0 : i32
      %dma_wait3A_288 = arith.constant 0 : i32
      %dma_wait3A_289 = tpu.memref_slice %arg6[%dma_wait3A_287, %dma_wait3A_288] : memref<10240x64xf32, #tpu.memory_space<vmem_shared>> -> memref<10240x64xf32, #tpu.memory_space<vmem_shared>>
      tpu.wait_indirect_dma semaphore(%arg16 : memref<!tpu.dma_semaphore, #tpu.memory_space<semaphore_mem>>) src(%dma_wait3A_289 : memref<10240x64xf32, #tpu.memory_space<vmem_shared>>) dst(%arg12 : memref<128x64xf32, #tpu.memory_space<vmem>>)
      %dma_start3A_290 = arith.constant 0 : i32
      %dma_start3A_291 = tpu.memref_slice %arg8[%add3A_283, %dma_start3A_290] : memref<40x128xi32, #tpu.memory_space<vmem>> -> memref<1x128xi32, #tpu.memory_space<vmem>>
      %dma_start3A_292 = tpu.memref_squeeze %dma_start3A_291 : memref<1x128xi32, #tpu.memory_space<vmem>> -> memref<128xi32, #tpu.memory_space<vmem>>
      %dma_start3A_293 = arith.constant 0 : i32
      %dma_start3A_294 = arith.constant 0 : i32
      %dma_start3A_295 = tpu.memref_slice %arg5[%dma_start3A_293, %dma_start3A_294] : memref<10240x64xf32, #tpu.memory_space<vmem_shared>> -> memref<10240x64xf32, #tpu.memory_space<vmem_shared>>
      tpu.enqueue_indirect_dma source(%arg12 : memref<128x64xf32, #tpu.memory_space<vmem>>) target(%dma_start3A_295 : memref<10240x64xf32, #tpu.memory_space<vmem_shared>>) offsets(%dma_start3A_292 : memref<128xi32, #tpu.memory_space<vmem>>) semaphore(%arg16 : memref<!tpu.dma_semaphore, #tpu.memory_space<semaphore_mem>>) {add = true}
      %sub3A_296 = arith.constant 2 : i32
      %sub3A_297 = arith.subi %add3A_283, %sub3A_296 : i32
      %dma_wait3A_298 = arith.constant 0 : i32
      %dma_wait3A_299 = tpu.memref_slice %arg8[%sub3A_297, %dma_wait3A_298] : memref<40x128xi32, #tpu.memory_space<vmem>> -> memref<1x128xi32, #tpu.memory_space<vmem>>
      %dma_wait3A_300 = tpu.memref_squeeze %dma_wait3A_299 : memref<1x128xi32, #tpu.memory_space<vmem>> -> memref<128xi32, #tpu.memory_space<vmem>>
      %dma_wait3A_301 = arith.constant 0 : i32
      %dma_wait3A_302 = arith.constant 0 : i32
      %dma_wait3A_303 = tpu.memref_slice %arg5[%dma_wait3A_301, %dma_wait3A_302] : memref<10240x64xf32, #tpu.memory_space<vmem_shared>> -> memref<10240x64xf32, #tpu.memory_space<vmem_shared>>
      tpu.wait_indirect_dma semaphore(%arg14 : memref<!tpu.dma_semaphore, #tpu.memory_space<semaphore_mem>>) src(%arg10 : memref<128x64xf32, #tpu.memory_space<vmem>>) dst(%dma_wait3A_303 : memref<10240x64xf32, #tpu.memory_space<vmem_shared>>)
      %add3A_304 = arith.constant 2 : i32
      %add3A_305 = arith.addi %add3A_283, %add3A_304 : i32
      %dma_start3A_306 = arith.constant 0 : i32
      %dma_start3A_307 = tpu.memref_slice %arg7[%add3A_305, %dma_start3A_306] : memref<40x128xi32, #tpu.memory_space<vmem>> -> memref<1x128xi32, #tpu.memory_space<vmem>>
      %dma_start3A_308 = tpu.memref_squeeze %dma_start3A_307 : memref<1x128xi32, #tpu.memory_space<vmem>> -> memref<128xi32, #tpu.memory_space<vmem>>
      %dma_start3A_309 = arith.constant 0 : i32
      %dma_start3A_310 = arith.constant 0 : i32
      %dma_start3A_311 = tpu.memref_slice %arg6[%dma_start3A_309, %dma_start3A_310] : memref<10240x64xf32, #tpu.memory_space<vmem_shared>> -> memref<10240x64xf32, #tpu.memory_space<vmem_shared>>
      tpu.enqueue_indirect_dma source(%dma_start3A_311 : memref<10240x64xf32, #tpu.memory_space<vmem_shared>>) target(%arg10 : memref<128x64xf32, #tpu.memory_space<vmem>>) offsets(%dma_start3A_308 : memref<128xi32, #tpu.memory_space<vmem>>) semaphore(%arg14 : memref<!tpu.dma_semaphore, #tpu.memory_space<semaphore_mem>>)
      %add3A_312 = arith.constant 2 : i32
      %add3A_313 = arith.addi %add3A_252, %add3A_312 : i32
      %dma_wait3A_314 = arith.constant 0 : i32
      %dma_wait3A_315 = tpu.memref_slice %arg7[%add3A_313, %dma_wait3A_314] : memref<40x128xi32, #tpu.memory_space<vmem>> -> memref<1x128xi32, #tpu.memory_space<vmem>>
      %dma_wait3A_316 = tpu.memref_squeeze %dma_wait3A_315 : memref<1x128xi32, #tpu.memory_space<vmem>> -> memref<128xi32, #tpu.memory_space<vmem>>
      %dma_wait3A_317 = arith.constant 0 : i32
      %dma_wait3A_318 = arith.constant 0 : i32
      %dma_wait3A_319 = tpu.memref_slice %arg6[%dma_wait3A_317, %dma_wait3A_318] : memref<10240x64xf32, #tpu.memory_space<vmem_shared>> -> memref<10240x64xf32, #tpu.memory_space<vmem_shared>>
      tpu.wait_indirect_dma semaphore(%arg13 : memref<!tpu.dma_semaphore, #tpu.memory_space<semaphore_mem>>) src(%dma_wait3A_319 : memref<10240x64xf32, #tpu.memory_space<vmem_shared>>) dst(%arg9 : memref<128x64xf32, #tpu.memory_space<vmem>>)
      %dma_start3A_320 = arith.constant 0 : i32
      %dma_start3A_321 = tpu.memref_slice %arg8[%add3A_313, %dma_start3A_320] : memref<40x128xi32, #tpu.memory_space<vmem>> -> memref<1x128xi32, #tpu.memory_space<vmem>>
      %dma_start3A_322 = tpu.memref_squeeze %dma_start3A_321 : memref<1x128xi32, #tpu.memory_space<vmem>> -> memref<128xi32, #tpu.memory_space<vmem>>
      %dma_start3A_323 = arith.constant 0 : i32
      %dma_start3A_324 = arith.constant 0 : i32
      %dma_start3A_325 = tpu.memref_slice %arg5[%dma_start3A_323, %dma_start3A_324] : memref<10240x64xf32, #tpu.memory_space<vmem_shared>> -> memref<10240x64xf32, #tpu.memory_space<vmem_shared>>
      tpu.enqueue_indirect_dma source(%arg9 : memref<128x64xf32, #tpu.memory_space<vmem>>) target(%dma_start3A_325 : memref<10240x64xf32, #tpu.memory_space<vmem_shared>>) offsets(%dma_start3A_322 : memref<128xi32, #tpu.memory_space<vmem>>) semaphore(%arg13 : memref<!tpu.dma_semaphore, #tpu.memory_space<semaphore_mem>>) {add = true}
      %sub3A_326 = arith.constant 2 : i32
      %sub3A_327 = arith.subi %add3A_313, %sub3A_326 : i32
      %dma_wait3A_328 = arith.constant 0 : i32
      %dma_wait3A_329 = tpu.memref_slice %arg8[%sub3A_327, %dma_wait3A_328] : memref<40x128xi32, #tpu.memory_space<vmem>> -> memref<1x128xi32, #tpu.memory_space<vmem>>
      %dma_wait3A_330 = tpu.memref_squeeze %dma_wait3A_329 : memref<1x128xi32, #tpu.memory_space<vmem>> -> memref<128xi32, #tpu.memory_space<vmem>>
      %dma_wait3A_331 = arith.constant 0 : i32
      %dma_wait3A_332 = arith.constant 0 : i32
      %dma_wait3A_333 = tpu.memref_slice %arg5[%dma_wait3A_331, %dma_wait3A_332] : memref<10240x64xf32, #tpu.memory_space<vmem_shared>> -> memref<10240x64xf32, #tpu.memory_space<vmem_shared>>
      tpu.wait_indirect_dma semaphore(%arg15 : memref<!tpu.dma_semaphore, #tpu.memory_space<semaphore_mem>>) src(%arg11 : memref<128x64xf32, #tpu.memory_space<vmem>>) dst(%dma_wait3A_333 : memref<10240x64xf32, #tpu.memory_space<vmem_shared>>)
      %add3A_334 = arith.constant 2 : i32
      %add3A_335 = arith.addi %add3A_313, %add3A_334 : i32
      %dma_start3A_336 = arith.constant 0 : i32
      %dma_start3A_337 = tpu.memref_slice %arg7[%add3A_335, %dma_start3A_336] : memref<40x128xi32, #tpu.memory_space<vmem>> -> memref<1x128xi32, #tpu.memory_space<vmem>>
      %dma_start3A_338 = tpu.memref_squeeze %dma_start3A_337 : memref<1x128xi32, #tpu.memory_space<vmem>> -> memref<128xi32, #tpu.memory_space<vmem>>
      %dma_start3A_339 = arith.constant 0 : i32
      %dma_start3A_340 = arith.constant 0 : i32
      %dma_start3A_341 = tpu.memref_slice %arg6[%dma_start3A_339, %dma_start3A_340] : memref<10240x64xf32, #tpu.memory_space<vmem_shared>> -> memref<10240x64xf32, #tpu.memory_space<vmem_shared>>
      tpu.enqueue_indirect_dma source(%dma_start3A_341 : memref<10240x64xf32, #tpu.memory_space<vmem_shared>>) target(%arg11 : memref<128x64xf32, #tpu.memory_space<vmem>>) offsets(%dma_start3A_338 : memref<128xi32, #tpu.memory_space<vmem>>) semaphore(%arg15 : memref<!tpu.dma_semaphore, #tpu.memory_space<semaphore_mem>>)
      %add3A_342 = arith.constant 3 : i32
      %add3A_343 = arith.addi %add3A_252, %add3A_342 : i32
      %dma_wait3A_344 = arith.constant 0 : i32
      %dma_wait3A_345 = tpu.memref_slice %arg7[%add3A_343, %dma_wait3A_344] : memref<40x128xi32, #tpu.memory_space<vmem>> -> memref<1x128xi32, #tpu.memory_space<vmem>>
      %dma_wait3A_346 = tpu.memref_squeeze %dma_wait3A_345 : memref<1x128xi32, #tpu.memory_space<vmem>> -> memref<128xi32, #tpu.memory_space<vmem>>
      %dma_wait3A_347 = arith.constant 0 : i32
      %dma_wait3A_348 = arith.constant 0 : i32
      %dma_wait3A_349 = tpu.memref_slice %arg6[%dma_wait3A_347, %dma_wait3A_348] : memref<10240x64xf32, #tpu.memory_space<vmem_shared>> -> memref<10240x64xf32, #tpu.memory_space<vmem_shared>>
      tpu.wait_indirect_dma semaphore(%arg14 : memref<!tpu.dma_semaphore, #tpu.memory_space<semaphore_mem>>) src(%dma_wait3A_349 : memref<10240x64xf32, #tpu.memory_space<vmem_shared>>) dst(%arg10 : memref<128x64xf32, #tpu.memory_space<vmem>>)
      %dma_start3A_350 = arith.constant 0 : i32
      %dma_start3A_351 = tpu.memref_slice %arg8[%add3A_343, %dma_start3A_350] : memref<40x128xi32, #tpu.memory_space<vmem>> -> memref<1x128xi32, #tpu.memory_space<vmem>>
      %dma_start3A_352 = tpu.memref_squeeze %dma_start3A_351 : memref<1x128xi32, #tpu.memory_space<vmem>> -> memref<128xi32, #tpu.memory_space<vmem>>
      %dma_start3A_353 = arith.constant 0 : i32
      %dma_start3A_354 = arith.constant 0 : i32
      %dma_start3A_355 = tpu.memref_slice %arg5[%dma_start3A_353, %dma_start3A_354] : memref<10240x64xf32, #tpu.memory_space<vmem_shared>> -> memref<10240x64xf32, #tpu.memory_space<vmem_shared>>
      tpu.enqueue_indirect_dma source(%arg10 : memref<128x64xf32, #tpu.memory_space<vmem>>) target(%dma_start3A_355 : memref<10240x64xf32, #tpu.memory_space<vmem_shared>>) offsets(%dma_start3A_352 : memref<128xi32, #tpu.memory_space<vmem>>) semaphore(%arg14 : memref<!tpu.dma_semaphore, #tpu.memory_space<semaphore_mem>>) {add = true}
      %sub3A_356 = arith.constant 2 : i32
      %sub3A_357 = arith.subi %add3A_343, %sub3A_356 : i32
      %dma_wait3A_358 = arith.constant 0 : i32
      %dma_wait3A_359 = tpu.memref_slice %arg8[%sub3A_357, %dma_wait3A_358] : memref<40x128xi32, #tpu.memory_space<vmem>> -> memref<1x128xi32, #tpu.memory_space<vmem>>
      %dma_wait3A_360 = tpu.memref_squeeze %dma_wait3A_359 : memref<1x128xi32, #tpu.memory_space<vmem>> -> memref<128xi32, #tpu.memory_space<vmem>>
      %dma_wait3A_361 = arith.constant 0 : i32
      %dma_wait3A_362 = arith.constant 0 : i32
      %dma_wait3A_363 = tpu.memref_slice %arg5[%dma_wait3A_361, %dma_wait3A_362] : memref<10240x64xf32, #tpu.memory_space<vmem_shared>> -> memref<10240x64xf32, #tpu.memory_space<vmem_shared>>
      tpu.wait_indirect_dma semaphore(%arg16 : memref<!tpu.dma_semaphore, #tpu.memory_space<semaphore_mem>>) src(%arg12 : memref<128x64xf32, #tpu.memory_space<vmem>>) dst(%dma_wait3A_363 : memref<10240x64xf32, #tpu.memory_space<vmem_shared>>)
      %add3A_364 = arith.constant 2 : i32
      %add3A_365 = arith.addi %add3A_343, %add3A_364 : i32
      %dma_start3A_366 = arith.constant 0 : i32
      %dma_start3A_367 = tpu.memref_slice %arg7[%add3A_365, %dma_start3A_366] : memref<40x128xi32, #tpu.memory_space<vmem>> -> memref<1x128xi32, #tpu.memory_space<vmem>>
      %dma_start3A_368 = tpu.memref_squeeze %dma_start3A_367 : memref<1x128xi32, #tpu.memory_space<vmem>> -> memref<128xi32, #tpu.memory_space<vmem>>
      %dma_start3A_369 = arith.constant 0 : i32
      %dma_start3A_370 = arith.constant 0 : i32
      %dma_start3A_371 = tpu.memref_slice %arg6[%dma_start3A_369, %dma_start3A_370] : memref<10240x64xf32, #tpu.memory_space<vmem_shared>> -> memref<10240x64xf32, #tpu.memory_space<vmem_shared>>
      tpu.enqueue_indirect_dma source(%dma_start3A_371 : memref<10240x64xf32, #tpu.memory_space<vmem_shared>>) target(%arg12 : memref<128x64xf32, #tpu.memory_space<vmem>>) offsets(%dma_start3A_368 : memref<128xi32, #tpu.memory_space<vmem>>) semaphore(%arg16 : memref<!tpu.dma_semaphore, #tpu.memory_space<semaphore_mem>>)
    }
    %scan3A_66 = arith.constant 9 : i32
    %dma_wait3A_67 = arith.constant 38 : i32
    %dma_wait3A_68 = arith.constant 0 : i32
    %dma_wait3A_69 = tpu.memref_slice %arg7[%dma_wait3A_67, %dma_wait3A_68] : memref<40x128xi32, #tpu.memory_space<vmem>> -> memref<1x128xi32, #tpu.memory_space<vmem>>
    %dma_wait3A_70 = tpu.memref_squeeze %dma_wait3A_69 : memref<1x128xi32, #tpu.memory_space<vmem>> -> memref<128xi32, #tpu.memory_space<vmem>>
    %dma_wait3A_71 = arith.constant 0 : i32
    %dma_wait3A_72 = arith.constant 0 : i32
    %dma_wait3A_73 = tpu.memref_slice %arg6[%dma_wait3A_71, %dma_wait3A_72] : memref<10240x64xf32, #tpu.memory_space<vmem_shared>> -> memref<10240x64xf32, #tpu.memory_space<vmem_shared>>
    tpu.wait_indirect_dma semaphore(%arg15 : memref<!tpu.dma_semaphore, #tpu.memory_space<semaphore_mem>>) src(%dma_wait3A_73 : memref<10240x64xf32, #tpu.memory_space<vmem_shared>>) dst(%arg11 : memref<128x64xf32, #tpu.memory_space<vmem>>)
    %dma_start3A_74 = arith.constant 38 : i32
    %dma_start3A_75 = arith.constant 0 : i32
    %dma_start3A_76 = tpu.memref_slice %arg8[%dma_start3A_74, %dma_start3A_75] : memref<40x128xi32, #tpu.memory_space<vmem>> -> memref<1x128xi32, #tpu.memory_space<vmem>>
    %dma_start3A_77 = tpu.memref_squeeze %dma_start3A_76 : memref<1x128xi32, #tpu.memory_space<vmem>> -> memref<128xi32, #tpu.memory_space<vmem>>
    %dma_start3A_78 = arith.constant 0 : i32
    %dma_start3A_79 = arith.constant 0 : i32
    %dma_start3A_80 = tpu.memref_slice %arg5[%dma_start3A_78, %dma_start3A_79] : memref<10240x64xf32, #tpu.memory_space<vmem_shared>> -> memref<10240x64xf32, #tpu.memory_space<vmem_shared>>
    tpu.enqueue_indirect_dma source(%arg11 : memref<128x64xf32, #tpu.memory_space<vmem>>) target(%dma_start3A_80 : memref<10240x64xf32, #tpu.memory_space<vmem_shared>>) offsets(%dma_start3A_77 : memref<128xi32, #tpu.memory_space<vmem>>) semaphore(%arg15 : memref<!tpu.dma_semaphore, #tpu.memory_space<semaphore_mem>>) {add = true}
    %dma_wait3A_81 = arith.constant 36 : i32
    %dma_wait3A_82 = arith.constant 0 : i32
    %dma_wait3A_83 = tpu.memref_slice %arg8[%dma_wait3A_81, %dma_wait3A_82] : memref<40x128xi32, #tpu.memory_space<vmem>> -> memref<1x128xi32, #tpu.memory_space<vmem>>
    %dma_wait3A_84 = tpu.memref_squeeze %dma_wait3A_83 : memref<1x128xi32, #tpu.memory_space<vmem>> -> memref<128xi32, #tpu.memory_space<vmem>>
    %dma_wait3A_85 = arith.constant 0 : i32
    %dma_wait3A_86 = arith.constant 0 : i32
    %dma_wait3A_87 = tpu.memref_slice %arg5[%dma_wait3A_85, %dma_wait3A_86] : memref<10240x64xf32, #tpu.memory_space<vmem_shared>> -> memref<10240x64xf32, #tpu.memory_space<vmem_shared>>
    tpu.wait_indirect_dma semaphore(%arg13 : memref<!tpu.dma_semaphore, #tpu.memory_space<semaphore_mem>>) src(%arg9 : memref<128x64xf32, #tpu.memory_space<vmem>>) dst(%dma_wait3A_87 : memref<10240x64xf32, #tpu.memory_space<vmem_shared>>)
    %dma_wait3A_88 = arith.constant 39 : i32
    %dma_wait3A_89 = arith.constant 0 : i32
    %dma_wait3A_90 = tpu.memref_slice %arg7[%dma_wait3A_88, %dma_wait3A_89] : memref<40x128xi32, #tpu.memory_space<vmem>> -> memref<1x128xi32, #tpu.memory_space<vmem>>
    %dma_wait3A_91 = tpu.memref_squeeze %dma_wait3A_90 : memref<1x128xi32, #tpu.memory_space<vmem>> -> memref<128xi32, #tpu.memory_space<vmem>>
    %dma_wait3A_92 = arith.constant 0 : i32
    %dma_wait3A_93 = arith.constant 0 : i32
    %dma_wait3A_94 = tpu.memref_slice %arg6[%dma_wait3A_92, %dma_wait3A_93] : memref<10240x64xf32, #tpu.memory_space<vmem_shared>> -> memref<10240x64xf32, #tpu.memory_space<vmem_shared>>
    tpu.wait_indirect_dma semaphore(%arg16 : memref<!tpu.dma_semaphore, #tpu.memory_space<semaphore_mem>>) src(%dma_wait3A_94 : memref<10240x64xf32, #tpu.memory_space<vmem_shared>>) dst(%arg12 : memref<128x64xf32, #tpu.memory_space<vmem>>)
    %dma_start3A_95 = arith.constant 39 : i32
    %dma_start3A_96 = arith.constant 0 : i32
    %dma_start3A_97 = tpu.memref_slice %arg8[%dma_start3A_95, %dma_start3A_96] : memref<40x128xi32, #tpu.memory_space<vmem>> -> memref<1x128xi32, #tpu.memory_space<vmem>>
    %dma_start3A_98 = tpu.memref_squeeze %dma_start3A_97 : memref<1x128xi32, #tpu.memory_space<vmem>> -> memref<128xi32, #tpu.memory_space<vmem>>
    %dma_start3A_99 = arith.constant 0 : i32
    %dma_start3A_100 = arith.constant 0 : i32
    %dma_start3A_101 = tpu.memref_slice %arg5[%dma_start3A_99, %dma_start3A_100] : memref<10240x64xf32, #tpu.memory_space<vmem_shared>> -> memref<10240x64xf32, #tpu.memory_space<vmem_shared>>
    tpu.enqueue_indirect_dma source(%arg12 : memref<128x64xf32, #tpu.memory_space<vmem>>) target(%dma_start3A_101 : memref<10240x64xf32, #tpu.memory_space<vmem_shared>>) offsets(%dma_start3A_98 : memref<128xi32, #tpu.memory_space<vmem>>) semaphore(%arg16 : memref<!tpu.dma_semaphore, #tpu.memory_space<semaphore_mem>>) {add = true}
    %dma_wait3A_102 = arith.constant 37 : i32
    %dma_wait3A_103 = arith.constant 0 : i32
    %dma_wait3A_104 = tpu.memref_slice %arg8[%dma_wait3A_102, %dma_wait3A_103] : memref<40x128xi32, #tpu.memory_space<vmem>> -> memref<1x128xi32, #tpu.memory_space<vmem>>
    %dma_wait3A_105 = tpu.memref_squeeze %dma_wait3A_104 : memref<1x128xi32, #tpu.memory_space<vmem>> -> memref<128xi32, #tpu.memory_space<vmem>>
    %dma_wait3A_106 = arith.constant 0 : i32
    %dma_wait3A_107 = arith.constant 0 : i32
    %dma_wait3A_108 = tpu.memref_slice %arg5[%dma_wait3A_106, %dma_wait3A_107] : memref<10240x64xf32, #tpu.memory_space<vmem_shared>> -> memref<10240x64xf32, #tpu.memory_space<vmem_shared>>
    tpu.wait_indirect_dma semaphore(%arg14 : memref<!tpu.dma_semaphore, #tpu.memory_space<semaphore_mem>>) src(%arg10 : memref<128x64xf32, #tpu.memory_space<vmem>>) dst(%dma_wait3A_108 : memref<10240x64xf32, #tpu.memory_space<vmem_shared>>)
    %dma_wait3A_109 = arith.constant 38 : i32
    %dma_wait3A_110 = arith.constant 0 : i32
    %dma_wait3A_111 = tpu.memref_slice %arg8[%dma_wait3A_109, %dma_wait3A_110] : memref<40x128xi32, #tpu.memory_space<vmem>> -> memref<1x128xi32, #tpu.memory_space<vmem>>
    %dma_wait3A_112 = tpu.memref_squeeze %dma_wait3A_111 : memref<1x128xi32, #tpu.memory_space<vmem>> -> memref<128xi32, #tpu.memory_space<vmem>>
    %dma_wait3A_113 = arith.constant 0 : i32
    %dma_wait3A_114 = arith.constant 0 : i32
    %dma_wait3A_115 = tpu.memref_slice %arg5[%dma_wait3A_113, %dma_wait3A_114] : memref<10240x64xf32, #tpu.memory_space<vmem_shared>> -> memref<10240x64xf32, #tpu.memory_space<vmem_shared>>
    tpu.wait_indirect_dma semaphore(%arg15 : memref<!tpu.dma_semaphore, #tpu.memory_space<semaphore_mem>>) src(%arg11 : memref<128x64xf32, #tpu.memory_space<vmem>>) dst(%dma_wait3A_115 : memref<10240x64xf32, #tpu.memory_space<vmem_shared>>)
    %dma_wait3A_116 = arith.constant 39 : i32
    %dma_wait3A_117 = arith.constant 0 : i32
    %dma_wait3A_118 = tpu.memref_slice %arg8[%dma_wait3A_116, %dma_wait3A_117] : memref<40x128xi32, #tpu.memory_space<vmem>> -> memref<1x128xi32, #tpu.memory_space<vmem>>
    %dma_wait3A_119 = tpu.memref_squeeze %dma_wait3A_118 : memref<1x128xi32, #tpu.memory_space<vmem>> -> memref<128xi32, #tpu.memory_space<vmem>>
    %dma_wait3A_120 = arith.constant 0 : i32
    %dma_wait3A_121 = arith.constant 0 : i32
    %dma_wait3A_122 = tpu.memref_slice %arg5[%dma_wait3A_120, %dma_wait3A_121] : memref<10240x64xf32, #tpu.memory_space<vmem_shared>> -> memref<10240x64xf32, #tpu.memory_space<vmem_shared>>
    tpu.wait_indirect_dma semaphore(%arg16 : memref<!tpu.dma_semaphore, #tpu.memory_space<semaphore_mem>>) src(%arg12 : memref<128x64xf32, #tpu.memory_space<vmem>>) dst(%dma_wait3A_122 : memref<10240x64xf32, #tpu.memory_space<vmem_shared>>)
    %mul3A_123 = arith.constant 80 : i32
    %mul3A_124 = arith.muli %add3A, %mul3A_123 : i32
    %add3A_125 = arith.constant 40 : i32
    %add3A_126 = arith.addi %mul3A_124, %add3A_125 : i32
    %run_scoped3A_127 = arith.constant 0 : i32
    "tpu.region"() ({
      %run_scoped3A_248 = tpu.sem_alloc : memref<!tpu.dma_semaphore, #tpu.memory_space<semaphore_mem>>
      %dma_start3A_249 = arith.constant 0 : i32
      %dma_start3A_250 = tpu.memref_slice %arg3[%run_scoped3A_127, %add3A_126, %dma_start3A_249] : memref<2x2560x128xi32, #tpu.memory_space<hbm>> -> memref<1x40x128xi32, #tpu.memory_space<hbm>>
      %dma_start3A_251 = tpu.memref_squeeze %dma_start3A_250 : memref<1x40x128xi32, #tpu.memory_space<hbm>> -> memref<40x128xi32, #tpu.memory_space<hbm>>
      %dma_start3A_252 = arith.constant 0 : i32
      %dma_start3A_253 = tpu.memref_slice %arg3[%run_scoped3A_127, %add3A_126, %dma_start3A_252] : memref<2x2560x128xi32, #tpu.memory_space<hbm>> -> memref<1x40x128xi32, #tpu.memory_space<hbm>>
      %dma_start3A_254 = tpu.memref_squeeze %dma_start3A_253 : memref<1x40x128xi32, #tpu.memory_space<hbm>> -> memref<40x128xi32, #tpu.memory_space<hbm>>
      tpu.enqueue_dma source(%dma_start3A_254 : memref<40x128xi32, #tpu.memory_space<hbm>>) target(%arg7 : memref<40x128xi32, #tpu.memory_space<vmem>>) target_semaphore(%run_scoped3A_248 : memref<!tpu.dma_semaphore, #tpu.memory_space<semaphore_mem>>)
      %dma_wait3A_255 = arith.constant 0 : i32
      %dma_wait3A_256 = tpu.memref_slice %arg3[%run_scoped3A_127, %add3A_126, %dma_wait3A_255] : memref<2x2560x128xi32, #tpu.memory_space<hbm>> -> memref<1x40x128xi32, #tpu.memory_space<hbm>>
      %dma_wait3A_257 = tpu.memref_squeeze %dma_wait3A_256 : memref<1x40x128xi32, #tpu.memory_space<hbm>> -> memref<40x128xi32, #tpu.memory_space<hbm>>
      %dma_wait3A_258 = arith.constant 0 : i32
      %dma_wait3A_259 = tpu.memref_slice %arg3[%run_scoped3A_127, %add3A_126, %dma_wait3A_258] : memref<2x2560x128xi32, #tpu.memory_space<hbm>> -> memref<1x40x128xi32, #tpu.memory_space<hbm>>
      %dma_wait3A_260 = tpu.memref_squeeze %dma_wait3A_259 : memref<1x40x128xi32, #tpu.memory_space<hbm>> -> memref<40x128xi32, #tpu.memory_space<hbm>>
      tpu.wait_dma2 semaphore(%run_scoped3A_248 : memref<!tpu.dma_semaphore, #tpu.memory_space<semaphore_mem>>) src(%dma_wait3A_260 : memref<40x128xi32, #tpu.memory_space<hbm>>) dst(%arg7 : memref<40x128xi32, #tpu.memory_space<vmem>>)
      tpu.yield
    }) : () -> ()
    %run_scoped3A_128 = arith.constant 1 : i32
    "tpu.region"() ({
      %run_scoped3A_248 = tpu.sem_alloc : memref<!tpu.dma_semaphore, #tpu.memory_space<semaphore_mem>>
      %dma_start3A_249 = arith.constant 0 : i32
      %dma_start3A_250 = tpu.memref_slice %arg3[%run_scoped3A_128, %add3A_126, %dma_start3A_249] : memref<2x2560x128xi32, #tpu.memory_space<hbm>> -> memref<1x40x128xi32, #tpu.memory_space<hbm>>
      %dma_start3A_251 = tpu.memref_squeeze %dma_start3A_250 : memref<1x40x128xi32, #tpu.memory_space<hbm>> -> memref<40x128xi32, #tpu.memory_space<hbm>>
      %dma_start3A_252 = arith.constant 0 : i32
      %dma_start3A_253 = tpu.memref_slice %arg3[%run_scoped3A_128, %add3A_126, %dma_start3A_252] : memref<2x2560x128xi32, #tpu.memory_space<hbm>> -> memref<1x40x128xi32, #tpu.memory_space<hbm>>
      %dma_start3A_254 = tpu.memref_squeeze %dma_start3A_253 : memref<1x40x128xi32, #tpu.memory_space<hbm>> -> memref<40x128xi32, #tpu.memory_space<hbm>>
      tpu.enqueue_dma source(%dma_start3A_254 : memref<40x128xi32, #tpu.memory_space<hbm>>) target(%arg8 : memref<40x128xi32, #tpu.memory_space<vmem>>) target_semaphore(%run_scoped3A_248 : memref<!tpu.dma_semaphore, #tpu.memory_space<semaphore_mem>>)
      %dma_wait3A_255 = arith.constant 0 : i32
      %dma_wait3A_256 = tpu.memref_slice %arg3[%run_scoped3A_128, %add3A_126, %dma_wait3A_255] : memref<2x2560x128xi32, #tpu.memory_space<hbm>> -> memref<1x40x128xi32, #tpu.memory_space<hbm>>
      %dma_wait3A_257 = tpu.memref_squeeze %dma_wait3A_256 : memref<1x40x128xi32, #tpu.memory_space<hbm>> -> memref<40x128xi32, #tpu.memory_space<hbm>>
      %dma_wait3A_258 = arith.constant 0 : i32
      %dma_wait3A_259 = tpu.memref_slice %arg3[%run_scoped3A_128, %add3A_126, %dma_wait3A_258] : memref<2x2560x128xi32, #tpu.memory_space<hbm>> -> memref<1x40x128xi32, #tpu.memory_space<hbm>>
      %dma_wait3A_260 = tpu.memref_squeeze %dma_wait3A_259 : memref<1x40x128xi32, #tpu.memory_space<hbm>> -> memref<40x128xi32, #tpu.memory_space<hbm>>
      tpu.wait_dma2 semaphore(%run_scoped3A_248 : memref<!tpu.dma_semaphore, #tpu.memory_space<semaphore_mem>>) src(%dma_wait3A_260 : memref<40x128xi32, #tpu.memory_space<hbm>>) dst(%arg8 : memref<40x128xi32, #tpu.memory_space<vmem>>)
      tpu.yield
    }) : () -> ()
    %dma_start3A_129 = arith.constant 0 : i32
    %dma_start3A_130 = arith.constant 0 : i32
    %dma_start3A_131 = tpu.memref_slice %arg7[%dma_start3A_129, %dma_start3A_130] : memref<40x128xi32, #tpu.memory_space<vmem>> -> memref<1x128xi32, #tpu.memory_space<vmem>>
    %dma_start3A_132 = tpu.memref_squeeze %dma_start3A_131 : memref<1x128xi32, #tpu.memory_space<vmem>> -> memref<128xi32, #tpu.memory_space<vmem>>
    %dma_start3A_133 = arith.constant 0 : i32
    %dma_start3A_134 = arith.constant 0 : i32
    %dma_start3A_135 = tpu.memref_slice %arg6[%dma_start3A_133, %dma_start3A_134] : memref<10240x64xf32, #tpu.memory_space<vmem_shared>> -> memref<10240x64xf32, #tpu.memory_space<vmem_shared>>
    tpu.enqueue_indirect_dma source(%dma_start3A_135 : memref<10240x64xf32, #tpu.memory_space<vmem_shared>>) target(%arg9 : memref<128x64xf32, #tpu.memory_space<vmem>>) offsets(%dma_start3A_132 : memref<128xi32, #tpu.memory_space<vmem>>) semaphore(%arg13 : memref<!tpu.dma_semaphore, #tpu.memory_space<semaphore_mem>>)
    %dma_start3A_136 = arith.constant 1 : i32
    %dma_start3A_137 = arith.constant 0 : i32
    %dma_start3A_138 = tpu.memref_slice %arg7[%dma_start3A_136, %dma_start3A_137] : memref<40x128xi32, #tpu.memory_space<vmem>> -> memref<1x128xi32, #tpu.memory_space<vmem>>
    %dma_start3A_139 = tpu.memref_squeeze %dma_start3A_138 : memref<1x128xi32, #tpu.memory_space<vmem>> -> memref<128xi32, #tpu.memory_space<vmem>>
    %dma_start3A_140 = arith.constant 0 : i32
    %dma_start3A_141 = arith.constant 0 : i32
    %dma_start3A_142 = tpu.memref_slice %arg6[%dma_start3A_140, %dma_start3A_141] : memref<10240x64xf32, #tpu.memory_space<vmem_shared>> -> memref<10240x64xf32, #tpu.memory_space<vmem_shared>>
    tpu.enqueue_indirect_dma source(%dma_start3A_142 : memref<10240x64xf32, #tpu.memory_space<vmem_shared>>) target(%arg10 : memref<128x64xf32, #tpu.memory_space<vmem>>) offsets(%dma_start3A_139 : memref<128xi32, #tpu.memory_space<vmem>>) semaphore(%arg14 : memref<!tpu.dma_semaphore, #tpu.memory_space<semaphore_mem>>)
    %dma_wait3A_143 = arith.constant 0 : i32
    %dma_wait3A_144 = arith.constant 0 : i32
    %dma_wait3A_145 = tpu.memref_slice %arg7[%dma_wait3A_143, %dma_wait3A_144] : memref<40x128xi32, #tpu.memory_space<vmem>> -> memref<1x128xi32, #tpu.memory_space<vmem>>
    %dma_wait3A_146 = tpu.memref_squeeze %dma_wait3A_145 : memref<1x128xi32, #tpu.memory_space<vmem>> -> memref<128xi32, #tpu.memory_space<vmem>>
    %dma_wait3A_147 = arith.constant 0 : i32
    %dma_wait3A_148 = arith.constant 0 : i32
    %dma_wait3A_149 = tpu.memref_slice %arg6[%dma_wait3A_147, %dma_wait3A_148] : memref<10240x64xf32, #tpu.memory_space<vmem_shared>> -> memref<10240x64xf32, #tpu.memory_space<vmem_shared>>
    tpu.wait_indirect_dma semaphore(%arg13 : memref<!tpu.dma_semaphore, #tpu.memory_space<semaphore_mem>>) src(%dma_wait3A_149 : memref<10240x64xf32, #tpu.memory_space<vmem_shared>>) dst(%arg9 : memref<128x64xf32, #tpu.memory_space<vmem>>)
    %dma_start3A_150 = arith.constant 0 : i32
    %dma_start3A_151 = arith.constant 0 : i32
    %dma_start3A_152 = tpu.memref_slice %arg8[%dma_start3A_150, %dma_start3A_151] : memref<40x128xi32, #tpu.memory_space<vmem>> -> memref<1x128xi32, #tpu.memory_space<vmem>>
    %dma_start3A_153 = tpu.memref_squeeze %dma_start3A_152 : memref<1x128xi32, #tpu.memory_space<vmem>> -> memref<128xi32, #tpu.memory_space<vmem>>
    %dma_start3A_154 = arith.constant 0 : i32
    %dma_start3A_155 = arith.constant 0 : i32
    %dma_start3A_156 = tpu.memref_slice %arg5[%dma_start3A_154, %dma_start3A_155] : memref<10240x64xf32, #tpu.memory_space<vmem_shared>> -> memref<10240x64xf32, #tpu.memory_space<vmem_shared>>
    tpu.enqueue_indirect_dma source(%arg9 : memref<128x64xf32, #tpu.memory_space<vmem>>) target(%dma_start3A_156 : memref<10240x64xf32, #tpu.memory_space<vmem_shared>>) offsets(%dma_start3A_153 : memref<128xi32, #tpu.memory_space<vmem>>) semaphore(%arg13 : memref<!tpu.dma_semaphore, #tpu.memory_space<semaphore_mem>>) {add = true}
    %dma_start3A_157 = arith.constant 2 : i32
    %dma_start3A_158 = arith.constant 0 : i32
    %dma_start3A_159 = tpu.memref_slice %arg7[%dma_start3A_157, %dma_start3A_158] : memref<40x128xi32, #tpu.memory_space<vmem>> -> memref<1x128xi32, #tpu.memory_space<vmem>>
    %dma_start3A_160 = tpu.memref_squeeze %dma_start3A_159 : memref<1x128xi32, #tpu.memory_space<vmem>> -> memref<128xi32, #tpu.memory_space<vmem>>
    %dma_start3A_161 = arith.constant 0 : i32
    %dma_start3A_162 = arith.constant 0 : i32
    %dma_start3A_163 = tpu.memref_slice %arg6[%dma_start3A_161, %dma_start3A_162] : memref<10240x64xf32, #tpu.memory_space<vmem_shared>> -> memref<10240x64xf32, #tpu.memory_space<vmem_shared>>
    tpu.enqueue_indirect_dma source(%dma_start3A_163 : memref<10240x64xf32, #tpu.memory_space<vmem_shared>>) target(%arg11 : memref<128x64xf32, #tpu.memory_space<vmem>>) offsets(%dma_start3A_160 : memref<128xi32, #tpu.memory_space<vmem>>) semaphore(%arg15 : memref<!tpu.dma_semaphore, #tpu.memory_space<semaphore_mem>>)
    %dma_wait3A_164 = arith.constant 1 : i32
    %dma_wait3A_165 = arith.constant 0 : i32
    %dma_wait3A_166 = tpu.memref_slice %arg7[%dma_wait3A_164, %dma_wait3A_165] : memref<40x128xi32, #tpu.memory_space<vmem>> -> memref<1x128xi32, #tpu.memory_space<vmem>>
    %dma_wait3A_167 = tpu.memref_squeeze %dma_wait3A_166 : memref<1x128xi32, #tpu.memory_space<vmem>> -> memref<128xi32, #tpu.memory_space<vmem>>
    %dma_wait3A_168 = arith.constant 0 : i32
    %dma_wait3A_169 = arith.constant 0 : i32
    %dma_wait3A_170 = tpu.memref_slice %arg6[%dma_wait3A_168, %dma_wait3A_169] : memref<10240x64xf32, #tpu.memory_space<vmem_shared>> -> memref<10240x64xf32, #tpu.memory_space<vmem_shared>>
    tpu.wait_indirect_dma semaphore(%arg14 : memref<!tpu.dma_semaphore, #tpu.memory_space<semaphore_mem>>) src(%dma_wait3A_170 : memref<10240x64xf32, #tpu.memory_space<vmem_shared>>) dst(%arg10 : memref<128x64xf32, #tpu.memory_space<vmem>>)
    %dma_start3A_171 = arith.constant 1 : i32
    %dma_start3A_172 = arith.constant 0 : i32
    %dma_start3A_173 = tpu.memref_slice %arg8[%dma_start3A_171, %dma_start3A_172] : memref<40x128xi32, #tpu.memory_space<vmem>> -> memref<1x128xi32, #tpu.memory_space<vmem>>
    %dma_start3A_174 = tpu.memref_squeeze %dma_start3A_173 : memref<1x128xi32, #tpu.memory_space<vmem>> -> memref<128xi32, #tpu.memory_space<vmem>>
    %dma_start3A_175 = arith.constant 0 : i32
    %dma_start3A_176 = arith.constant 0 : i32
    %dma_start3A_177 = tpu.memref_slice %arg5[%dma_start3A_175, %dma_start3A_176] : memref<10240x64xf32, #tpu.memory_space<vmem_shared>> -> memref<10240x64xf32, #tpu.memory_space<vmem_shared>>
    tpu.enqueue_indirect_dma source(%arg10 : memref<128x64xf32, #tpu.memory_space<vmem>>) target(%dma_start3A_177 : memref<10240x64xf32, #tpu.memory_space<vmem_shared>>) offsets(%dma_start3A_174 : memref<128xi32, #tpu.memory_space<vmem>>) semaphore(%arg14 : memref<!tpu.dma_semaphore, #tpu.memory_space<semaphore_mem>>) {add = true}
    %dma_start3A_178 = arith.constant 3 : i32
    %dma_start3A_179 = arith.constant 0 : i32
    %dma_start3A_180 = tpu.memref_slice %arg7[%dma_start3A_178, %dma_start3A_179] : memref<40x128xi32, #tpu.memory_space<vmem>> -> memref<1x128xi32, #tpu.memory_space<vmem>>
    %dma_start3A_181 = tpu.memref_squeeze %dma_start3A_180 : memref<1x128xi32, #tpu.memory_space<vmem>> -> memref<128xi32, #tpu.memory_space<vmem>>
    %dma_start3A_182 = arith.constant 0 : i32
    %dma_start3A_183 = arith.constant 0 : i32
    %dma_start3A_184 = tpu.memref_slice %arg6[%dma_start3A_182, %dma_start3A_183] : memref<10240x64xf32, #tpu.memory_space<vmem_shared>> -> memref<10240x64xf32, #tpu.memory_space<vmem_shared>>
    tpu.enqueue_indirect_dma source(%dma_start3A_184 : memref<10240x64xf32, #tpu.memory_space<vmem_shared>>) target(%arg12 : memref<128x64xf32, #tpu.memory_space<vmem>>) offsets(%dma_start3A_181 : memref<128xi32, #tpu.memory_space<vmem>>) semaphore(%arg16 : memref<!tpu.dma_semaphore, #tpu.memory_space<semaphore_mem>>)
    %scan3A_185 = arith.constant 0 : i32
    %scan3A_186 = arith.constant 0 : i32
    %scan3A_187 = arith.constant 9 : i32
    %scan3A_188 = arith.addi %scan3A_186, %scan3A_187 : i32
    %scan3A_189 = arith.constant 1 : i32
    scf.for %scan3A_248 = %scan3A_186 to %scan3A_188 step %scan3A_189  : i32 {
      %mul3A_249 = arith.constant 4 : i32
      %mul3A_250 = arith.muli %mul3A_249, %scan3A_248 : i32
      %add3A_251 = arith.constant 2 : i32
      %add3A_252 = arith.addi %mul3A_250, %add3A_251 : i32
      %add3A_253 = arith.constant 0 : i32
      %add3A_254 = arith.addi %add3A_252, %add3A_253 : i32
      %dma_wait3A_255 = arith.constant 0 : i32
      %dma_wait3A_256 = tpu.memref_slice %arg7[%add3A_254, %dma_wait3A_255] : memref<40x128xi32, #tpu.memory_space<vmem>> -> memref<1x128xi32, #tpu.memory_space<vmem>>
      %dma_wait3A_257 = tpu.memref_squeeze %dma_wait3A_256 : memref<1x128xi32, #tpu.memory_space<vmem>> -> memref<128xi32, #tpu.memory_space<vmem>>
      %dma_wait3A_258 = arith.constant 0 : i32
      %dma_wait3A_259 = arith.constant 0 : i32
      %dma_wait3A_260 = tpu.memref_slice %arg6[%dma_wait3A_258, %dma_wait3A_259] : memref<10240x64xf32, #tpu.memory_space<vmem_shared>> -> memref<10240x64xf32, #tpu.memory_space<vmem_shared>>
      tpu.wait_indirect_dma semaphore(%arg15 : memref<!tpu.dma_semaphore, #tpu.memory_space<semaphore_mem>>) src(%dma_wait3A_260 : memref<10240x64xf32, #tpu.memory_space<vmem_shared>>) dst(%arg11 : memref<128x64xf32, #tpu.memory_space<vmem>>)
      %dma_start3A_261 = arith.constant 0 : i32
      %dma_start3A_262 = tpu.memref_slice %arg8[%add3A_254, %dma_start3A_261] : memref<40x128xi32, #tpu.memory_space<vmem>> -> memref<1x128xi32, #tpu.memory_space<vmem>>
      %dma_start3A_263 = tpu.memref_squeeze %dma_start3A_262 : memref<1x128xi32, #tpu.memory_space<vmem>> -> memref<128xi32, #tpu.memory_space<vmem>>
      %dma_start3A_264 = arith.constant 0 : i32
      %dma_start3A_265 = arith.constant 0 : i32
      %dma_start3A_266 = tpu.memref_slice %arg5[%dma_start3A_264, %dma_start3A_265] : memref<10240x64xf32, #tpu.memory_space<vmem_shared>> -> memref<10240x64xf32, #tpu.memory_space<vmem_shared>>
      tpu.enqueue_indirect_dma source(%arg11 : memref<128x64xf32, #tpu.memory_space<vmem>>) target(%dma_start3A_266 : memref<10240x64xf32, #tpu.memory_space<vmem_shared>>) offsets(%dma_start3A_263 : memref<128xi32, #tpu.memory_space<vmem>>) semaphore(%arg15 : memref<!tpu.dma_semaphore, #tpu.memory_space<semaphore_mem>>) {add = true}
      %sub3A = arith.constant 2 : i32
      %sub3A_267 = arith.subi %add3A_254, %sub3A : i32
      %dma_wait3A_268 = arith.constant 0 : i32
      %dma_wait3A_269 = tpu.memref_slice %arg8[%sub3A_267, %dma_wait3A_268] : memref<40x128xi32, #tpu.memory_space<vmem>> -> memref<1x128xi32, #tpu.memory_space<vmem>>
      %dma_wait3A_270 = tpu.memref_squeeze %dma_wait3A_269 : memref<1x128xi32, #tpu.memory_space<vmem>> -> memref<128xi32, #tpu.memory_space<vmem>>
      %dma_wait3A_271 = arith.constant 0 : i32
      %dma_wait3A_272 = arith.constant 0 : i32
      %dma_wait3A_273 = tpu.memref_slice %arg5[%dma_wait3A_271, %dma_wait3A_272] : memref<10240x64xf32, #tpu.memory_space<vmem_shared>> -> memref<10240x64xf32, #tpu.memory_space<vmem_shared>>
      tpu.wait_indirect_dma semaphore(%arg13 : memref<!tpu.dma_semaphore, #tpu.memory_space<semaphore_mem>>) src(%arg9 : memref<128x64xf32, #tpu.memory_space<vmem>>) dst(%dma_wait3A_273 : memref<10240x64xf32, #tpu.memory_space<vmem_shared>>)
      %add3A_274 = arith.constant 2 : i32
      %add3A_275 = arith.addi %add3A_254, %add3A_274 : i32
      %dma_start3A_276 = arith.constant 0 : i32
      %dma_start3A_277 = tpu.memref_slice %arg7[%add3A_275, %dma_start3A_276] : memref<40x128xi32, #tpu.memory_space<vmem>> -> memref<1x128xi32, #tpu.memory_space<vmem>>
      %dma_start3A_278 = tpu.memref_squeeze %dma_start3A_277 : memref<1x128xi32, #tpu.memory_space<vmem>> -> memref<128xi32, #tpu.memory_space<vmem>>
      %dma_start3A_279 = arith.constant 0 : i32
      %dma_start3A_280 = arith.constant 0 : i32
      %dma_start3A_281 = tpu.memref_slice %arg6[%dma_start3A_279, %dma_start3A_280] : memref<10240x64xf32, #tpu.memory_space<vmem_shared>> -> memref<10240x64xf32, #tpu.memory_space<vmem_shared>>
      tpu.enqueue_indirect_dma source(%dma_start3A_281 : memref<10240x64xf32, #tpu.memory_space<vmem_shared>>) target(%arg9 : memref<128x64xf32, #tpu.memory_space<vmem>>) offsets(%dma_start3A_278 : memref<128xi32, #tpu.memory_space<vmem>>) semaphore(%arg13 : memref<!tpu.dma_semaphore, #tpu.memory_space<semaphore_mem>>)
      %add3A_282 = arith.constant 1 : i32
      %add3A_283 = arith.addi %add3A_252, %add3A_282 : i32
      %dma_wait3A_284 = arith.constant 0 : i32
      %dma_wait3A_285 = tpu.memref_slice %arg7[%add3A_283, %dma_wait3A_284] : memref<40x128xi32, #tpu.memory_space<vmem>> -> memref<1x128xi32, #tpu.memory_space<vmem>>
      %dma_wait3A_286 = tpu.memref_squeeze %dma_wait3A_285 : memref<1x128xi32, #tpu.memory_space<vmem>> -> memref<128xi32, #tpu.memory_space<vmem>>
      %dma_wait3A_287 = arith.constant 0 : i32
      %dma_wait3A_288 = arith.constant 0 : i32
      %dma_wait3A_289 = tpu.memref_slice %arg6[%dma_wait3A_287, %dma_wait3A_288] : memref<10240x64xf32, #tpu.memory_space<vmem_shared>> -> memref<10240x64xf32, #tpu.memory_space<vmem_shared>>
      tpu.wait_indirect_dma semaphore(%arg16 : memref<!tpu.dma_semaphore, #tpu.memory_space<semaphore_mem>>) src(%dma_wait3A_289 : memref<10240x64xf32, #tpu.memory_space<vmem_shared>>) dst(%arg12 : memref<128x64xf32, #tpu.memory_space<vmem>>)
      %dma_start3A_290 = arith.constant 0 : i32
      %dma_start3A_291 = tpu.memref_slice %arg8[%add3A_283, %dma_start3A_290] : memref<40x128xi32, #tpu.memory_space<vmem>> -> memref<1x128xi32, #tpu.memory_space<vmem>>
      %dma_start3A_292 = tpu.memref_squeeze %dma_start3A_291 : memref<1x128xi32, #tpu.memory_space<vmem>> -> memref<128xi32, #tpu.memory_space<vmem>>
      %dma_start3A_293 = arith.constant 0 : i32
      %dma_start3A_294 = arith.constant 0 : i32
      %dma_start3A_295 = tpu.memref_slice %arg5[%dma_start3A_293, %dma_start3A_294] : memref<10240x64xf32, #tpu.memory_space<vmem_shared>> -> memref<10240x64xf32, #tpu.memory_space<vmem_shared>>
      tpu.enqueue_indirect_dma source(%arg12 : memref<128x64xf32, #tpu.memory_space<vmem>>) target(%dma_start3A_295 : memref<10240x64xf32, #tpu.memory_space<vmem_shared>>) offsets(%dma_start3A_292 : memref<128xi32, #tpu.memory_space<vmem>>) semaphore(%arg16 : memref<!tpu.dma_semaphore, #tpu.memory_space<semaphore_mem>>) {add = true}
      %sub3A_296 = arith.constant 2 : i32
      %sub3A_297 = arith.subi %add3A_283, %sub3A_296 : i32
      %dma_wait3A_298 = arith.constant 0 : i32
      %dma_wait3A_299 = tpu.memref_slice %arg8[%sub3A_297, %dma_wait3A_298] : memref<40x128xi32, #tpu.memory_space<vmem>> -> memref<1x128xi32, #tpu.memory_space<vmem>>
      %dma_wait3A_300 = tpu.memref_squeeze %dma_wait3A_299 : memref<1x128xi32, #tpu.memory_space<vmem>> -> memref<128xi32, #tpu.memory_space<vmem>>
      %dma_wait3A_301 = arith.constant 0 : i32
      %dma_wait3A_302 = arith.constant 0 : i32
      %dma_wait3A_303 = tpu.memref_slice %arg5[%dma_wait3A_301, %dma_wait3A_302] : memref<10240x64xf32, #tpu.memory_space<vmem_shared>> -> memref<10240x64xf32, #tpu.memory_space<vmem_shared>>
      tpu.wait_indirect_dma semaphore(%arg14 : memref<!tpu.dma_semaphore, #tpu.memory_space<semaphore_mem>>) src(%arg10 : memref<128x64xf32, #tpu.memory_space<vmem>>) dst(%dma_wait3A_303 : memref<10240x64xf32, #tpu.memory_space<vmem_shared>>)
      %add3A_304 = arith.constant 2 : i32
      %add3A_305 = arith.addi %add3A_283, %add3A_304 : i32
      %dma_start3A_306 = arith.constant 0 : i32
      %dma_start3A_307 = tpu.memref_slice %arg7[%add3A_305, %dma_start3A_306] : memref<40x128xi32, #tpu.memory_space<vmem>> -> memref<1x128xi32, #tpu.memory_space<vmem>>
      %dma_start3A_308 = tpu.memref_squeeze %dma_start3A_307 : memref<1x128xi32, #tpu.memory_space<vmem>> -> memref<128xi32, #tpu.memory_space<vmem>>
      %dma_start3A_309 = arith.constant 0 : i32
      %dma_start3A_310 = arith.constant 0 : i32
      %dma_start3A_311 = tpu.memref_slice %arg6[%dma_start3A_309, %dma_start3A_310] : memref<10240x64xf32, #tpu.memory_space<vmem_shared>> -> memref<10240x64xf32, #tpu.memory_space<vmem_shared>>
      tpu.enqueue_indirect_dma source(%dma_start3A_311 : memref<10240x64xf32, #tpu.memory_space<vmem_shared>>) target(%arg10 : memref<128x64xf32, #tpu.memory_space<vmem>>) offsets(%dma_start3A_308 : memref<128xi32, #tpu.memory_space<vmem>>) semaphore(%arg14 : memref<!tpu.dma_semaphore, #tpu.memory_space<semaphore_mem>>)
      %add3A_312 = arith.constant 2 : i32
      %add3A_313 = arith.addi %add3A_252, %add3A_312 : i32
      %dma_wait3A_314 = arith.constant 0 : i32
      %dma_wait3A_315 = tpu.memref_slice %arg7[%add3A_313, %dma_wait3A_314] : memref<40x128xi32, #tpu.memory_space<vmem>> -> memref<1x128xi32, #tpu.memory_space<vmem>>
      %dma_wait3A_316 = tpu.memref_squeeze %dma_wait3A_315 : memref<1x128xi32, #tpu.memory_space<vmem>> -> memref<128xi32, #tpu.memory_space<vmem>>
      %dma_wait3A_317 = arith.constant 0 : i32
      %dma_wait3A_318 = arith.constant 0 : i32
      %dma_wait3A_319 = tpu.memref_slice %arg6[%dma_wait3A_317, %dma_wait3A_318] : memref<10240x64xf32, #tpu.memory_space<vmem_shared>> -> memref<10240x64xf32, #tpu.memory_space<vmem_shared>>
      tpu.wait_indirect_dma semaphore(%arg13 : memref<!tpu.dma_semaphore, #tpu.memory_space<semaphore_mem>>) src(%dma_wait3A_319 : memref<10240x64xf32, #tpu.memory_space<vmem_shared>>) dst(%arg9 : memref<128x64xf32, #tpu.memory_space<vmem>>)
      %dma_start3A_320 = arith.constant 0 : i32
      %dma_start3A_321 = tpu.memref_slice %arg8[%add3A_313, %dma_start3A_320] : memref<40x128xi32, #tpu.memory_space<vmem>> -> memref<1x128xi32, #tpu.memory_space<vmem>>
      %dma_start3A_322 = tpu.memref_squeeze %dma_start3A_321 : memref<1x128xi32, #tpu.memory_space<vmem>> -> memref<128xi32, #tpu.memory_space<vmem>>
      %dma_start3A_323 = arith.constant 0 : i32
      %dma_start3A_324 = arith.constant 0 : i32
      %dma_start3A_325 = tpu.memref_slice %arg5[%dma_start3A_323, %dma_start3A_324] : memref<10240x64xf32, #tpu.memory_space<vmem_shared>> -> memref<10240x64xf32, #tpu.memory_space<vmem_shared>>
      tpu.enqueue_indirect_dma source(%arg9 : memref<128x64xf32, #tpu.memory_space<vmem>>) target(%dma_start3A_325 : memref<10240x64xf32, #tpu.memory_space<vmem_shared>>) offsets(%dma_start3A_322 : memref<128xi32, #tpu.memory_space<vmem>>) semaphore(%arg13 : memref<!tpu.dma_semaphore, #tpu.memory_space<semaphore_mem>>) {add = true}
      %sub3A_326 = arith.constant 2 : i32
      %sub3A_327 = arith.subi %add3A_313, %sub3A_326 : i32
      %dma_wait3A_328 = arith.constant 0 : i32
      %dma_wait3A_329 = tpu.memref_slice %arg8[%sub3A_327, %dma_wait3A_328] : memref<40x128xi32, #tpu.memory_space<vmem>> -> memref<1x128xi32, #tpu.memory_space<vmem>>
      %dma_wait3A_330 = tpu.memref_squeeze %dma_wait3A_329 : memref<1x128xi32, #tpu.memory_space<vmem>> -> memref<128xi32, #tpu.memory_space<vmem>>
      %dma_wait3A_331 = arith.constant 0 : i32
      %dma_wait3A_332 = arith.constant 0 : i32
      %dma_wait3A_333 = tpu.memref_slice %arg5[%dma_wait3A_331, %dma_wait3A_332] : memref<10240x64xf32, #tpu.memory_space<vmem_shared>> -> memref<10240x64xf32, #tpu.memory_space<vmem_shared>>
      tpu.wait_indirect_dma semaphore(%arg15 : memref<!tpu.dma_semaphore, #tpu.memory_space<semaphore_mem>>) src(%arg11 : memref<128x64xf32, #tpu.memory_space<vmem>>) dst(%dma_wait3A_333 : memref<10240x64xf32, #tpu.memory_space<vmem_shared>>)
      %add3A_334 = arith.constant 2 : i32
      %add3A_335 = arith.addi %add3A_313, %add3A_334 : i32
      %dma_start3A_336 = arith.constant 0 : i32
      %dma_start3A_337 = tpu.memref_slice %arg7[%add3A_335, %dma_start3A_336] : memref<40x128xi32, #tpu.memory_space<vmem>> -> memref<1x128xi32, #tpu.memory_space<vmem>>
      %dma_start3A_338 = tpu.memref_squeeze %dma_start3A_337 : memref<1x128xi32, #tpu.memory_space<vmem>> -> memref<128xi32, #tpu.memory_space<vmem>>
      %dma_start3A_339 = arith.constant 0 : i32
      %dma_start3A_340 = arith.constant 0 : i32
      %dma_start3A_341 = tpu.memref_slice %arg6[%dma_start3A_339, %dma_start3A_340] : memref<10240x64xf32, #tpu.memory_space<vmem_shared>> -> memref<10240x64xf32, #tpu.memory_space<vmem_shared>>
      tpu.enqueue_indirect_dma source(%dma_start3A_341 : memref<10240x64xf32, #tpu.memory_space<vmem_shared>>) target(%arg11 : memref<128x64xf32, #tpu.memory_space<vmem>>) offsets(%dma_start3A_338 : memref<128xi32, #tpu.memory_space<vmem>>) semaphore(%arg15 : memref<!tpu.dma_semaphore, #tpu.memory_space<semaphore_mem>>)
      %add3A_342 = arith.constant 3 : i32
      %add3A_343 = arith.addi %add3A_252, %add3A_342 : i32
      %dma_wait3A_344 = arith.constant 0 : i32
      %dma_wait3A_345 = tpu.memref_slice %arg7[%add3A_343, %dma_wait3A_344] : memref<40x128xi32, #tpu.memory_space<vmem>> -> memref<1x128xi32, #tpu.memory_space<vmem>>
      %dma_wait3A_346 = tpu.memref_squeeze %dma_wait3A_345 : memref<1x128xi32, #tpu.memory_space<vmem>> -> memref<128xi32, #tpu.memory_space<vmem>>
      %dma_wait3A_347 = arith.constant 0 : i32
      %dma_wait3A_348 = arith.constant 0 : i32
      %dma_wait3A_349 = tpu.memref_slice %arg6[%dma_wait3A_347, %dma_wait3A_348] : memref<10240x64xf32, #tpu.memory_space<vmem_shared>> -> memref<10240x64xf32, #tpu.memory_space<vmem_shared>>
      tpu.wait_indirect_dma semaphore(%arg14 : memref<!tpu.dma_semaphore, #tpu.memory_space<semaphore_mem>>) src(%dma_wait3A_349 : memref<10240x64xf32, #tpu.memory_space<vmem_shared>>) dst(%arg10 : memref<128x64xf32, #tpu.memory_space<vmem>>)
      %dma_start3A_350 = arith.constant 0 : i32
      %dma_start3A_351 = tpu.memref_slice %arg8[%add3A_343, %dma_start3A_350] : memref<40x128xi32, #tpu.memory_space<vmem>> -> memref<1x128xi32, #tpu.memory_space<vmem>>
      %dma_start3A_352 = tpu.memref_squeeze %dma_start3A_351 : memref<1x128xi32, #tpu.memory_space<vmem>> -> memref<128xi32, #tpu.memory_space<vmem>>
      %dma_start3A_353 = arith.constant 0 : i32
      %dma_start3A_354 = arith.constant 0 : i32
      %dma_start3A_355 = tpu.memref_slice %arg5[%dma_start3A_353, %dma_start3A_354] : memref<10240x64xf32, #tpu.memory_space<vmem_shared>> -> memref<10240x64xf32, #tpu.memory_space<vmem_shared>>
      tpu.enqueue_indirect_dma source(%arg10 : memref<128x64xf32, #tpu.memory_space<vmem>>) target(%dma_start3A_355 : memref<10240x64xf32, #tpu.memory_space<vmem_shared>>) offsets(%dma_start3A_352 : memref<128xi32, #tpu.memory_space<vmem>>) semaphore(%arg14 : memref<!tpu.dma_semaphore, #tpu.memory_space<semaphore_mem>>) {add = true}
      %sub3A_356 = arith.constant 2 : i32
      %sub3A_357 = arith.subi %add3A_343, %sub3A_356 : i32
      %dma_wait3A_358 = arith.constant 0 : i32
      %dma_wait3A_359 = tpu.memref_slice %arg8[%sub3A_357, %dma_wait3A_358] : memref<40x128xi32, #tpu.memory_space<vmem>> -> memref<1x128xi32, #tpu.memory_space<vmem>>
      %dma_wait3A_360 = tpu.memref_squeeze %dma_wait3A_359 : memref<1x128xi32, #tpu.memory_space<vmem>> -> memref<128xi32, #tpu.memory_space<vmem>>
      %dma_wait3A_361 = arith.constant 0 : i32
      %dma_wait3A_362 = arith.constant 0 : i32
      %dma_wait3A_363 = tpu.memref_slice %arg5[%dma_wait3A_361, %dma_wait3A_362] : memref<10240x64xf32, #tpu.memory_space<vmem_shared>> -> memref<10240x64xf32, #tpu.memory_space<vmem_shared>>
      tpu.wait_indirect_dma semaphore(%arg16 : memref<!tpu.dma_semaphore, #tpu.memory_space<semaphore_mem>>) src(%arg12 : memref<128x64xf32, #tpu.memory_space<vmem>>) dst(%dma_wait3A_363 : memref<10240x64xf32, #tpu.memory_space<vmem_shared>>)
      %add3A_364 = arith.constant 2 : i32
      %add3A_365 = arith.addi %add3A_343, %add3A_364 : i32
      %dma_start3A_366 = arith.constant 0 : i32
      %dma_start3A_367 = tpu.memref_slice %arg7[%add3A_365, %dma_start3A_366] : memref<40x128xi32, #tpu.memory_space<vmem>> -> memref<1x128xi32, #tpu.memory_space<vmem>>
      %dma_start3A_368 = tpu.memref_squeeze %dma_start3A_367 : memref<1x128xi32, #tpu.memory_space<vmem>> -> memref<128xi32, #tpu.memory_space<vmem>>
      %dma_start3A_369 = arith.constant 0 : i32
      %dma_start3A_370 = arith.constant 0 : i32
      %dma_start3A_371 = tpu.memref_slice %arg6[%dma_start3A_369, %dma_start3A_370] : memref<10240x64xf32, #tpu.memory_space<vmem_shared>> -> memref<10240x64xf32, #tpu.memory_space<vmem_shared>>
      tpu.enqueue_indirect_dma source(%dma_start3A_371 : memref<10240x64xf32, #tpu.memory_space<vmem_shared>>) target(%arg12 : memref<128x64xf32, #tpu.memory_space<vmem>>) offsets(%dma_start3A_368 : memref<128xi32, #tpu.memory_space<vmem>>) semaphore(%arg16 : memref<!tpu.dma_semaphore, #tpu.memory_space<semaphore_mem>>)
    }
    %scan3A_190 = arith.constant 9 : i32
    %dma_wait3A_191 = arith.constant 38 : i32
    %dma_wait3A_192 = arith.constant 0 : i32
    %dma_wait3A_193 = tpu.memref_slice %arg7[%dma_wait3A_191, %dma_wait3A_192] : memref<40x128xi32, #tpu.memory_space<vmem>> -> memref<1x128xi32, #tpu.memory_space<vmem>>
    %dma_wait3A_194 = tpu.memref_squeeze %dma_wait3A_193 : memref<1x128xi32, #tpu.memory_space<vmem>> -> memref<128xi32, #tpu.memory_space<vmem>>
    %dma_wait3A_195 = arith.constant 0 : i32
    %dma_wait3A_196 = arith.constant 0 : i32
    %dma_wait3A_197 = tpu.memref_slice %arg6[%dma_wait3A_195, %dma_wait3A_196] : memref<10240x64xf32, #tpu.memory_space<vmem_shared>> -> memref<10240x64xf32, #tpu.memory_space<vmem_shared>>
    tpu.wait_indirect_dma semaphore(%arg15 : memref<!tpu.dma_semaphore, #tpu.memory_space<semaphore_mem>>) src(%dma_wait3A_197 : memref<10240x64xf32, #tpu.memory_space<vmem_shared>>) dst(%arg11 : memref<128x64xf32, #tpu.memory_space<vmem>>)
    %dma_start3A_198 = arith.constant 38 : i32
    %dma_start3A_199 = arith.constant 0 : i32
    %dma_start3A_200 = tpu.memref_slice %arg8[%dma_start3A_198, %dma_start3A_199] : memref<40x128xi32, #tpu.memory_space<vmem>> -> memref<1x128xi32, #tpu.memory_space<vmem>>
    %dma_start3A_201 = tpu.memref_squeeze %dma_start3A_200 : memref<1x128xi32, #tpu.memory_space<vmem>> -> memref<128xi32, #tpu.memory_space<vmem>>
    %dma_start3A_202 = arith.constant 0 : i32
    %dma_start3A_203 = arith.constant 0 : i32
    %dma_start3A_204 = tpu.memref_slice %arg5[%dma_start3A_202, %dma_start3A_203] : memref<10240x64xf32, #tpu.memory_space<vmem_shared>> -> memref<10240x64xf32, #tpu.memory_space<vmem_shared>>
    tpu.enqueue_indirect_dma source(%arg11 : memref<128x64xf32, #tpu.memory_space<vmem>>) target(%dma_start3A_204 : memref<10240x64xf32, #tpu.memory_space<vmem_shared>>) offsets(%dma_start3A_201 : memref<128xi32, #tpu.memory_space<vmem>>) semaphore(%arg15 : memref<!tpu.dma_semaphore, #tpu.memory_space<semaphore_mem>>) {add = true}
    %dma_wait3A_205 = arith.constant 36 : i32
    %dma_wait3A_206 = arith.constant 0 : i32
    %dma_wait3A_207 = tpu.memref_slice %arg8[%dma_wait3A_205, %dma_wait3A_206] : memref<40x128xi32, #tpu.memory_space<vmem>> -> memref<1x128xi32, #tpu.memory_space<vmem>>
    %dma_wait3A_208 = tpu.memref_squeeze %dma_wait3A_207 : memref<1x128xi32, #tpu.memory_space<vmem>> -> memref<128xi32, #tpu.memory_space<vmem>>
    %dma_wait3A_209 = arith.constant 0 : i32
    %dma_wait3A_210 = arith.constant 0 : i32
    %dma_wait3A_211 = tpu.memref_slice %arg5[%dma_wait3A_209, %dma_wait3A_210] : memref<10240x64xf32, #tpu.memory_space<vmem_shared>> -> memref<10240x64xf32, #tpu.memory_space<vmem_shared>>
    tpu.wait_indirect_dma semaphore(%arg13 : memref<!tpu.dma_semaphore, #tpu.memory_space<semaphore_mem>>) src(%arg9 : memref<128x64xf32, #tpu.memory_space<vmem>>) dst(%dma_wait3A_211 : memref<10240x64xf32, #tpu.memory_space<vmem_shared>>)
    %dma_wait3A_212 = arith.constant 39 : i32
    %dma_wait3A_213 = arith.constant 0 : i32
    %dma_wait3A_214 = tpu.memref_slice %arg7[%dma_wait3A_212, %dma_wait3A_213] : memref<40x128xi32, #tpu.memory_space<vmem>> -> memref<1x128xi32, #tpu.memory_space<vmem>>
    %dma_wait3A_215 = tpu.memref_squeeze %dma_wait3A_214 : memref<1x128xi32, #tpu.memory_space<vmem>> -> memref<128xi32, #tpu.memory_space<vmem>>
    %dma_wait3A_216 = arith.constant 0 : i32
    %dma_wait3A_217 = arith.constant 0 : i32
    %dma_wait3A_218 = tpu.memref_slice %arg6[%dma_wait3A_216, %dma_wait3A_217] : memref<10240x64xf32, #tpu.memory_space<vmem_shared>> -> memref<10240x64xf32, #tpu.memory_space<vmem_shared>>
    tpu.wait_indirect_dma semaphore(%arg16 : memref<!tpu.dma_semaphore, #tpu.memory_space<semaphore_mem>>) src(%dma_wait3A_218 : memref<10240x64xf32, #tpu.memory_space<vmem_shared>>) dst(%arg12 : memref<128x64xf32, #tpu.memory_space<vmem>>)
    %dma_start3A_219 = arith.constant 39 : i32
    %dma_start3A_220 = arith.constant 0 : i32
    %dma_start3A_221 = tpu.memref_slice %arg8[%dma_start3A_219, %dma_start3A_220] : memref<40x128xi32, #tpu.memory_space<vmem>> -> memref<1x128xi32, #tpu.memory_space<vmem>>
    %dma_start3A_222 = tpu.memref_squeeze %dma_start3A_221 : memref<1x128xi32, #tpu.memory_space<vmem>> -> memref<128xi32, #tpu.memory_space<vmem>>
    %dma_start3A_223 = arith.constant 0 : i32
    %dma_start3A_224 = arith.constant 0 : i32
    %dma_start3A_225 = tpu.memref_slice %arg5[%dma_start3A_223, %dma_start3A_224] : memref<10240x64xf32, #tpu.memory_space<vmem_shared>> -> memref<10240x64xf32, #tpu.memory_space<vmem_shared>>
    tpu.enqueue_indirect_dma source(%arg12 : memref<128x64xf32, #tpu.memory_space<vmem>>) target(%dma_start3A_225 : memref<10240x64xf32, #tpu.memory_space<vmem_shared>>) offsets(%dma_start3A_222 : memref<128xi32, #tpu.memory_space<vmem>>) semaphore(%arg16 : memref<!tpu.dma_semaphore, #tpu.memory_space<semaphore_mem>>) {add = true}
    %dma_wait3A_226 = arith.constant 37 : i32
    %dma_wait3A_227 = arith.constant 0 : i32
    %dma_wait3A_228 = tpu.memref_slice %arg8[%dma_wait3A_226, %dma_wait3A_227] : memref<40x128xi32, #tpu.memory_space<vmem>> -> memref<1x128xi32, #tpu.memory_space<vmem>>
    %dma_wait3A_229 = tpu.memref_squeeze %dma_wait3A_228 : memref<1x128xi32, #tpu.memory_space<vmem>> -> memref<128xi32, #tpu.memory_space<vmem>>
    %dma_wait3A_230 = arith.constant 0 : i32
    %dma_wait3A_231 = arith.constant 0 : i32
    %dma_wait3A_232 = tpu.memref_slice %arg5[%dma_wait3A_230, %dma_wait3A_231] : memref<10240x64xf32, #tpu.memory_space<vmem_shared>> -> memref<10240x64xf32, #tpu.memory_space<vmem_shared>>
    tpu.wait_indirect_dma semaphore(%arg14 : memref<!tpu.dma_semaphore, #tpu.memory_space<semaphore_mem>>) src(%arg10 : memref<128x64xf32, #tpu.memory_space<vmem>>) dst(%dma_wait3A_232 : memref<10240x64xf32, #tpu.memory_space<vmem_shared>>)
    %dma_wait3A_233 = arith.constant 38 : i32
    %dma_wait3A_234 = arith.constant 0 : i32
    %dma_wait3A_235 = tpu.memref_slice %arg8[%dma_wait3A_233, %dma_wait3A_234] : memref<40x128xi32, #tpu.memory_space<vmem>> -> memref<1x128xi32, #tpu.memory_space<vmem>>
    %dma_wait3A_236 = tpu.memref_squeeze %dma_wait3A_235 : memref<1x128xi32, #tpu.memory_space<vmem>> -> memref<128xi32, #tpu.memory_space<vmem>>
    %dma_wait3A_237 = arith.constant 0 : i32
    %dma_wait3A_238 = arith.constant 0 : i32
    %dma_wait3A_239 = tpu.memref_slice %arg5[%dma_wait3A_237, %dma_wait3A_238] : memref<10240x64xf32, #tpu.memory_space<vmem_shared>> -> memref<10240x64xf32, #tpu.memory_space<vmem_shared>>
    tpu.wait_indirect_dma semaphore(%arg15 : memref<!tpu.dma_semaphore, #tpu.memory_space<semaphore_mem>>) src(%arg11 : memref<128x64xf32, #tpu.memory_space<vmem>>) dst(%dma_wait3A_239 : memref<10240x64xf32, #tpu.memory_space<vmem_shared>>)
    %dma_wait3A_240 = arith.constant 39 : i32
    %dma_wait3A_241 = arith.constant 0 : i32
    %dma_wait3A_242 = tpu.memref_slice %arg8[%dma_wait3A_240, %dma_wait3A_241] : memref<40x128xi32, #tpu.memory_space<vmem>> -> memref<1x128xi32, #tpu.memory_space<vmem>>
    %dma_wait3A_243 = tpu.memref_squeeze %dma_wait3A_242 : memref<1x128xi32, #tpu.memory_space<vmem>> -> memref<128xi32, #tpu.memory_space<vmem>>
    %dma_wait3A_244 = arith.constant 0 : i32
    %dma_wait3A_245 = arith.constant 0 : i32
    %dma_wait3A_246 = tpu.memref_slice %arg5[%dma_wait3A_244, %dma_wait3A_245] : memref<10240x64xf32, #tpu.memory_space<vmem_shared>> -> memref<10240x64xf32, #tpu.memory_space<vmem_shared>>
    tpu.wait_indirect_dma semaphore(%arg16 : memref<!tpu.dma_semaphore, #tpu.memory_space<semaphore_mem>>) src(%arg12 : memref<128x64xf32, #tpu.memory_space<vmem>>) dst(%dma_wait3A_246 : memref<10240x64xf32, #tpu.memory_space<vmem_shared>>)
    %barrier3A_247 = arith.constant 0 : index
    tpu.barrier barrier_id(%barrier3A_247)
    "tpu.region"() ({
      %run_scoped3A_248 = tpu.sem_alloc : memref<!tpu.dma_semaphore, #tpu.memory_space<semaphore_mem>>
      %dma_start3A_249 = arith.constant 0 : i32
      %dma_start3A_250 = tpu.memref_slice %arg4[%arg0, %mul3A_2, %dma_start3A_249] : memref<2x10240x64xf32, #tpu.memory_space<hbm>> -> memref<1x640x64xf32, #tpu.memory_space<hbm>>
      %dma_start3A_251 = tpu.memref_squeeze %dma_start3A_250 : memref<1x640x64xf32, #tpu.memory_space<hbm>> -> memref<640x64xf32, #tpu.memory_space<hbm>>
      %dma_start3A_252 = arith.constant 0 : i32
      %dma_start3A_253 = tpu.memref_slice %arg5[%mul3A_2, %dma_start3A_252] : memref<10240x64xf32, #tpu.memory_space<vmem_shared>> -> memref<640x64xf32, #tpu.memory_space<vmem_shared>>
      tpu.enqueue_dma source(%dma_start3A_253 : memref<640x64xf32, #tpu.memory_space<vmem_shared>>) target(%dma_start3A_251 : memref<640x64xf32, #tpu.memory_space<hbm>>) target_semaphore(%run_scoped3A_248 : memref<!tpu.dma_semaphore, #tpu.memory_space<semaphore_mem>>)
      %dma_wait3A_254 = arith.constant 0 : i32
      %dma_wait3A_255 = tpu.memref_slice %arg4[%arg0, %mul3A_2, %dma_wait3A_254] : memref<2x10240x64xf32, #tpu.memory_space<hbm>> -> memref<1x640x64xf32, #tpu.memory_space<hbm>>
      %dma_wait3A_256 = tpu.memref_squeeze %dma_wait3A_255 : memref<1x640x64xf32, #tpu.memory_space<hbm>> -> memref<640x64xf32, #tpu.memory_space<hbm>>
      %dma_wait3A_257 = arith.constant 0 : i32
      %dma_wait3A_258 = tpu.memref_slice %arg5[%mul3A_2, %dma_wait3A_257] : memref<10240x64xf32, #tpu.memory_space<vmem_shared>> -> memref<640x64xf32, #tpu.memory_space<vmem_shared>>
      tpu.wait_dma2 semaphore(%run_scoped3A_248 : memref<!tpu.dma_semaphore, #tpu.memory_space<semaphore_mem>>) src(%dma_wait3A_258 : memref<640x64xf32, #tpu.memory_space<vmem_shared>>) dst(%dma_wait3A_256 : memref<640x64xf32, #tpu.memory_space<hbm>>)
      tpu.yield
    }) : () -> ()
    return
  }
}

#map = affine_map<(d0, d1) -> (0, 0, 0)>
#map1 = affine_map<(d0, d1) -> (0, 0)>
module attributes {stable_mosaic.version = 14 : i64} {
  func.func @_deg_kernel(%arg0: i32, %arg1: i32, %arg2: memref<2x2560x128xi32, #tpu.memory_space<hbm>>, %arg3: memref<2x10240xf32, #tpu.memory_space<hbm>>, %arg4: memref<10240xf32, #tpu.memory_space<vmem_shared>>, %arg5: memref<80x128xi32, #tpu.memory_space<vmem>>, %arg6: memref<128xf32, #tpu.memory_space<vmem>>, %arg7: memref<640xf32, #tpu.memory_space<vmem>>, %arg8: memref<!tpu.dma_semaphore, #tpu.memory_space<semaphore_mem>>) attributes {dimension_semantics = [#tpu.dimension_semantics<core_parallel>, #tpu.dimension_semantics<subcore_parallel>], iteration_bounds = array<i64: 2, 16>, scalar_prefetch = 0 : i64, scratch_operands = 5 : i64, tpu.core_type = #tpu.core_type<sc_vector_subcore>, window_params = [{transform_indices = #map}, {transform_indices = #map1}]} {
    %mul3A = arith.constant 16 : i32
    %mul3A_0 = arith.muli %arg0, %mul3A : i32
    %add3A = arith.addi %mul3A_0, %arg1 : i32
    %broadcast_in_dim3A = arith.constant 0.000000e+00 : f32
    %broadcast_in_dim3A_1 = vector.broadcast %broadcast_in_dim3A : f32 to vector<16xf32>
    %swap3A = arith.constant 0 : index
    %swap3A_2 = tpu.vector_load %arg7[%swap3A] {strides = array<i32>} : memref<640xf32, #tpu.memory_space<vmem>>, vector<16xf32>,
    %swap3A_3 = vector.shape_cast %swap3A_2 : vector<16xf32> to vector<16xf32>
    %swap3A_4 = vector.shape_cast %broadcast_in_dim3A_1 : vector<16xf32> to vector<16xf32>
    tpu.vector_store %arg7[%swap3A], %swap3A_4 {strides = array<i32>} : memref<640xf32, #tpu.memory_space<vmem>>, vector<16xf32>,
    %broadcast_in_dim3A_5 = arith.constant 0.000000e+00 : f32
    %broadcast_in_dim3A_6 = vector.broadcast %broadcast_in_dim3A_5 : f32 to vector<16xf32>
    %swap3A_7 = arith.constant 16 : index
    %swap3A_8 = tpu.vector_load %arg7[%swap3A_7] {strides = array<i32>} : memref<640xf32, #tpu.memory_space<vmem>>, vector<16xf32>,
    %swap3A_9 = vector.shape_cast %swap3A_8 : vector<16xf32> to vector<16xf32>
    %swap3A_10 = vector.shape_cast %broadcast_in_dim3A_6 : vector<16xf32> to vector<16xf32>
    tpu.vector_store %arg7[%swap3A_7], %swap3A_10 {strides = array<i32>} : memref<640xf32, #tpu.memory_space<vmem>>, vector<16xf32>,
    %broadcast_in_dim3A_11 = arith.constant 0.000000e+00 : f32
    %broadcast_in_dim3A_12 = vector.broadcast %broadcast_in_dim3A_11 : f32 to vector<16xf32>
    %swap3A_13 = arith.constant 32 : index
    %swap3A_14 = tpu.vector_load %arg7[%swap3A_13] {strides = array<i32>} : memref<640xf32, #tpu.memory_space<vmem>>, vector<16xf32>,
    %swap3A_15 = vector.shape_cast %swap3A_14 : vector<16xf32> to vector<16xf32>
    %swap3A_16 = vector.shape_cast %broadcast_in_dim3A_12 : vector<16xf32> to vector<16xf32>
    tpu.vector_store %arg7[%swap3A_13], %swap3A_16 {strides = array<i32>} : memref<640xf32, #tpu.memory_space<vmem>>, vector<16xf32>,
    %broadcast_in_dim3A_17 = arith.constant 0.000000e+00 : f32
    %broadcast_in_dim3A_18 = vector.broadcast %broadcast_in_dim3A_17 : f32 to vector<16xf32>
    %swap3A_19 = arith.constant 48 : index
    %swap3A_20 = tpu.vector_load %arg7[%swap3A_19] {strides = array<i32>} : memref<640xf32, #tpu.memory_space<vmem>>, vector<16xf32>,
    %swap3A_21 = vector.shape_cast %swap3A_20 : vector<16xf32> to vector<16xf32>
    %swap3A_22 = vector.shape_cast %broadcast_in_dim3A_18 : vector<16xf32> to vector<16xf32>
    tpu.vector_store %arg7[%swap3A_19], %swap3A_22 {strides = array<i32>} : memref<640xf32, #tpu.memory_space<vmem>>, vector<16xf32>,
    %broadcast_in_dim3A_23 = arith.constant 0.000000e+00 : f32
    %broadcast_in_dim3A_24 = vector.broadcast %broadcast_in_dim3A_23 : f32 to vector<16xf32>
    %swap3A_25 = arith.constant 64 : index
    %swap3A_26 = tpu.vector_load %arg7[%swap3A_25] {strides = array<i32>} : memref<640xf32, #tpu.memory_space<vmem>>, vector<16xf32>,
    %swap3A_27 = vector.shape_cast %swap3A_26 : vector<16xf32> to vector<16xf32>
    %swap3A_28 = vector.shape_cast %broadcast_in_dim3A_24 : vector<16xf32> to vector<16xf32>
    tpu.vector_store %arg7[%swap3A_25], %swap3A_28 {strides = array<i32>} : memref<640xf32, #tpu.memory_space<vmem>>, vector<16xf32>,
    %broadcast_in_dim3A_29 = arith.constant 0.000000e+00 : f32
    %broadcast_in_dim3A_30 = vector.broadcast %broadcast_in_dim3A_29 : f32 to vector<16xf32>
    %swap3A_31 = arith.constant 80 : index
    %swap3A_32 = tpu.vector_load %arg7[%swap3A_31] {strides = array<i32>} : memref<640xf32, #tpu.memory_space<vmem>>, vector<16xf32>,
    %swap3A_33 = vector.shape_cast %swap3A_32 : vector<16xf32> to vector<16xf32>
    %swap3A_34 = vector.shape_cast %broadcast_in_dim3A_30 : vector<16xf32> to vector<16xf32>
    tpu.vector_store %arg7[%swap3A_31], %swap3A_34 {strides = array<i32>} : memref<640xf32, #tpu.memory_space<vmem>>, vector<16xf32>,
    %broadcast_in_dim3A_35 = arith.constant 0.000000e+00 : f32
    %broadcast_in_dim3A_36 = vector.broadcast %broadcast_in_dim3A_35 : f32 to vector<16xf32>
    %swap3A_37 = arith.constant 96 : index
    %swap3A_38 = tpu.vector_load %arg7[%swap3A_37] {strides = array<i32>} : memref<640xf32, #tpu.memory_space<vmem>>, vector<16xf32>,
    %swap3A_39 = vector.shape_cast %swap3A_38 : vector<16xf32> to vector<16xf32>
    %swap3A_40 = vector.shape_cast %broadcast_in_dim3A_36 : vector<16xf32> to vector<16xf32>
    tpu.vector_store %arg7[%swap3A_37], %swap3A_40 {strides = array<i32>} : memref<640xf32, #tpu.memory_space<vmem>>, vector<16xf32>,
    %broadcast_in_dim3A_41 = arith.constant 0.000000e+00 : f32
    %broadcast_in_dim3A_42 = vector.broadcast %broadcast_in_dim3A_41 : f32 to vector<16xf32>
    %swap3A_43 = arith.constant 112 : index
    %swap3A_44 = tpu.vector_load %arg7[%swap3A_43] {strides = array<i32>} : memref<640xf32, #tpu.memory_space<vmem>>, vector<16xf32>,
    %swap3A_45 = vector.shape_cast %swap3A_44 : vector<16xf32> to vector<16xf32>
    %swap3A_46 = vector.shape_cast %broadcast_in_dim3A_42 : vector<16xf32> to vector<16xf32>
    tpu.vector_store %arg7[%swap3A_43], %swap3A_46 {strides = array<i32>} : memref<640xf32, #tpu.memory_space<vmem>>, vector<16xf32>,
    %broadcast_in_dim3A_47 = arith.constant 0.000000e+00 : f32
    %broadcast_in_dim3A_48 = vector.broadcast %broadcast_in_dim3A_47 : f32 to vector<16xf32>
    %swap3A_49 = arith.constant 128 : index
    %swap3A_50 = tpu.vector_load %arg7[%swap3A_49] {strides = array<i32>} : memref<640xf32, #tpu.memory_space<vmem>>, vector<16xf32>,
    %swap3A_51 = vector.shape_cast %swap3A_50 : vector<16xf32> to vector<16xf32>
    %swap3A_52 = vector.shape_cast %broadcast_in_dim3A_48 : vector<16xf32> to vector<16xf32>
    tpu.vector_store %arg7[%swap3A_49], %swap3A_52 {strides = array<i32>} : memref<640xf32, #tpu.memory_space<vmem>>, vector<16xf32>,
    %broadcast_in_dim3A_53 = arith.constant 0.000000e+00 : f32
    %broadcast_in_dim3A_54 = vector.broadcast %broadcast_in_dim3A_53 : f32 to vector<16xf32>
    %swap3A_55 = arith.constant 144 : index
    %swap3A_56 = tpu.vector_load %arg7[%swap3A_55] {strides = array<i32>} : memref<640xf32, #tpu.memory_space<vmem>>, vector<16xf32>,
    %swap3A_57 = vector.shape_cast %swap3A_56 : vector<16xf32> to vector<16xf32>
    %swap3A_58 = vector.shape_cast %broadcast_in_dim3A_54 : vector<16xf32> to vector<16xf32>
    tpu.vector_store %arg7[%swap3A_55], %swap3A_58 {strides = array<i32>} : memref<640xf32, #tpu.memory_space<vmem>>, vector<16xf32>,
    %broadcast_in_dim3A_59 = arith.constant 0.000000e+00 : f32
    %broadcast_in_dim3A_60 = vector.broadcast %broadcast_in_dim3A_59 : f32 to vector<16xf32>
    %swap3A_61 = arith.constant 160 : index
    %swap3A_62 = tpu.vector_load %arg7[%swap3A_61] {strides = array<i32>} : memref<640xf32, #tpu.memory_space<vmem>>, vector<16xf32>,
    %swap3A_63 = vector.shape_cast %swap3A_62 : vector<16xf32> to vector<16xf32>
    %swap3A_64 = vector.shape_cast %broadcast_in_dim3A_60 : vector<16xf32> to vector<16xf32>
    tpu.vector_store %arg7[%swap3A_61], %swap3A_64 {strides = array<i32>} : memref<640xf32, #tpu.memory_space<vmem>>, vector<16xf32>,
    %broadcast_in_dim3A_65 = arith.constant 0.000000e+00 : f32
    %broadcast_in_dim3A_66 = vector.broadcast %broadcast_in_dim3A_65 : f32 to vector<16xf32>
    %swap3A_67 = arith.constant 176 : index
    %swap3A_68 = tpu.vector_load %arg7[%swap3A_67] {strides = array<i32>} : memref<640xf32, #tpu.memory_space<vmem>>, vector<16xf32>,
    %swap3A_69 = vector.shape_cast %swap3A_68 : vector<16xf32> to vector<16xf32>
    %swap3A_70 = vector.shape_cast %broadcast_in_dim3A_66 : vector<16xf32> to vector<16xf32>
    tpu.vector_store %arg7[%swap3A_67], %swap3A_70 {strides = array<i32>} : memref<640xf32, #tpu.memory_space<vmem>>, vector<16xf32>,
    %broadcast_in_dim3A_71 = arith.constant 0.000000e+00 : f32
    %broadcast_in_dim3A_72 = vector.broadcast %broadcast_in_dim3A_71 : f32 to vector<16xf32>
    %swap3A_73 = arith.constant 192 : index
    %swap3A_74 = tpu.vector_load %arg7[%swap3A_73] {strides = array<i32>} : memref<640xf32, #tpu.memory_space<vmem>>, vector<16xf32>,
    %swap3A_75 = vector.shape_cast %swap3A_74 : vector<16xf32> to vector<16xf32>
    %swap3A_76 = vector.shape_cast %broadcast_in_dim3A_72 : vector<16xf32> to vector<16xf32>
    tpu.vector_store %arg7[%swap3A_73], %swap3A_76 {strides = array<i32>} : memref<640xf32, #tpu.memory_space<vmem>>, vector<16xf32>,
    %broadcast_in_dim3A_77 = arith.constant 0.000000e+00 : f32
    %broadcast_in_dim3A_78 = vector.broadcast %broadcast_in_dim3A_77 : f32 to vector<16xf32>
    %swap3A_79 = arith.constant 208 : index
    %swap3A_80 = tpu.vector_load %arg7[%swap3A_79] {strides = array<i32>} : memref<640xf32, #tpu.memory_space<vmem>>, vector<16xf32>,
    %swap3A_81 = vector.shape_cast %swap3A_80 : vector<16xf32> to vector<16xf32>
    %swap3A_82 = vector.shape_cast %broadcast_in_dim3A_78 : vector<16xf32> to vector<16xf32>
    tpu.vector_store %arg7[%swap3A_79], %swap3A_82 {strides = array<i32>} : memref<640xf32, #tpu.memory_space<vmem>>, vector<16xf32>,
    %broadcast_in_dim3A_83 = arith.constant 0.000000e+00 : f32
    %broadcast_in_dim3A_84 = vector.broadcast %broadcast_in_dim3A_83 : f32 to vector<16xf32>
    %swap3A_85 = arith.constant 224 : index
    %swap3A_86 = tpu.vector_load %arg7[%swap3A_85] {strides = array<i32>} : memref<640xf32, #tpu.memory_space<vmem>>, vector<16xf32>,
    %swap3A_87 = vector.shape_cast %swap3A_86 : vector<16xf32> to vector<16xf32>
    %swap3A_88 = vector.shape_cast %broadcast_in_dim3A_84 : vector<16xf32> to vector<16xf32>
    tpu.vector_store %arg7[%swap3A_85], %swap3A_88 {strides = array<i32>} : memref<640xf32, #tpu.memory_space<vmem>>, vector<16xf32>,
    %broadcast_in_dim3A_89 = arith.constant 0.000000e+00 : f32
    %broadcast_in_dim3A_90 = vector.broadcast %broadcast_in_dim3A_89 : f32 to vector<16xf32>
    %swap3A_91 = arith.constant 240 : index
    %swap3A_92 = tpu.vector_load %arg7[%swap3A_91] {strides = array<i32>} : memref<640xf32, #tpu.memory_space<vmem>>, vector<16xf32>,
    %swap3A_93 = vector.shape_cast %swap3A_92 : vector<16xf32> to vector<16xf32>
    %swap3A_94 = vector.shape_cast %broadcast_in_dim3A_90 : vector<16xf32> to vector<16xf32>
    tpu.vector_store %arg7[%swap3A_91], %swap3A_94 {strides = array<i32>} : memref<640xf32, #tpu.memory_space<vmem>>, vector<16xf32>,
    %broadcast_in_dim3A_95 = arith.constant 0.000000e+00 : f32
    %broadcast_in_dim3A_96 = vector.broadcast %broadcast_in_dim3A_95 : f32 to vector<16xf32>
    %swap3A_97 = arith.constant 256 : index
    %swap3A_98 = tpu.vector_load %arg7[%swap3A_97] {strides = array<i32>} : memref<640xf32, #tpu.memory_space<vmem>>, vector<16xf32>,
    %swap3A_99 = vector.shape_cast %swap3A_98 : vector<16xf32> to vector<16xf32>
    %swap3A_100 = vector.shape_cast %broadcast_in_dim3A_96 : vector<16xf32> to vector<16xf32>
    tpu.vector_store %arg7[%swap3A_97], %swap3A_100 {strides = array<i32>} : memref<640xf32, #tpu.memory_space<vmem>>, vector<16xf32>,
    %broadcast_in_dim3A_101 = arith.constant 0.000000e+00 : f32
    %broadcast_in_dim3A_102 = vector.broadcast %broadcast_in_dim3A_101 : f32 to vector<16xf32>
    %swap3A_103 = arith.constant 272 : index
    %swap3A_104 = tpu.vector_load %arg7[%swap3A_103] {strides = array<i32>} : memref<640xf32, #tpu.memory_space<vmem>>, vector<16xf32>,
    %swap3A_105 = vector.shape_cast %swap3A_104 : vector<16xf32> to vector<16xf32>
    %swap3A_106 = vector.shape_cast %broadcast_in_dim3A_102 : vector<16xf32> to vector<16xf32>
    tpu.vector_store %arg7[%swap3A_103], %swap3A_106 {strides = array<i32>} : memref<640xf32, #tpu.memory_space<vmem>>, vector<16xf32>,
    %broadcast_in_dim3A_107 = arith.constant 0.000000e+00 : f32
    %broadcast_in_dim3A_108 = vector.broadcast %broadcast_in_dim3A_107 : f32 to vector<16xf32>
    %swap3A_109 = arith.constant 288 : index
    %swap3A_110 = tpu.vector_load %arg7[%swap3A_109] {strides = array<i32>} : memref<640xf32, #tpu.memory_space<vmem>>, vector<16xf32>,
    %swap3A_111 = vector.shape_cast %swap3A_110 : vector<16xf32> to vector<16xf32>
    %swap3A_112 = vector.shape_cast %broadcast_in_dim3A_108 : vector<16xf32> to vector<16xf32>
    tpu.vector_store %arg7[%swap3A_109], %swap3A_112 {strides = array<i32>} : memref<640xf32, #tpu.memory_space<vmem>>, vector<16xf32>,
    %broadcast_in_dim3A_113 = arith.constant 0.000000e+00 : f32
    %broadcast_in_dim3A_114 = vector.broadcast %broadcast_in_dim3A_113 : f32 to vector<16xf32>
    %swap3A_115 = arith.constant 304 : index
    %swap3A_116 = tpu.vector_load %arg7[%swap3A_115] {strides = array<i32>} : memref<640xf32, #tpu.memory_space<vmem>>, vector<16xf32>,
    %swap3A_117 = vector.shape_cast %swap3A_116 : vector<16xf32> to vector<16xf32>
    %swap3A_118 = vector.shape_cast %broadcast_in_dim3A_114 : vector<16xf32> to vector<16xf32>
    tpu.vector_store %arg7[%swap3A_115], %swap3A_118 {strides = array<i32>} : memref<640xf32, #tpu.memory_space<vmem>>, vector<16xf32>,
    %broadcast_in_dim3A_119 = arith.constant 0.000000e+00 : f32
    %broadcast_in_dim3A_120 = vector.broadcast %broadcast_in_dim3A_119 : f32 to vector<16xf32>
    %swap3A_121 = arith.constant 320 : index
    %swap3A_122 = tpu.vector_load %arg7[%swap3A_121] {strides = array<i32>} : memref<640xf32, #tpu.memory_space<vmem>>, vector<16xf32>,
    %swap3A_123 = vector.shape_cast %swap3A_122 : vector<16xf32> to vector<16xf32>
    %swap3A_124 = vector.shape_cast %broadcast_in_dim3A_120 : vector<16xf32> to vector<16xf32>
    tpu.vector_store %arg7[%swap3A_121], %swap3A_124 {strides = array<i32>} : memref<640xf32, #tpu.memory_space<vmem>>, vector<16xf32>,
    %broadcast_in_dim3A_125 = arith.constant 0.000000e+00 : f32
    %broadcast_in_dim3A_126 = vector.broadcast %broadcast_in_dim3A_125 : f32 to vector<16xf32>
    %swap3A_127 = arith.constant 336 : index
    %swap3A_128 = tpu.vector_load %arg7[%swap3A_127] {strides = array<i32>} : memref<640xf32, #tpu.memory_space<vmem>>, vector<16xf32>,
    %swap3A_129 = vector.shape_cast %swap3A_128 : vector<16xf32> to vector<16xf32>
    %swap3A_130 = vector.shape_cast %broadcast_in_dim3A_126 : vector<16xf32> to vector<16xf32>
    tpu.vector_store %arg7[%swap3A_127], %swap3A_130 {strides = array<i32>} : memref<640xf32, #tpu.memory_space<vmem>>, vector<16xf32>,
    %broadcast_in_dim3A_131 = arith.constant 0.000000e+00 : f32
    %broadcast_in_dim3A_132 = vector.broadcast %broadcast_in_dim3A_131 : f32 to vector<16xf32>
    %swap3A_133 = arith.constant 352 : index
    %swap3A_134 = tpu.vector_load %arg7[%swap3A_133] {strides = array<i32>} : memref<640xf32, #tpu.memory_space<vmem>>, vector<16xf32>,
    %swap3A_135 = vector.shape_cast %swap3A_134 : vector<16xf32> to vector<16xf32>
    %swap3A_136 = vector.shape_cast %broadcast_in_dim3A_132 : vector<16xf32> to vector<16xf32>
    tpu.vector_store %arg7[%swap3A_133], %swap3A_136 {strides = array<i32>} : memref<640xf32, #tpu.memory_space<vmem>>, vector<16xf32>,
    %broadcast_in_dim3A_137 = arith.constant 0.000000e+00 : f32
    %broadcast_in_dim3A_138 = vector.broadcast %broadcast_in_dim3A_137 : f32 to vector<16xf32>
    %swap3A_139 = arith.constant 368 : index
    %swap3A_140 = tpu.vector_load %arg7[%swap3A_139] {strides = array<i32>} : memref<640xf32, #tpu.memory_space<vmem>>, vector<16xf32>,
    %swap3A_141 = vector.shape_cast %swap3A_140 : vector<16xf32> to vector<16xf32>
    %swap3A_142 = vector.shape_cast %broadcast_in_dim3A_138 : vector<16xf32> to vector<16xf32>
    tpu.vector_store %arg7[%swap3A_139], %swap3A_142 {strides = array<i32>} : memref<640xf32, #tpu.memory_space<vmem>>, vector<16xf32>,
    %broadcast_in_dim3A_143 = arith.constant 0.000000e+00 : f32
    %broadcast_in_dim3A_144 = vector.broadcast %broadcast_in_dim3A_143 : f32 to vector<16xf32>
    %swap3A_145 = arith.constant 384 : index
    %swap3A_146 = tpu.vector_load %arg7[%swap3A_145] {strides = array<i32>} : memref<640xf32, #tpu.memory_space<vmem>>, vector<16xf32>,
    %swap3A_147 = vector.shape_cast %swap3A_146 : vector<16xf32> to vector<16xf32>
    %swap3A_148 = vector.shape_cast %broadcast_in_dim3A_144 : vector<16xf32> to vector<16xf32>
    tpu.vector_store %arg7[%swap3A_145], %swap3A_148 {strides = array<i32>} : memref<640xf32, #tpu.memory_space<vmem>>, vector<16xf32>,
    %broadcast_in_dim3A_149 = arith.constant 0.000000e+00 : f32
    %broadcast_in_dim3A_150 = vector.broadcast %broadcast_in_dim3A_149 : f32 to vector<16xf32>
    %swap3A_151 = arith.constant 400 : index
    %swap3A_152 = tpu.vector_load %arg7[%swap3A_151] {strides = array<i32>} : memref<640xf32, #tpu.memory_space<vmem>>, vector<16xf32>,
    %swap3A_153 = vector.shape_cast %swap3A_152 : vector<16xf32> to vector<16xf32>
    %swap3A_154 = vector.shape_cast %broadcast_in_dim3A_150 : vector<16xf32> to vector<16xf32>
    tpu.vector_store %arg7[%swap3A_151], %swap3A_154 {strides = array<i32>} : memref<640xf32, #tpu.memory_space<vmem>>, vector<16xf32>,
    %broadcast_in_dim3A_155 = arith.constant 0.000000e+00 : f32
    %broadcast_in_dim3A_156 = vector.broadcast %broadcast_in_dim3A_155 : f32 to vector<16xf32>
    %swap3A_157 = arith.constant 416 : index
    %swap3A_158 = tpu.vector_load %arg7[%swap3A_157] {strides = array<i32>} : memref<640xf32, #tpu.memory_space<vmem>>, vector<16xf32>,
    %swap3A_159 = vector.shape_cast %swap3A_158 : vector<16xf32> to vector<16xf32>
    %swap3A_160 = vector.shape_cast %broadcast_in_dim3A_156 : vector<16xf32> to vector<16xf32>
    tpu.vector_store %arg7[%swap3A_157], %swap3A_160 {strides = array<i32>} : memref<640xf32, #tpu.memory_space<vmem>>, vector<16xf32>,
    %broadcast_in_dim3A_161 = arith.constant 0.000000e+00 : f32
    %broadcast_in_dim3A_162 = vector.broadcast %broadcast_in_dim3A_161 : f32 to vector<16xf32>
    %swap3A_163 = arith.constant 432 : index
    %swap3A_164 = tpu.vector_load %arg7[%swap3A_163] {strides = array<i32>} : memref<640xf32, #tpu.memory_space<vmem>>, vector<16xf32>,
    %swap3A_165 = vector.shape_cast %swap3A_164 : vector<16xf32> to vector<16xf32>
    %swap3A_166 = vector.shape_cast %broadcast_in_dim3A_162 : vector<16xf32> to vector<16xf32>
    tpu.vector_store %arg7[%swap3A_163], %swap3A_166 {strides = array<i32>} : memref<640xf32, #tpu.memory_space<vmem>>, vector<16xf32>,
    %broadcast_in_dim3A_167 = arith.constant 0.000000e+00 : f32
    %broadcast_in_dim3A_168 = vector.broadcast %broadcast_in_dim3A_167 : f32 to vector<16xf32>
    %swap3A_169 = arith.constant 448 : index
    %swap3A_170 = tpu.vector_load %arg7[%swap3A_169] {strides = array<i32>} : memref<640xf32, #tpu.memory_space<vmem>>, vector<16xf32>,
    %swap3A_171 = vector.shape_cast %swap3A_170 : vector<16xf32> to vector<16xf32>
    %swap3A_172 = vector.shape_cast %broadcast_in_dim3A_168 : vector<16xf32> to vector<16xf32>
    tpu.vector_store %arg7[%swap3A_169], %swap3A_172 {strides = array<i32>} : memref<640xf32, #tpu.memory_space<vmem>>, vector<16xf32>,
    %broadcast_in_dim3A_173 = arith.constant 0.000000e+00 : f32
    %broadcast_in_dim3A_174 = vector.broadcast %broadcast_in_dim3A_173 : f32 to vector<16xf32>
    %swap3A_175 = arith.constant 464 : index
    %swap3A_176 = tpu.vector_load %arg7[%swap3A_175] {strides = array<i32>} : memref<640xf32, #tpu.memory_space<vmem>>, vector<16xf32>,
    %swap3A_177 = vector.shape_cast %swap3A_176 : vector<16xf32> to vector<16xf32>
    %swap3A_178 = vector.shape_cast %broadcast_in_dim3A_174 : vector<16xf32> to vector<16xf32>
    tpu.vector_store %arg7[%swap3A_175], %swap3A_178 {strides = array<i32>} : memref<640xf32, #tpu.memory_space<vmem>>, vector<16xf32>,
    %broadcast_in_dim3A_179 = arith.constant 0.000000e+00 : f32
    %broadcast_in_dim3A_180 = vector.broadcast %broadcast_in_dim3A_179 : f32 to vector<16xf32>
    %swap3A_181 = arith.constant 480 : index
    %swap3A_182 = tpu.vector_load %arg7[%swap3A_181] {strides = array<i32>} : memref<640xf32, #tpu.memory_space<vmem>>, vector<16xf32>,
    %swap3A_183 = vector.shape_cast %swap3A_182 : vector<16xf32> to vector<16xf32>
    %swap3A_184 = vector.shape_cast %broadcast_in_dim3A_180 : vector<16xf32> to vector<16xf32>
    tpu.vector_store %arg7[%swap3A_181], %swap3A_184 {strides = array<i32>} : memref<640xf32, #tpu.memory_space<vmem>>, vector<16xf32>,
    %broadcast_in_dim3A_185 = arith.constant 0.000000e+00 : f32
    %broadcast_in_dim3A_186 = vector.broadcast %broadcast_in_dim3A_185 : f32 to vector<16xf32>
    %swap3A_187 = arith.constant 496 : index
    %swap3A_188 = tpu.vector_load %arg7[%swap3A_187] {strides = array<i32>} : memref<640xf32, #tpu.memory_space<vmem>>, vector<16xf32>,
    %swap3A_189 = vector.shape_cast %swap3A_188 : vector<16xf32> to vector<16xf32>
    %swap3A_190 = vector.shape_cast %broadcast_in_dim3A_186 : vector<16xf32> to vector<16xf32>
    tpu.vector_store %arg7[%swap3A_187], %swap3A_190 {strides = array<i32>} : memref<640xf32, #tpu.memory_space<vmem>>, vector<16xf32>,
    %broadcast_in_dim3A_191 = arith.constant 0.000000e+00 : f32
    %broadcast_in_dim3A_192 = vector.broadcast %broadcast_in_dim3A_191 : f32 to vector<16xf32>
    %swap3A_193 = arith.constant 512 : index
    %swap3A_194 = tpu.vector_load %arg7[%swap3A_193] {strides = array<i32>} : memref<640xf32, #tpu.memory_space<vmem>>, vector<16xf32>,
    %swap3A_195 = vector.shape_cast %swap3A_194 : vector<16xf32> to vector<16xf32>
    %swap3A_196 = vector.shape_cast %broadcast_in_dim3A_192 : vector<16xf32> to vector<16xf32>
    tpu.vector_store %arg7[%swap3A_193], %swap3A_196 {strides = array<i32>} : memref<640xf32, #tpu.memory_space<vmem>>, vector<16xf32>,
    %broadcast_in_dim3A_197 = arith.constant 0.000000e+00 : f32
    %broadcast_in_dim3A_198 = vector.broadcast %broadcast_in_dim3A_197 : f32 to vector<16xf32>
    %swap3A_199 = arith.constant 528 : index
    %swap3A_200 = tpu.vector_load %arg7[%swap3A_199] {strides = array<i32>} : memref<640xf32, #tpu.memory_space<vmem>>, vector<16xf32>,
    %swap3A_201 = vector.shape_cast %swap3A_200 : vector<16xf32> to vector<16xf32>
    %swap3A_202 = vector.shape_cast %broadcast_in_dim3A_198 : vector<16xf32> to vector<16xf32>
    tpu.vector_store %arg7[%swap3A_199], %swap3A_202 {strides = array<i32>} : memref<640xf32, #tpu.memory_space<vmem>>, vector<16xf32>,
    %broadcast_in_dim3A_203 = arith.constant 0.000000e+00 : f32
    %broadcast_in_dim3A_204 = vector.broadcast %broadcast_in_dim3A_203 : f32 to vector<16xf32>
    %swap3A_205 = arith.constant 544 : index
    %swap3A_206 = tpu.vector_load %arg7[%swap3A_205] {strides = array<i32>} : memref<640xf32, #tpu.memory_space<vmem>>, vector<16xf32>,
    %swap3A_207 = vector.shape_cast %swap3A_206 : vector<16xf32> to vector<16xf32>
    %swap3A_208 = vector.shape_cast %broadcast_in_dim3A_204 : vector<16xf32> to vector<16xf32>
    tpu.vector_store %arg7[%swap3A_205], %swap3A_208 {strides = array<i32>} : memref<640xf32, #tpu.memory_space<vmem>>, vector<16xf32>,
    %broadcast_in_dim3A_209 = arith.constant 0.000000e+00 : f32
    %broadcast_in_dim3A_210 = vector.broadcast %broadcast_in_dim3A_209 : f32 to vector<16xf32>
    %swap3A_211 = arith.constant 560 : index
    %swap3A_212 = tpu.vector_load %arg7[%swap3A_211] {strides = array<i32>} : memref<640xf32, #tpu.memory_space<vmem>>, vector<16xf32>,
    %swap3A_213 = vector.shape_cast %swap3A_212 : vector<16xf32> to vector<16xf32>
    %swap3A_214 = vector.shape_cast %broadcast_in_dim3A_210 : vector<16xf32> to vector<16xf32>
    tpu.vector_store %arg7[%swap3A_211], %swap3A_214 {strides = array<i32>} : memref<640xf32, #tpu.memory_space<vmem>>, vector<16xf32>,
    %broadcast_in_dim3A_215 = arith.constant 0.000000e+00 : f32
    %broadcast_in_dim3A_216 = vector.broadcast %broadcast_in_dim3A_215 : f32 to vector<16xf32>
    %swap3A_217 = arith.constant 576 : index
    %swap3A_218 = tpu.vector_load %arg7[%swap3A_217] {strides = array<i32>} : memref<640xf32, #tpu.memory_space<vmem>>, vector<16xf32>,
    %swap3A_219 = vector.shape_cast %swap3A_218 : vector<16xf32> to vector<16xf32>
    %swap3A_220 = vector.shape_cast %broadcast_in_dim3A_216 : vector<16xf32> to vector<16xf32>
    tpu.vector_store %arg7[%swap3A_217], %swap3A_220 {strides = array<i32>} : memref<640xf32, #tpu.memory_space<vmem>>, vector<16xf32>,
    %broadcast_in_dim3A_221 = arith.constant 0.000000e+00 : f32
    %broadcast_in_dim3A_222 = vector.broadcast %broadcast_in_dim3A_221 : f32 to vector<16xf32>
    %swap3A_223 = arith.constant 592 : index
    %swap3A_224 = tpu.vector_load %arg7[%swap3A_223] {strides = array<i32>} : memref<640xf32, #tpu.memory_space<vmem>>, vector<16xf32>,
    %swap3A_225 = vector.shape_cast %swap3A_224 : vector<16xf32> to vector<16xf32>
    %swap3A_226 = vector.shape_cast %broadcast_in_dim3A_222 : vector<16xf32> to vector<16xf32>
    tpu.vector_store %arg7[%swap3A_223], %swap3A_226 {strides = array<i32>} : memref<640xf32, #tpu.memory_space<vmem>>, vector<16xf32>,
    %broadcast_in_dim3A_227 = arith.constant 0.000000e+00 : f32
    %broadcast_in_dim3A_228 = vector.broadcast %broadcast_in_dim3A_227 : f32 to vector<16xf32>
    %swap3A_229 = arith.constant 608 : index
    %swap3A_230 = tpu.vector_load %arg7[%swap3A_229] {strides = array<i32>} : memref<640xf32, #tpu.memory_space<vmem>>, vector<16xf32>,
    %swap3A_231 = vector.shape_cast %swap3A_230 : vector<16xf32> to vector<16xf32>
    %swap3A_232 = vector.shape_cast %broadcast_in_dim3A_228 : vector<16xf32> to vector<16xf32>
    tpu.vector_store %arg7[%swap3A_229], %swap3A_232 {strides = array<i32>} : memref<640xf32, #tpu.memory_space<vmem>>, vector<16xf32>,
    %broadcast_in_dim3A_233 = arith.constant 0.000000e+00 : f32
    %broadcast_in_dim3A_234 = vector.broadcast %broadcast_in_dim3A_233 : f32 to vector<16xf32>
    %swap3A_235 = arith.constant 624 : index
    %swap3A_236 = tpu.vector_load %arg7[%swap3A_235] {strides = array<i32>} : memref<640xf32, #tpu.memory_space<vmem>>, vector<16xf32>,
    %swap3A_237 = vector.shape_cast %swap3A_236 : vector<16xf32> to vector<16xf32>
    %swap3A_238 = vector.shape_cast %broadcast_in_dim3A_234 : vector<16xf32> to vector<16xf32>
    tpu.vector_store %arg7[%swap3A_235], %swap3A_238 {strides = array<i32>} : memref<640xf32, #tpu.memory_space<vmem>>, vector<16xf32>,
    %broadcast_in_dim3A_239 = arith.constant 1.000000e+00 : f32
    %broadcast_in_dim3A_240 = vector.broadcast %broadcast_in_dim3A_239 : f32 to vector<16xf32>
    %swap3A_241 = arith.constant 0 : index
    %swap3A_242 = tpu.vector_load %arg6[%swap3A_241] {strides = array<i32>} : memref<128xf32, #tpu.memory_space<vmem>>, vector<16xf32>,
    %swap3A_243 = vector.shape_cast %swap3A_242 : vector<16xf32> to vector<16xf32>
    %swap3A_244 = vector.shape_cast %broadcast_in_dim3A_240 : vector<16xf32> to vector<16xf32>
    tpu.vector_store %arg6[%swap3A_241], %swap3A_244 {strides = array<i32>} : memref<128xf32, #tpu.memory_space<vmem>>, vector<16xf32>,
    %broadcast_in_dim3A_245 = arith.constant 1.000000e+00 : f32
    %broadcast_in_dim3A_246 = vector.broadcast %broadcast_in_dim3A_245 : f32 to vector<16xf32>
    %swap3A_247 = arith.constant 16 : index
    %swap3A_248 = tpu.vector_load %arg6[%swap3A_247] {strides = array<i32>} : memref<128xf32, #tpu.memory_space<vmem>>, vector<16xf32>,
    %swap3A_249 = vector.shape_cast %swap3A_248 : vector<16xf32> to vector<16xf32>
    %swap3A_250 = vector.shape_cast %broadcast_in_dim3A_246 : vector<16xf32> to vector<16xf32>
    tpu.vector_store %arg6[%swap3A_247], %swap3A_250 {strides = array<i32>} : memref<128xf32, #tpu.memory_space<vmem>>, vector<16xf32>,
    %broadcast_in_dim3A_251 = arith.constant 1.000000e+00 : f32
    %broadcast_in_dim3A_252 = vector.broadcast %broadcast_in_dim3A_251 : f32 to vector<16xf32>
    %swap3A_253 = arith.constant 32 : index
    %swap3A_254 = tpu.vector_load %arg6[%swap3A_253] {strides = array<i32>} : memref<128xf32, #tpu.memory_space<vmem>>, vector<16xf32>,
    %swap3A_255 = vector.shape_cast %swap3A_254 : vector<16xf32> to vector<16xf32>
    %swap3A_256 = vector.shape_cast %broadcast_in_dim3A_252 : vector<16xf32> to vector<16xf32>
    tpu.vector_store %arg6[%swap3A_253], %swap3A_256 {strides = array<i32>} : memref<128xf32, #tpu.memory_space<vmem>>, vector<16xf32>,
    %broadcast_in_dim3A_257 = arith.constant 1.000000e+00 : f32
    %broadcast_in_dim3A_258 = vector.broadcast %broadcast_in_dim3A_257 : f32 to vector<16xf32>
    %swap3A_259 = arith.constant 48 : index
    %swap3A_260 = tpu.vector_load %arg6[%swap3A_259] {strides = array<i32>} : memref<128xf32, #tpu.memory_space<vmem>>, vector<16xf32>,
    %swap3A_261 = vector.shape_cast %swap3A_260 : vector<16xf32> to vector<16xf32>
    %swap3A_262 = vector.shape_cast %broadcast_in_dim3A_258 : vector<16xf32> to vector<16xf32>
    tpu.vector_store %arg6[%swap3A_259], %swap3A_262 {strides = array<i32>} : memref<128xf32, #tpu.memory_space<vmem>>, vector<16xf32>,
    %broadcast_in_dim3A_263 = arith.constant 1.000000e+00 : f32
    %broadcast_in_dim3A_264 = vector.broadcast %broadcast_in_dim3A_263 : f32 to vector<16xf32>
    %swap3A_265 = arith.constant 64 : index
    %swap3A_266 = tpu.vector_load %arg6[%swap3A_265] {strides = array<i32>} : memref<128xf32, #tpu.memory_space<vmem>>, vector<16xf32>,
    %swap3A_267 = vector.shape_cast %swap3A_266 : vector<16xf32> to vector<16xf32>
    %swap3A_268 = vector.shape_cast %broadcast_in_dim3A_264 : vector<16xf32> to vector<16xf32>
    tpu.vector_store %arg6[%swap3A_265], %swap3A_268 {strides = array<i32>} : memref<128xf32, #tpu.memory_space<vmem>>, vector<16xf32>,
    %broadcast_in_dim3A_269 = arith.constant 1.000000e+00 : f32
    %broadcast_in_dim3A_270 = vector.broadcast %broadcast_in_dim3A_269 : f32 to vector<16xf32>
    %swap3A_271 = arith.constant 80 : index
    %swap3A_272 = tpu.vector_load %arg6[%swap3A_271] {strides = array<i32>} : memref<128xf32, #tpu.memory_space<vmem>>, vector<16xf32>,
    %swap3A_273 = vector.shape_cast %swap3A_272 : vector<16xf32> to vector<16xf32>
    %swap3A_274 = vector.shape_cast %broadcast_in_dim3A_270 : vector<16xf32> to vector<16xf32>
    tpu.vector_store %arg6[%swap3A_271], %swap3A_274 {strides = array<i32>} : memref<128xf32, #tpu.memory_space<vmem>>, vector<16xf32>,
    %broadcast_in_dim3A_275 = arith.constant 1.000000e+00 : f32
    %broadcast_in_dim3A_276 = vector.broadcast %broadcast_in_dim3A_275 : f32 to vector<16xf32>
    %swap3A_277 = arith.constant 96 : index
    %swap3A_278 = tpu.vector_load %arg6[%swap3A_277] {strides = array<i32>} : memref<128xf32, #tpu.memory_space<vmem>>, vector<16xf32>,
    %swap3A_279 = vector.shape_cast %swap3A_278 : vector<16xf32> to vector<16xf32>
    %swap3A_280 = vector.shape_cast %broadcast_in_dim3A_276 : vector<16xf32> to vector<16xf32>
    tpu.vector_store %arg6[%swap3A_277], %swap3A_280 {strides = array<i32>} : memref<128xf32, #tpu.memory_space<vmem>>, vector<16xf32>,
    %broadcast_in_dim3A_281 = arith.constant 1.000000e+00 : f32
    %broadcast_in_dim3A_282 = vector.broadcast %broadcast_in_dim3A_281 : f32 to vector<16xf32>
    %swap3A_283 = arith.constant 112 : index
    %swap3A_284 = tpu.vector_load %arg6[%swap3A_283] {strides = array<i32>} : memref<128xf32, #tpu.memory_space<vmem>>, vector<16xf32>,
    %swap3A_285 = vector.shape_cast %swap3A_284 : vector<16xf32> to vector<16xf32>
    %swap3A_286 = vector.shape_cast %broadcast_in_dim3A_282 : vector<16xf32> to vector<16xf32>
    tpu.vector_store %arg6[%swap3A_283], %swap3A_286 {strides = array<i32>} : memref<128xf32, #tpu.memory_space<vmem>>, vector<16xf32>,
    %mul3A_287 = arith.constant 80 : i32
    %mul3A_288 = arith.muli %add3A, %mul3A_287 : i32
    %run_scoped3A = arith.constant 1 : i32
    "tpu.region"() ({
      %run_scoped3A_307 = tpu.sem_alloc : memref<!tpu.dma_semaphore, #tpu.memory_space<semaphore_mem>>
      %dma_start3A = arith.constant 0 : i32
      %dma_start3A_308 = tpu.memref_slice %arg2[%run_scoped3A, %mul3A_288, %dma_start3A] : memref<2x2560x128xi32, #tpu.memory_space<hbm>> -> memref<1x80x128xi32, #tpu.memory_space<hbm>>
      %dma_start3A_309 = tpu.memref_squeeze %dma_start3A_308 : memref<1x80x128xi32, #tpu.memory_space<hbm>> -> memref<80x128xi32, #tpu.memory_space<hbm>>
      %dma_start3A_310 = arith.constant 0 : i32
      %dma_start3A_311 = tpu.memref_slice %arg2[%run_scoped3A, %mul3A_288, %dma_start3A_310] : memref<2x2560x128xi32, #tpu.memory_space<hbm>> -> memref<1x80x128xi32, #tpu.memory_space<hbm>>
      %dma_start3A_312 = tpu.memref_squeeze %dma_start3A_311 : memref<1x80x128xi32, #tpu.memory_space<hbm>> -> memref<80x128xi32, #tpu.memory_space<hbm>>
      tpu.enqueue_dma source(%dma_start3A_312 : memref<80x128xi32, #tpu.memory_space<hbm>>) target(%arg5 : memref<80x128xi32, #tpu.memory_space<vmem>>) target_semaphore(%run_scoped3A_307 : memref<!tpu.dma_semaphore, #tpu.memory_space<semaphore_mem>>)
      %dma_wait3A = arith.constant 0 : i32
      %dma_wait3A_313 = tpu.memref_slice %arg2[%run_scoped3A, %mul3A_288, %dma_wait3A] : memref<2x2560x128xi32, #tpu.memory_space<hbm>> -> memref<1x80x128xi32, #tpu.memory_space<hbm>>
      %dma_wait3A_314 = tpu.memref_squeeze %dma_wait3A_313 : memref<1x80x128xi32, #tpu.memory_space<hbm>> -> memref<80x128xi32, #tpu.memory_space<hbm>>
      %dma_wait3A_315 = arith.constant 0 : i32
      %dma_wait3A_316 = tpu.memref_slice %arg2[%run_scoped3A, %mul3A_288, %dma_wait3A_315] : memref<2x2560x128xi32, #tpu.memory_space<hbm>> -> memref<1x80x128xi32, #tpu.memory_space<hbm>>
      %dma_wait3A_317 = tpu.memref_squeeze %dma_wait3A_316 : memref<1x80x128xi32, #tpu.memory_space<hbm>> -> memref<80x128xi32, #tpu.memory_space<hbm>>
      tpu.wait_dma2 semaphore(%run_scoped3A_307 : memref<!tpu.dma_semaphore, #tpu.memory_space<semaphore_mem>>) src(%dma_wait3A_317 : memref<80x128xi32, #tpu.memory_space<hbm>>) dst(%arg5 : memref<80x128xi32, #tpu.memory_space<vmem>>)
      tpu.yield
    }) : () -> ()
    %mul3A_289 = arith.constant 640 : i32
    %mul3A_290 = arith.muli %arg1, %mul3A_289 : i32
    "tpu.region"() ({
      %run_scoped3A_307 = tpu.sem_alloc : memref<!tpu.dma_semaphore, #tpu.memory_space<semaphore_mem>>
      %dma_start3A = tpu.memref_slice %arg4[%mul3A_290] : memref<10240xf32, #tpu.memory_space<vmem_shared>> -> memref<640xf32, #tpu.memory_space<vmem_shared>>
      %dma_start3A_308 = tpu.memref_slice %arg4[%mul3A_290] : memref<10240xf32, #tpu.memory_space<vmem_shared>> -> memref<640xf32, #tpu.memory_space<vmem_shared>>
      tpu.enqueue_dma source(%arg7 : memref<640xf32, #tpu.memory_space<vmem>>) target(%dma_start3A_308 : memref<640xf32, #tpu.memory_space<vmem_shared>>) target_semaphore(%run_scoped3A_307 : memref<!tpu.dma_semaphore, #tpu.memory_space<semaphore_mem>>)
      %dma_wait3A = tpu.memref_slice %arg4[%mul3A_290] : memref<10240xf32, #tpu.memory_space<vmem_shared>> -> memref<640xf32, #tpu.memory_space<vmem_shared>>
      %dma_wait3A_309 = tpu.memref_slice %arg4[%mul3A_290] : memref<10240xf32, #tpu.memory_space<vmem_shared>> -> memref<640xf32, #tpu.memory_space<vmem_shared>>
      tpu.wait_dma2 semaphore(%run_scoped3A_307 : memref<!tpu.dma_semaphore, #tpu.memory_space<semaphore_mem>>) src(%arg7 : memref<640xf32, #tpu.memory_space<vmem>>) dst(%dma_wait3A_309 : memref<640xf32, #tpu.memory_space<vmem_shared>>)
      tpu.yield
    }) : () -> ()
    %barrier3A = arith.constant 0 : index
    tpu.barrier barrier_id(%barrier3A)
    %scan3A = arith.constant 0 : i32
    %scan3A_291 = arith.constant 0 : i32
    %scan3A_292 = arith.constant 80 : i32
    %scan3A_293 = arith.addi %scan3A_291, %scan3A_292 : i32
    %scan3A_294 = arith.constant 1 : i32
    scf.for %scan3A_307 = %scan3A_291 to %scan3A_293 step %scan3A_294  : i32 {
      %dma_start3A = arith.constant 0 : i32
      %dma_start3A_308 = tpu.memref_slice %arg5[%scan3A_307, %dma_start3A] : memref<80x128xi32, #tpu.memory_space<vmem>> -> memref<1x128xi32, #tpu.memory_space<vmem>>
      %dma_start3A_309 = tpu.memref_squeeze %dma_start3A_308 : memref<1x128xi32, #tpu.memory_space<vmem>> -> memref<128xi32, #tpu.memory_space<vmem>>
      %dma_start3A_310 = arith.constant 0 : i32
      %dma_start3A_311 = tpu.memref_slice %arg4[%dma_start3A_310] : memref<10240xf32, #tpu.memory_space<vmem_shared>> -> memref<10240xf32, #tpu.memory_space<vmem_shared>>
      tpu.enqueue_indirect_dma source(%arg6 : memref<128xf32, #tpu.memory_space<vmem>>) target(%dma_start3A_311 : memref<10240xf32, #tpu.memory_space<vmem_shared>>) offsets(%dma_start3A_309 : memref<128xi32, #tpu.memory_space<vmem>>) semaphore(%arg8 : memref<!tpu.dma_semaphore, #tpu.memory_space<semaphore_mem>>) {add = true}
    }
    %scan3A_295 = arith.constant 80 : i32
    %scan3A_296 = arith.constant 0 : i32
    %scan3A_297 = arith.constant 0 : i32
    %scan3A_298 = arith.constant 80 : i32
    %scan3A_299 = arith.addi %scan3A_297, %scan3A_298 : i32
    %scan3A_300 = arith.constant 1 : i32
    scf.for %scan3A_307 = %scan3A_297 to %scan3A_299 step %scan3A_300  : i32 {
      %dma_wait3A = arith.constant 0 : i32
      %dma_wait3A_308 = tpu.memref_slice %arg5[%scan3A_307, %dma_wait3A] : memref<80x128xi32, #tpu.memory_space<vmem>> -> memref<1x128xi32, #tpu.memory_space<vmem>>
      %dma_wait3A_309 = tpu.memref_squeeze %dma_wait3A_308 : memref<1x128xi32, #tpu.memory_space<vmem>> -> memref<128xi32, #tpu.memory_space<vmem>>
      %dma_wait3A_310 = arith.constant 0 : i32
      %dma_wait3A_311 = tpu.memref_slice %arg4[%dma_wait3A_310] : memref<10240xf32, #tpu.memory_space<vmem_shared>> -> memref<10240xf32, #tpu.memory_space<vmem_shared>>
      tpu.wait_indirect_dma semaphore(%arg8 : memref<!tpu.dma_semaphore, #tpu.memory_space<semaphore_mem>>) src(%arg6 : memref<128xf32, #tpu.memory_space<vmem>>) dst(%dma_wait3A_311 : memref<10240xf32, #tpu.memory_space<vmem_shared>>)
    }
    %scan3A_301 = arith.constant 80 : i32
    %barrier3A_302 = arith.constant 0 : index
    tpu.barrier barrier_id(%barrier3A_302)
    %mul3A_303 = arith.constant 640 : i32
    %mul3A_304 = arith.muli %arg1, %mul3A_303 : i32
    %mul3A_305 = arith.constant 640 : i32
    %mul3A_306 = arith.muli %arg1, %mul3A_305 : i32
    "tpu.region"() ({
      %run_scoped3A_307 = tpu.sem_alloc : memref<!tpu.dma_semaphore, #tpu.memory_space<semaphore_mem>>
      %dma_start3A = tpu.memref_slice %arg3[%arg0, %mul3A_306] : memref<2x10240xf32, #tpu.memory_space<hbm>> -> memref<1x640xf32, #tpu.memory_space<hbm>>
      %dma_start3A_308 = tpu.memref_squeeze %dma_start3A : memref<1x640xf32, #tpu.memory_space<hbm>> -> memref<640xf32, #tpu.memory_space<hbm>>
      %dma_start3A_309 = tpu.memref_slice %arg4[%mul3A_304] : memref<10240xf32, #tpu.memory_space<vmem_shared>> -> memref<640xf32, #tpu.memory_space<vmem_shared>>
      tpu.enqueue_dma source(%dma_start3A_309 : memref<640xf32, #tpu.memory_space<vmem_shared>>) target(%dma_start3A_308 : memref<640xf32, #tpu.memory_space<hbm>>) target_semaphore(%run_scoped3A_307 : memref<!tpu.dma_semaphore, #tpu.memory_space<semaphore_mem>>)
      %dma_wait3A = tpu.memref_slice %arg3[%arg0, %mul3A_306] : memref<2x10240xf32, #tpu.memory_space<hbm>> -> memref<1x640xf32, #tpu.memory_space<hbm>>
      %dma_wait3A_310 = tpu.memref_squeeze %dma_wait3A : memref<1x640xf32, #tpu.memory_space<hbm>> -> memref<640xf32, #tpu.memory_space<hbm>>
      %dma_wait3A_311 = tpu.memref_slice %arg4[%mul3A_304] : memref<10240xf32, #tpu.memory_space<vmem_shared>> -> memref<640xf32, #tpu.memory_space<vmem_shared>>
      tpu.wait_dma2 semaphore(%run_scoped3A_307 : memref<!tpu.dma_semaphore, #tpu.memory_space<semaphore_mem>>) src(%dma_wait3A_311 : memref<640xf32, #tpu.memory_space<vmem_shared>>) dst(%dma_wait3A_310 : memref<640xf32, #tpu.memory_space<hbm>>)
      tpu.yield
    }) : () -> ()
    return
  }
}

#map = affine_map<(d0, d1) -> (0, 0)>
#map1 = affine_map<(d0, d1) -> (0, 0, 0)>
module attributes {stable_mosaic.version = 14 : i64} {
  func.func @_agg_kernel(%arg0: i32, %arg1: i32, %arg2: memref<10240x64xf32, #tpu.memory_space<hbm>>, %arg3: memref<2x2560x128xi32, #tpu.memory_space<hbm>>, %arg4: memref<2x10240x64xf32, #tpu.memory_space<hbm>>, %arg5: memref<10240x64xf32, #tpu.memory_space<vmem_shared>>, %arg6: memref<10240x64xf32, #tpu.memory_space<vmem_shared>>, %arg7: memref<40x128xi32, #tpu.memory_space<vmem>>, %arg8: memref<40x128xi32, #tpu.memory_space<vmem>>, %arg9: memref<128x64xf32, #tpu.memory_space<vmem>>, %arg10: memref<128x64xf32, #tpu.memory_space<vmem>>, %arg11: memref<128x64xf32, #tpu.memory_space<vmem>>, %arg12: memref<128x64xf32, #tpu.memory_space<vmem>>, %arg13: memref<!tpu.dma_semaphore, #tpu.memory_space<semaphore_mem>>, %arg14: memref<!tpu.dma_semaphore, #tpu.memory_space<semaphore_mem>>, %arg15: memref<!tpu.dma_semaphore, #tpu.memory_space<semaphore_mem>>, %arg16: memref<!tpu.dma_semaphore, #tpu.memory_space<semaphore_mem>>) attributes {dimension_semantics = [#tpu.dimension_semantics<core_parallel>, #tpu.dimension_semantics<subcore_parallel>], iteration_bounds = array<i64: 2, 16>, scalar_prefetch = 0 : i64, scratch_operands = 12 : i64, tpu.core_type = #tpu.core_type<sc_vector_subcore>, window_params = [{transform_indices = #map}, {transform_indices = #map1}, {transform_indices = #map1}]} {
    %mul3A = arith.constant 16 : i32
    %mul3A_0 = arith.muli %arg0, %mul3A : i32
    %add3A = arith.addi %mul3A_0, %arg1 : i32
    %mul3A_1 = arith.constant 640 : i32
    %mul3A_2 = arith.muli %arg1, %mul3A_1 : i32
    "tpu.region"() ({
      %run_scoped3A_248 = tpu.sem_alloc : memref<!tpu.dma_semaphore, #tpu.memory_space<semaphore_mem>>
      %dma_start3A_249 = arith.constant 0 : i32
      %dma_start3A_250 = tpu.memref_slice %arg5[%mul3A_2, %dma_start3A_249] : memref<10240x64xf32, #tpu.memory_space<vmem_shared>> -> memref<640x64xf32, #tpu.memory_space<vmem_shared>>
      %dma_start3A_251 = arith.constant 0 : i32
      %dma_start3A_252 = tpu.memref_slice %arg2[%mul3A_2, %dma_start3A_251] : memref<10240x64xf32, #tpu.memory_space<hbm>> -> memref<640x64xf32, #tpu.memory_space<hbm>>
      tpu.enqueue_dma source(%dma_start3A_252 : memref<640x64xf32, #tpu.memory_space<hbm>>) target(%dma_start3A_250 : memref<640x64xf32, #tpu.memory_space<vmem_shared>>) target_semaphore(%run_scoped3A_248 : memref<!tpu.dma_semaphore, #tpu.memory_space<semaphore_mem>>)
      %dma_wait3A_253 = arith.constant 0 : i32
      %dma_wait3A_254 = tpu.memref_slice %arg5[%mul3A_2, %dma_wait3A_253] : memref<10240x64xf32, #tpu.memory_space<vmem_shared>> -> memref<640x64xf32, #tpu.memory_space<vmem_shared>>
      %dma_wait3A_255 = arith.constant 0 : i32
      %dma_wait3A_256 = tpu.memref_slice %arg2[%mul3A_2, %dma_wait3A_255] : memref<10240x64xf32, #tpu.memory_space<hbm>> -> memref<640x64xf32, #tpu.memory_space<hbm>>
      tpu.wait_dma2 semaphore(%run_scoped3A_248 : memref<!tpu.dma_semaphore, #tpu.memory_space<semaphore_mem>>) src(%dma_wait3A_256 : memref<640x64xf32, #tpu.memory_space<hbm>>) dst(%dma_wait3A_254 : memref<640x64xf32, #tpu.memory_space<vmem_shared>>)
      tpu.yield
    }) : () -> ()
    "tpu.region"() ({
      %run_scoped3A_248 = tpu.sem_alloc : memref<!tpu.dma_semaphore, #tpu.memory_space<semaphore_mem>>
      %dma_start3A_249 = arith.constant 0 : i32
      %dma_start3A_250 = tpu.memref_slice %arg6[%mul3A_2, %dma_start3A_249] : memref<10240x64xf32, #tpu.memory_space<vmem_shared>> -> memref<640x64xf32, #tpu.memory_space<vmem_shared>>
      %dma_start3A_251 = arith.constant 0 : i32
      %dma_start3A_252 = tpu.memref_slice %arg2[%mul3A_2, %dma_start3A_251] : memref<10240x64xf32, #tpu.memory_space<hbm>> -> memref<640x64xf32, #tpu.memory_space<hbm>>
      tpu.enqueue_dma source(%dma_start3A_252 : memref<640x64xf32, #tpu.memory_space<hbm>>) target(%dma_start3A_250 : memref<640x64xf32, #tpu.memory_space<vmem_shared>>) target_semaphore(%run_scoped3A_248 : memref<!tpu.dma_semaphore, #tpu.memory_space<semaphore_mem>>)
      %dma_wait3A_253 = arith.constant 0 : i32
      %dma_wait3A_254 = tpu.memref_slice %arg6[%mul3A_2, %dma_wait3A_253] : memref<10240x64xf32, #tpu.memory_space<vmem_shared>> -> memref<640x64xf32, #tpu.memory_space<vmem_shared>>
      %dma_wait3A_255 = arith.constant 0 : i32
      %dma_wait3A_256 = tpu.memref_slice %arg2[%mul3A_2, %dma_wait3A_255] : memref<10240x64xf32, #tpu.memory_space<hbm>> -> memref<640x64xf32, #tpu.memory_space<hbm>>
      tpu.wait_dma2 semaphore(%run_scoped3A_248 : memref<!tpu.dma_semaphore, #tpu.memory_space<semaphore_mem>>) src(%dma_wait3A_256 : memref<640x64xf32, #tpu.memory_space<hbm>>) dst(%dma_wait3A_254 : memref<640x64xf32, #tpu.memory_space<vmem_shared>>)
      tpu.yield
    }) : () -> ()
    %barrier3A = arith.constant 0 : index
    tpu.barrier barrier_id(%barrier3A)
    %mul3A_3 = arith.constant 80 : i32
    %mul3A_4 = arith.muli %add3A, %mul3A_3 : i32
    %add3A_5 = arith.constant 0 : i32
    %add3A_6 = arith.addi %mul3A_4, %add3A_5 : i32
    %run_scoped3A = arith.constant 0 : i32
    "tpu.region"() ({
      %run_scoped3A_248 = tpu.sem_alloc : memref<!tpu.dma_semaphore, #tpu.memory_space<semaphore_mem>>
      %dma_start3A_249 = arith.constant 0 : i32
      %dma_start3A_250 = tpu.memref_slice %arg3[%run_scoped3A, %add3A_6, %dma_start3A_249] : memref<2x2560x128xi32, #tpu.memory_space<hbm>> -> memref<1x40x128xi32, #tpu.memory_space<hbm>>
      %dma_start3A_251 = tpu.memref_squeeze %dma_start3A_250 : memref<1x40x128xi32, #tpu.memory_space<hbm>> -> memref<40x128xi32, #tpu.memory_space<hbm>>
      %dma_start3A_252 = arith.constant 0 : i32
      %dma_start3A_253 = tpu.memref_slice %arg3[%run_scoped3A, %add3A_6, %dma_start3A_252] : memref<2x2560x128xi32, #tpu.memory_space<hbm>> -> memref<1x40x128xi32, #tpu.memory_space<hbm>>
      %dma_start3A_254 = tpu.memref_squeeze %dma_start3A_253 : memref<1x40x128xi32, #tpu.memory_space<hbm>> -> memref<40x128xi32, #tpu.memory_space<hbm>>
      tpu.enqueue_dma source(%dma_start3A_254 : memref<40x128xi32, #tpu.memory_space<hbm>>) target(%arg7 : memref<40x128xi32, #tpu.memory_space<vmem>>) target_semaphore(%run_scoped3A_248 : memref<!tpu.dma_semaphore, #tpu.memory_space<semaphore_mem>>)
      %dma_wait3A_255 = arith.constant 0 : i32
      %dma_wait3A_256 = tpu.memref_slice %arg3[%run_scoped3A, %add3A_6, %dma_wait3A_255] : memref<2x2560x128xi32, #tpu.memory_space<hbm>> -> memref<1x40x128xi32, #tpu.memory_space<hbm>>
      %dma_wait3A_257 = tpu.memref_squeeze %dma_wait3A_256 : memref<1x40x128xi32, #tpu.memory_space<hbm>> -> memref<40x128xi32, #tpu.memory_space<hbm>>
      %dma_wait3A_258 = arith.constant 0 : i32
      %dma_wait3A_259 = tpu.memref_slice %arg3[%run_scoped3A, %add3A_6, %dma_wait3A_258] : memref<2x2560x128xi32, #tpu.memory_space<hbm>> -> memref<1x40x128xi32, #tpu.memory_space<hbm>>
      %dma_wait3A_260 = tpu.memref_squeeze %dma_wait3A_259 : memref<1x40x128xi32, #tpu.memory_space<hbm>> -> memref<40x128xi32, #tpu.memory_space<hbm>>
      tpu.wait_dma2 semaphore(%run_scoped3A_248 : memref<!tpu.dma_semaphore, #tpu.memory_space<semaphore_mem>>) src(%dma_wait3A_260 : memref<40x128xi32, #tpu.memory_space<hbm>>) dst(%arg7 : memref<40x128xi32, #tpu.memory_space<vmem>>)
      tpu.yield
    }) : () -> ()
    %run_scoped3A_7 = arith.constant 1 : i32
    "tpu.region"() ({
      %run_scoped3A_248 = tpu.sem_alloc : memref<!tpu.dma_semaphore, #tpu.memory_space<semaphore_mem>>
      %dma_start3A_249 = arith.constant 0 : i32
      %dma_start3A_250 = tpu.memref_slice %arg3[%run_scoped3A_7, %add3A_6, %dma_start3A_249] : memref<2x2560x128xi32, #tpu.memory_space<hbm>> -> memref<1x40x128xi32, #tpu.memory_space<hbm>>
      %dma_start3A_251 = tpu.memref_squeeze %dma_start3A_250 : memref<1x40x128xi32, #tpu.memory_space<hbm>> -> memref<40x128xi32, #tpu.memory_space<hbm>>
      %dma_start3A_252 = arith.constant 0 : i32
      %dma_start3A_253 = tpu.memref_slice %arg3[%run_scoped3A_7, %add3A_6, %dma_start3A_252] : memref<2x2560x128xi32, #tpu.memory_space<hbm>> -> memref<1x40x128xi32, #tpu.memory_space<hbm>>
      %dma_start3A_254 = tpu.memref_squeeze %dma_start3A_253 : memref<1x40x128xi32, #tpu.memory_space<hbm>> -> memref<40x128xi32, #tpu.memory_space<hbm>>
      tpu.enqueue_dma source(%dma_start3A_254 : memref<40x128xi32, #tpu.memory_space<hbm>>) target(%arg8 : memref<40x128xi32, #tpu.memory_space<vmem>>) target_semaphore(%run_scoped3A_248 : memref<!tpu.dma_semaphore, #tpu.memory_space<semaphore_mem>>)
      %dma_wait3A_255 = arith.constant 0 : i32
      %dma_wait3A_256 = tpu.memref_slice %arg3[%run_scoped3A_7, %add3A_6, %dma_wait3A_255] : memref<2x2560x128xi32, #tpu.memory_space<hbm>> -> memref<1x40x128xi32, #tpu.memory_space<hbm>>
      %dma_wait3A_257 = tpu.memref_squeeze %dma_wait3A_256 : memref<1x40x128xi32, #tpu.memory_space<hbm>> -> memref<40x128xi32, #tpu.memory_space<hbm>>
      %dma_wait3A_258 = arith.constant 0 : i32
      %dma_wait3A_259 = tpu.memref_slice %arg3[%run_scoped3A_7, %add3A_6, %dma_wait3A_258] : memref<2x2560x128xi32, #tpu.memory_space<hbm>> -> memref<1x40x128xi32, #tpu.memory_space<hbm>>
      %dma_wait3A_260 = tpu.memref_squeeze %dma_wait3A_259 : memref<1x40x128xi32, #tpu.memory_space<hbm>> -> memref<40x128xi32, #tpu.memory_space<hbm>>
      tpu.wait_dma2 semaphore(%run_scoped3A_248 : memref<!tpu.dma_semaphore, #tpu.memory_space<semaphore_mem>>) src(%dma_wait3A_260 : memref<40x128xi32, #tpu.memory_space<hbm>>) dst(%arg8 : memref<40x128xi32, #tpu.memory_space<vmem>>)
      tpu.yield
    }) : () -> ()
    %dma_start3A = arith.constant 0 : i32
    %dma_start3A_8 = arith.constant 0 : i32
    %dma_start3A_9 = tpu.memref_slice %arg7[%dma_start3A, %dma_start3A_8] : memref<40x128xi32, #tpu.memory_space<vmem>> -> memref<1x128xi32, #tpu.memory_space<vmem>>
    %dma_start3A_10 = tpu.memref_squeeze %dma_start3A_9 : memref<1x128xi32, #tpu.memory_space<vmem>> -> memref<128xi32, #tpu.memory_space<vmem>>
    %dma_start3A_11 = arith.constant 0 : i32
    %dma_start3A_12 = arith.constant 0 : i32
    %dma_start3A_13 = tpu.memref_slice %arg6[%dma_start3A_11, %dma_start3A_12] : memref<10240x64xf32, #tpu.memory_space<vmem_shared>> -> memref<10240x64xf32, #tpu.memory_space<vmem_shared>>
    tpu.enqueue_indirect_dma source(%dma_start3A_13 : memref<10240x64xf32, #tpu.memory_space<vmem_shared>>) target(%arg9 : memref<128x64xf32, #tpu.memory_space<vmem>>) offsets(%dma_start3A_10 : memref<128xi32, #tpu.memory_space<vmem>>) semaphore(%arg13 : memref<!tpu.dma_semaphore, #tpu.memory_space<semaphore_mem>>)
    %dma_start3A_14 = arith.constant 1 : i32
    %dma_start3A_15 = arith.constant 0 : i32
    %dma_start3A_16 = tpu.memref_slice %arg7[%dma_start3A_14, %dma_start3A_15] : memref<40x128xi32, #tpu.memory_space<vmem>> -> memref<1x128xi32, #tpu.memory_space<vmem>>
    %dma_start3A_17 = tpu.memref_squeeze %dma_start3A_16 : memref<1x128xi32, #tpu.memory_space<vmem>> -> memref<128xi32, #tpu.memory_space<vmem>>
    %dma_start3A_18 = arith.constant 0 : i32
    %dma_start3A_19 = arith.constant 0 : i32
    %dma_start3A_20 = tpu.memref_slice %arg6[%dma_start3A_18, %dma_start3A_19] : memref<10240x64xf32, #tpu.memory_space<vmem_shared>> -> memref<10240x64xf32, #tpu.memory_space<vmem_shared>>
    tpu.enqueue_indirect_dma source(%dma_start3A_20 : memref<10240x64xf32, #tpu.memory_space<vmem_shared>>) target(%arg10 : memref<128x64xf32, #tpu.memory_space<vmem>>) offsets(%dma_start3A_17 : memref<128xi32, #tpu.memory_space<vmem>>) semaphore(%arg14 : memref<!tpu.dma_semaphore, #tpu.memory_space<semaphore_mem>>)
    %dma_wait3A = arith.constant 0 : i32
    %dma_wait3A_21 = arith.constant 0 : i32
    %dma_wait3A_22 = tpu.memref_slice %arg7[%dma_wait3A, %dma_wait3A_21] : memref<40x128xi32, #tpu.memory_space<vmem>> -> memref<1x128xi32, #tpu.memory_space<vmem>>
    %dma_wait3A_23 = tpu.memref_squeeze %dma_wait3A_22 : memref<1x128xi32, #tpu.memory_space<vmem>> -> memref<128xi32, #tpu.memory_space<vmem>>
    %dma_wait3A_24 = arith.constant 0 : i32
    %dma_wait3A_25 = arith.constant 0 : i32
    %dma_wait3A_26 = tpu.memref_slice %arg6[%dma_wait3A_24, %dma_wait3A_25] : memref<10240x64xf32, #tpu.memory_space<vmem_shared>> -> memref<10240x64xf32, #tpu.memory_space<vmem_shared>>
    tpu.wait_indirect_dma semaphore(%arg13 : memref<!tpu.dma_semaphore, #tpu.memory_space<semaphore_mem>>) src(%dma_wait3A_26 : memref<10240x64xf32, #tpu.memory_space<vmem_shared>>) dst(%arg9 : memref<128x64xf32, #tpu.memory_space<vmem>>)
    %dma_start3A_27 = arith.constant 0 : i32
    %dma_start3A_28 = arith.constant 0 : i32
    %dma_start3A_29 = tpu.memref_slice %arg8[%dma_start3A_27, %dma_start3A_28] : memref<40x128xi32, #tpu.memory_space<vmem>> -> memref<1x128xi32, #tpu.memory_space<vmem>>
    %dma_start3A_30 = tpu.memref_squeeze %dma_start3A_29 : memref<1x128xi32, #tpu.memory_space<vmem>> -> memref<128xi32, #tpu.memory_space<vmem>>
    %dma_start3A_31 = arith.constant 0 : i32
    %dma_start3A_32 = arith.constant 0 : i32
    %dma_start3A_33 = tpu.memref_slice %arg5[%dma_start3A_31, %dma_start3A_32] : memref<10240x64xf32, #tpu.memory_space<vmem_shared>> -> memref<10240x64xf32, #tpu.memory_space<vmem_shared>>
    tpu.enqueue_indirect_dma source(%arg9 : memref<128x64xf32, #tpu.memory_space<vmem>>) target(%dma_start3A_33 : memref<10240x64xf32, #tpu.memory_space<vmem_shared>>) offsets(%dma_start3A_30 : memref<128xi32, #tpu.memory_space<vmem>>) semaphore(%arg13 : memref<!tpu.dma_semaphore, #tpu.memory_space<semaphore_mem>>) {add = true}
    %dma_start3A_34 = arith.constant 2 : i32
    %dma_start3A_35 = arith.constant 0 : i32
    %dma_start3A_36 = tpu.memref_slice %arg7[%dma_start3A_34, %dma_start3A_35] : memref<40x128xi32, #tpu.memory_space<vmem>> -> memref<1x128xi32, #tpu.memory_space<vmem>>
    %dma_start3A_37 = tpu.memref_squeeze %dma_start3A_36 : memref<1x128xi32, #tpu.memory_space<vmem>> -> memref<128xi32, #tpu.memory_space<vmem>>
    %dma_start3A_38 = arith.constant 0 : i32
    %dma_start3A_39 = arith.constant 0 : i32
    %dma_start3A_40 = tpu.memref_slice %arg6[%dma_start3A_38, %dma_start3A_39] : memref<10240x64xf32, #tpu.memory_space<vmem_shared>> -> memref<10240x64xf32, #tpu.memory_space<vmem_shared>>
    tpu.enqueue_indirect_dma source(%dma_start3A_40 : memref<10240x64xf32, #tpu.memory_space<vmem_shared>>) target(%arg11 : memref<128x64xf32, #tpu.memory_space<vmem>>) offsets(%dma_start3A_37 : memref<128xi32, #tpu.memory_space<vmem>>) semaphore(%arg15 : memref<!tpu.dma_semaphore, #tpu.memory_space<semaphore_mem>>)
    %dma_wait3A_41 = arith.constant 1 : i32
    %dma_wait3A_42 = arith.constant 0 : i32
    %dma_wait3A_43 = tpu.memref_slice %arg7[%dma_wait3A_41, %dma_wait3A_42] : memref<40x128xi32, #tpu.memory_space<vmem>> -> memref<1x128xi32, #tpu.memory_space<vmem>>
    %dma_wait3A_44 = tpu.memref_squeeze %dma_wait3A_43 : memref<1x128xi32, #tpu.memory_space<vmem>> -> memref<128xi32, #tpu.memory_space<vmem>>
    %dma_wait3A_45 = arith.constant 0 : i32
    %dma_wait3A_46 = arith.constant 0 : i32
    %dma_wait3A_47 = tpu.memref_slice %arg6[%dma_wait3A_45, %dma_wait3A_46] : memref<10240x64xf32, #tpu.memory_space<vmem_shared>> -> memref<10240x64xf32, #tpu.memory_space<vmem_shared>>
    tpu.wait_indirect_dma semaphore(%arg14 : memref<!tpu.dma_semaphore, #tpu.memory_space<semaphore_mem>>) src(%dma_wait3A_47 : memref<10240x64xf32, #tpu.memory_space<vmem_shared>>) dst(%arg10 : memref<128x64xf32, #tpu.memory_space<vmem>>)
    %dma_start3A_48 = arith.constant 1 : i32
    %dma_start3A_49 = arith.constant 0 : i32
    %dma_start3A_50 = tpu.memref_slice %arg8[%dma_start3A_48, %dma_start3A_49] : memref<40x128xi32, #tpu.memory_space<vmem>> -> memref<1x128xi32, #tpu.memory_space<vmem>>
    %dma_start3A_51 = tpu.memref_squeeze %dma_start3A_50 : memref<1x128xi32, #tpu.memory_space<vmem>> -> memref<128xi32, #tpu.memory_space<vmem>>
    %dma_start3A_52 = arith.constant 0 : i32
    %dma_start3A_53 = arith.constant 0 : i32
    %dma_start3A_54 = tpu.memref_slice %arg5[%dma_start3A_52, %dma_start3A_53] : memref<10240x64xf32, #tpu.memory_space<vmem_shared>> -> memref<10240x64xf32, #tpu.memory_space<vmem_shared>>
    tpu.enqueue_indirect_dma source(%arg10 : memref<128x64xf32, #tpu.memory_space<vmem>>) target(%dma_start3A_54 : memref<10240x64xf32, #tpu.memory_space<vmem_shared>>) offsets(%dma_start3A_51 : memref<128xi32, #tpu.memory_space<vmem>>) semaphore(%arg14 : memref<!tpu.dma_semaphore, #tpu.memory_space<semaphore_mem>>) {add = true}
    %dma_start3A_55 = arith.constant 3 : i32
    %dma_start3A_56 = arith.constant 0 : i32
    %dma_start3A_57 = tpu.memref_slice %arg7[%dma_start3A_55, %dma_start3A_56] : memref<40x128xi32, #tpu.memory_space<vmem>> -> memref<1x128xi32, #tpu.memory_space<vmem>>
    %dma_start3A_58 = tpu.memref_squeeze %dma_start3A_57 : memref<1x128xi32, #tpu.memory_space<vmem>> -> memref<128xi32, #tpu.memory_space<vmem>>
    %dma_start3A_59 = arith.constant 0 : i32
    %dma_start3A_60 = arith.constant 0 : i32
    %dma_start3A_61 = tpu.memref_slice %arg6[%dma_start3A_59, %dma_start3A_60] : memref<10240x64xf32, #tpu.memory_space<vmem_shared>> -> memref<10240x64xf32, #tpu.memory_space<vmem_shared>>
    tpu.enqueue_indirect_dma source(%dma_start3A_61 : memref<10240x64xf32, #tpu.memory_space<vmem_shared>>) target(%arg12 : memref<128x64xf32, #tpu.memory_space<vmem>>) offsets(%dma_start3A_58 : memref<128xi32, #tpu.memory_space<vmem>>) semaphore(%arg16 : memref<!tpu.dma_semaphore, #tpu.memory_space<semaphore_mem>>)
    %scan3A = arith.constant 0 : i32
    %scan3A_62 = arith.constant 0 : i32
    %scan3A_63 = arith.constant 9 : i32
    %scan3A_64 = arith.addi %scan3A_62, %scan3A_63 : i32
    %scan3A_65 = arith.constant 1 : i32
    scf.for %scan3A_248 = %scan3A_62 to %scan3A_64 step %scan3A_65  : i32 {
      %mul3A_249 = arith.constant 4 : i32
      %mul3A_250 = arith.muli %mul3A_249, %scan3A_248 : i32
      %add3A_251 = arith.constant 2 : i32
      %add3A_252 = arith.addi %mul3A_250, %add3A_251 : i32
      %add3A_253 = arith.constant 0 : i32
      %add3A_254 = arith.addi %add3A_252, %add3A_253 : i32
      %dma_wait3A_255 = arith.constant 0 : i32
      %dma_wait3A_256 = tpu.memref_slice %arg7[%add3A_254, %dma_wait3A_255] : memref<40x128xi32, #tpu.memory_space<vmem>> -> memref<1x128xi32, #tpu.memory_space<vmem>>
      %dma_wait3A_257 = tpu.memref_squeeze %dma_wait3A_256 : memref<1x128xi32, #tpu.memory_space<vmem>> -> memref<128xi32, #tpu.memory_space<vmem>>
      %dma_wait3A_258 = arith.constant 0 : i32
      %dma_wait3A_259 = arith.constant 0 : i32
      %dma_wait3A_260 = tpu.memref_slice %arg6[%dma_wait3A_258, %dma_wait3A_259] : memref<10240x64xf32, #tpu.memory_space<vmem_shared>> -> memref<10240x64xf32, #tpu.memory_space<vmem_shared>>
      tpu.wait_indirect_dma semaphore(%arg15 : memref<!tpu.dma_semaphore, #tpu.memory_space<semaphore_mem>>) src(%dma_wait3A_260 : memref<10240x64xf32, #tpu.memory_space<vmem_shared>>) dst(%arg11 : memref<128x64xf32, #tpu.memory_space<vmem>>)
      %dma_start3A_261 = arith.constant 0 : i32
      %dma_start3A_262 = tpu.memref_slice %arg8[%add3A_254, %dma_start3A_261] : memref<40x128xi32, #tpu.memory_space<vmem>> -> memref<1x128xi32, #tpu.memory_space<vmem>>
      %dma_start3A_263 = tpu.memref_squeeze %dma_start3A_262 : memref<1x128xi32, #tpu.memory_space<vmem>> -> memref<128xi32, #tpu.memory_space<vmem>>
      %dma_start3A_264 = arith.constant 0 : i32
      %dma_start3A_265 = arith.constant 0 : i32
      %dma_start3A_266 = tpu.memref_slice %arg5[%dma_start3A_264, %dma_start3A_265] : memref<10240x64xf32, #tpu.memory_space<vmem_shared>> -> memref<10240x64xf32, #tpu.memory_space<vmem_shared>>
      tpu.enqueue_indirect_dma source(%arg11 : memref<128x64xf32, #tpu.memory_space<vmem>>) target(%dma_start3A_266 : memref<10240x64xf32, #tpu.memory_space<vmem_shared>>) offsets(%dma_start3A_263 : memref<128xi32, #tpu.memory_space<vmem>>) semaphore(%arg15 : memref<!tpu.dma_semaphore, #tpu.memory_space<semaphore_mem>>) {add = true}
      %sub3A = arith.constant 2 : i32
      %sub3A_267 = arith.subi %add3A_254, %sub3A : i32
      %dma_wait3A_268 = arith.constant 0 : i32
      %dma_wait3A_269 = tpu.memref_slice %arg8[%sub3A_267, %dma_wait3A_268] : memref<40x128xi32, #tpu.memory_space<vmem>> -> memref<1x128xi32, #tpu.memory_space<vmem>>
      %dma_wait3A_270 = tpu.memref_squeeze %dma_wait3A_269 : memref<1x128xi32, #tpu.memory_space<vmem>> -> memref<128xi32, #tpu.memory_space<vmem>>
      %dma_wait3A_271 = arith.constant 0 : i32
      %dma_wait3A_272 = arith.constant 0 : i32
      %dma_wait3A_273 = tpu.memref_slice %arg5[%dma_wait3A_271, %dma_wait3A_272] : memref<10240x64xf32, #tpu.memory_space<vmem_shared>> -> memref<10240x64xf32, #tpu.memory_space<vmem_shared>>
      tpu.wait_indirect_dma semaphore(%arg13 : memref<!tpu.dma_semaphore, #tpu.memory_space<semaphore_mem>>) src(%arg9 : memref<128x64xf32, #tpu.memory_space<vmem>>) dst(%dma_wait3A_273 : memref<10240x64xf32, #tpu.memory_space<vmem_shared>>)
      %add3A_274 = arith.constant 2 : i32
      %add3A_275 = arith.addi %add3A_254, %add3A_274 : i32
      %dma_start3A_276 = arith.constant 0 : i32
      %dma_start3A_277 = tpu.memref_slice %arg7[%add3A_275, %dma_start3A_276] : memref<40x128xi32, #tpu.memory_space<vmem>> -> memref<1x128xi32, #tpu.memory_space<vmem>>
      %dma_start3A_278 = tpu.memref_squeeze %dma_start3A_277 : memref<1x128xi32, #tpu.memory_space<vmem>> -> memref<128xi32, #tpu.memory_space<vmem>>
      %dma_start3A_279 = arith.constant 0 : i32
      %dma_start3A_280 = arith.constant 0 : i32
      %dma_start3A_281 = tpu.memref_slice %arg6[%dma_start3A_279, %dma_start3A_280] : memref<10240x64xf32, #tpu.memory_space<vmem_shared>> -> memref<10240x64xf32, #tpu.memory_space<vmem_shared>>
      tpu.enqueue_indirect_dma source(%dma_start3A_281 : memref<10240x64xf32, #tpu.memory_space<vmem_shared>>) target(%arg9 : memref<128x64xf32, #tpu.memory_space<vmem>>) offsets(%dma_start3A_278 : memref<128xi32, #tpu.memory_space<vmem>>) semaphore(%arg13 : memref<!tpu.dma_semaphore, #tpu.memory_space<semaphore_mem>>)
      %add3A_282 = arith.constant 1 : i32
      %add3A_283 = arith.addi %add3A_252, %add3A_282 : i32
      %dma_wait3A_284 = arith.constant 0 : i32
      %dma_wait3A_285 = tpu.memref_slice %arg7[%add3A_283, %dma_wait3A_284] : memref<40x128xi32, #tpu.memory_space<vmem>> -> memref<1x128xi32, #tpu.memory_space<vmem>>
      %dma_wait3A_286 = tpu.memref_squeeze %dma_wait3A_285 : memref<1x128xi32, #tpu.memory_space<vmem>> -> memref<128xi32, #tpu.memory_space<vmem>>
      %dma_wait3A_287 = arith.constant 0 : i32
      %dma_wait3A_288 = arith.constant 0 : i32
      %dma_wait3A_289 = tpu.memref_slice %arg6[%dma_wait3A_287, %dma_wait3A_288] : memref<10240x64xf32, #tpu.memory_space<vmem_shared>> -> memref<10240x64xf32, #tpu.memory_space<vmem_shared>>
      tpu.wait_indirect_dma semaphore(%arg16 : memref<!tpu.dma_semaphore, #tpu.memory_space<semaphore_mem>>) src(%dma_wait3A_289 : memref<10240x64xf32, #tpu.memory_space<vmem_shared>>) dst(%arg12 : memref<128x64xf32, #tpu.memory_space<vmem>>)
      %dma_start3A_290 = arith.constant 0 : i32
      %dma_start3A_291 = tpu.memref_slice %arg8[%add3A_283, %dma_start3A_290] : memref<40x128xi32, #tpu.memory_space<vmem>> -> memref<1x128xi32, #tpu.memory_space<vmem>>
      %dma_start3A_292 = tpu.memref_squeeze %dma_start3A_291 : memref<1x128xi32, #tpu.memory_space<vmem>> -> memref<128xi32, #tpu.memory_space<vmem>>
      %dma_start3A_293 = arith.constant 0 : i32
      %dma_start3A_294 = arith.constant 0 : i32
      %dma_start3A_295 = tpu.memref_slice %arg5[%dma_start3A_293, %dma_start3A_294] : memref<10240x64xf32, #tpu.memory_space<vmem_shared>> -> memref<10240x64xf32, #tpu.memory_space<vmem_shared>>
      tpu.enqueue_indirect_dma source(%arg12 : memref<128x64xf32, #tpu.memory_space<vmem>>) target(%dma_start3A_295 : memref<10240x64xf32, #tpu.memory_space<vmem_shared>>) offsets(%dma_start3A_292 : memref<128xi32, #tpu.memory_space<vmem>>) semaphore(%arg16 : memref<!tpu.dma_semaphore, #tpu.memory_space<semaphore_mem>>) {add = true}
      %sub3A_296 = arith.constant 2 : i32
      %sub3A_297 = arith.subi %add3A_283, %sub3A_296 : i32
      %dma_wait3A_298 = arith.constant 0 : i32
      %dma_wait3A_299 = tpu.memref_slice %arg8[%sub3A_297, %dma_wait3A_298] : memref<40x128xi32, #tpu.memory_space<vmem>> -> memref<1x128xi32, #tpu.memory_space<vmem>>
      %dma_wait3A_300 = tpu.memref_squeeze %dma_wait3A_299 : memref<1x128xi32, #tpu.memory_space<vmem>> -> memref<128xi32, #tpu.memory_space<vmem>>
      %dma_wait3A_301 = arith.constant 0 : i32
      %dma_wait3A_302 = arith.constant 0 : i32
      %dma_wait3A_303 = tpu.memref_slice %arg5[%dma_wait3A_301, %dma_wait3A_302] : memref<10240x64xf32, #tpu.memory_space<vmem_shared>> -> memref<10240x64xf32, #tpu.memory_space<vmem_shared>>
      tpu.wait_indirect_dma semaphore(%arg14 : memref<!tpu.dma_semaphore, #tpu.memory_space<semaphore_mem>>) src(%arg10 : memref<128x64xf32, #tpu.memory_space<vmem>>) dst(%dma_wait3A_303 : memref<10240x64xf32, #tpu.memory_space<vmem_shared>>)
      %add3A_304 = arith.constant 2 : i32
      %add3A_305 = arith.addi %add3A_283, %add3A_304 : i32
      %dma_start3A_306 = arith.constant 0 : i32
      %dma_start3A_307 = tpu.memref_slice %arg7[%add3A_305, %dma_start3A_306] : memref<40x128xi32, #tpu.memory_space<vmem>> -> memref<1x128xi32, #tpu.memory_space<vmem>>
      %dma_start3A_308 = tpu.memref_squeeze %dma_start3A_307 : memref<1x128xi32, #tpu.memory_space<vmem>> -> memref<128xi32, #tpu.memory_space<vmem>>
      %dma_start3A_309 = arith.constant 0 : i32
      %dma_start3A_310 = arith.constant 0 : i32
      %dma_start3A_311 = tpu.memref_slice %arg6[%dma_start3A_309, %dma_start3A_310] : memref<10240x64xf32, #tpu.memory_space<vmem_shared>> -> memref<10240x64xf32, #tpu.memory_space<vmem_shared>>
      tpu.enqueue_indirect_dma source(%dma_start3A_311 : memref<10240x64xf32, #tpu.memory_space<vmem_shared>>) target(%arg10 : memref<128x64xf32, #tpu.memory_space<vmem>>) offsets(%dma_start3A_308 : memref<128xi32, #tpu.memory_space<vmem>>) semaphore(%arg14 : memref<!tpu.dma_semaphore, #tpu.memory_space<semaphore_mem>>)
      %add3A_312 = arith.constant 2 : i32
      %add3A_313 = arith.addi %add3A_252, %add3A_312 : i32
      %dma_wait3A_314 = arith.constant 0 : i32
      %dma_wait3A_315 = tpu.memref_slice %arg7[%add3A_313, %dma_wait3A_314] : memref<40x128xi32, #tpu.memory_space<vmem>> -> memref<1x128xi32, #tpu.memory_space<vmem>>
      %dma_wait3A_316 = tpu.memref_squeeze %dma_wait3A_315 : memref<1x128xi32, #tpu.memory_space<vmem>> -> memref<128xi32, #tpu.memory_space<vmem>>
      %dma_wait3A_317 = arith.constant 0 : i32
      %dma_wait3A_318 = arith.constant 0 : i32
      %dma_wait3A_319 = tpu.memref_slice %arg6[%dma_wait3A_317, %dma_wait3A_318] : memref<10240x64xf32, #tpu.memory_space<vmem_shared>> -> memref<10240x64xf32, #tpu.memory_space<vmem_shared>>
      tpu.wait_indirect_dma semaphore(%arg13 : memref<!tpu.dma_semaphore, #tpu.memory_space<semaphore_mem>>) src(%dma_wait3A_319 : memref<10240x64xf32, #tpu.memory_space<vmem_shared>>) dst(%arg9 : memref<128x64xf32, #tpu.memory_space<vmem>>)
      %dma_start3A_320 = arith.constant 0 : i32
      %dma_start3A_321 = tpu.memref_slice %arg8[%add3A_313, %dma_start3A_320] : memref<40x128xi32, #tpu.memory_space<vmem>> -> memref<1x128xi32, #tpu.memory_space<vmem>>
      %dma_start3A_322 = tpu.memref_squeeze %dma_start3A_321 : memref<1x128xi32, #tpu.memory_space<vmem>> -> memref<128xi32, #tpu.memory_space<vmem>>
      %dma_start3A_323 = arith.constant 0 : i32
      %dma_start3A_324 = arith.constant 0 : i32
      %dma_start3A_325 = tpu.memref_slice %arg5[%dma_start3A_323, %dma_start3A_324] : memref<10240x64xf32, #tpu.memory_space<vmem_shared>> -> memref<10240x64xf32, #tpu.memory_space<vmem_shared>>
      tpu.enqueue_indirect_dma source(%arg9 : memref<128x64xf32, #tpu.memory_space<vmem>>) target(%dma_start3A_325 : memref<10240x64xf32, #tpu.memory_space<vmem_shared>>) offsets(%dma_start3A_322 : memref<128xi32, #tpu.memory_space<vmem>>) semaphore(%arg13 : memref<!tpu.dma_semaphore, #tpu.memory_space<semaphore_mem>>) {add = true}
      %sub3A_326 = arith.constant 2 : i32
      %sub3A_327 = arith.subi %add3A_313, %sub3A_326 : i32
      %dma_wait3A_328 = arith.constant 0 : i32
      %dma_wait3A_329 = tpu.memref_slice %arg8[%sub3A_327, %dma_wait3A_328] : memref<40x128xi32, #tpu.memory_space<vmem>> -> memref<1x128xi32, #tpu.memory_space<vmem>>
      %dma_wait3A_330 = tpu.memref_squeeze %dma_wait3A_329 : memref<1x128xi32, #tpu.memory_space<vmem>> -> memref<128xi32, #tpu.memory_space<vmem>>
      %dma_wait3A_331 = arith.constant 0 : i32
      %dma_wait3A_332 = arith.constant 0 : i32
      %dma_wait3A_333 = tpu.memref_slice %arg5[%dma_wait3A_331, %dma_wait3A_332] : memref<10240x64xf32, #tpu.memory_space<vmem_shared>> -> memref<10240x64xf32, #tpu.memory_space<vmem_shared>>
      tpu.wait_indirect_dma semaphore(%arg15 : memref<!tpu.dma_semaphore, #tpu.memory_space<semaphore_mem>>) src(%arg11 : memref<128x64xf32, #tpu.memory_space<vmem>>) dst(%dma_wait3A_333 : memref<10240x64xf32, #tpu.memory_space<vmem_shared>>)
      %add3A_334 = arith.constant 2 : i32
      %add3A_335 = arith.addi %add3A_313, %add3A_334 : i32
      %dma_start3A_336 = arith.constant 0 : i32
      %dma_start3A_337 = tpu.memref_slice %arg7[%add3A_335, %dma_start3A_336] : memref<40x128xi32, #tpu.memory_space<vmem>> -> memref<1x128xi32, #tpu.memory_space<vmem>>
      %dma_start3A_338 = tpu.memref_squeeze %dma_start3A_337 : memref<1x128xi32, #tpu.memory_space<vmem>> -> memref<128xi32, #tpu.memory_space<vmem>>
      %dma_start3A_339 = arith.constant 0 : i32
      %dma_start3A_340 = arith.constant 0 : i32
      %dma_start3A_341 = tpu.memref_slice %arg6[%dma_start3A_339, %dma_start3A_340] : memref<10240x64xf32, #tpu.memory_space<vmem_shared>> -> memref<10240x64xf32, #tpu.memory_space<vmem_shared>>
      tpu.enqueue_indirect_dma source(%dma_start3A_341 : memref<10240x64xf32, #tpu.memory_space<vmem_shared>>) target(%arg11 : memref<128x64xf32, #tpu.memory_space<vmem>>) offsets(%dma_start3A_338 : memref<128xi32, #tpu.memory_space<vmem>>) semaphore(%arg15 : memref<!tpu.dma_semaphore, #tpu.memory_space<semaphore_mem>>)
      %add3A_342 = arith.constant 3 : i32
      %add3A_343 = arith.addi %add3A_252, %add3A_342 : i32
      %dma_wait3A_344 = arith.constant 0 : i32
      %dma_wait3A_345 = tpu.memref_slice %arg7[%add3A_343, %dma_wait3A_344] : memref<40x128xi32, #tpu.memory_space<vmem>> -> memref<1x128xi32, #tpu.memory_space<vmem>>
      %dma_wait3A_346 = tpu.memref_squeeze %dma_wait3A_345 : memref<1x128xi32, #tpu.memory_space<vmem>> -> memref<128xi32, #tpu.memory_space<vmem>>
      %dma_wait3A_347 = arith.constant 0 : i32
      %dma_wait3A_348 = arith.constant 0 : i32
      %dma_wait3A_349 = tpu.memref_slice %arg6[%dma_wait3A_347, %dma_wait3A_348] : memref<10240x64xf32, #tpu.memory_space<vmem_shared>> -> memref<10240x64xf32, #tpu.memory_space<vmem_shared>>
      tpu.wait_indirect_dma semaphore(%arg14 : memref<!tpu.dma_semaphore, #tpu.memory_space<semaphore_mem>>) src(%dma_wait3A_349 : memref<10240x64xf32, #tpu.memory_space<vmem_shared>>) dst(%arg10 : memref<128x64xf32, #tpu.memory_space<vmem>>)
      %dma_start3A_350 = arith.constant 0 : i32
      %dma_start3A_351 = tpu.memref_slice %arg8[%add3A_343, %dma_start3A_350] : memref<40x128xi32, #tpu.memory_space<vmem>> -> memref<1x128xi32, #tpu.memory_space<vmem>>
      %dma_start3A_352 = tpu.memref_squeeze %dma_start3A_351 : memref<1x128xi32, #tpu.memory_space<vmem>> -> memref<128xi32, #tpu.memory_space<vmem>>
      %dma_start3A_353 = arith.constant 0 : i32
      %dma_start3A_354 = arith.constant 0 : i32
      %dma_start3A_355 = tpu.memref_slice %arg5[%dma_start3A_353, %dma_start3A_354] : memref<10240x64xf32, #tpu.memory_space<vmem_shared>> -> memref<10240x64xf32, #tpu.memory_space<vmem_shared>>
      tpu.enqueue_indirect_dma source(%arg10 : memref<128x64xf32, #tpu.memory_space<vmem>>) target(%dma_start3A_355 : memref<10240x64xf32, #tpu.memory_space<vmem_shared>>) offsets(%dma_start3A_352 : memref<128xi32, #tpu.memory_space<vmem>>) semaphore(%arg14 : memref<!tpu.dma_semaphore, #tpu.memory_space<semaphore_mem>>) {add = true}
      %sub3A_356 = arith.constant 2 : i32
      %sub3A_357 = arith.subi %add3A_343, %sub3A_356 : i32
      %dma_wait3A_358 = arith.constant 0 : i32
      %dma_wait3A_359 = tpu.memref_slice %arg8[%sub3A_357, %dma_wait3A_358] : memref<40x128xi32, #tpu.memory_space<vmem>> -> memref<1x128xi32, #tpu.memory_space<vmem>>
      %dma_wait3A_360 = tpu.memref_squeeze %dma_wait3A_359 : memref<1x128xi32, #tpu.memory_space<vmem>> -> memref<128xi32, #tpu.memory_space<vmem>>
      %dma_wait3A_361 = arith.constant 0 : i32
      %dma_wait3A_362 = arith.constant 0 : i32
      %dma_wait3A_363 = tpu.memref_slice %arg5[%dma_wait3A_361, %dma_wait3A_362] : memref<10240x64xf32, #tpu.memory_space<vmem_shared>> -> memref<10240x64xf32, #tpu.memory_space<vmem_shared>>
      tpu.wait_indirect_dma semaphore(%arg16 : memref<!tpu.dma_semaphore, #tpu.memory_space<semaphore_mem>>) src(%arg12 : memref<128x64xf32, #tpu.memory_space<vmem>>) dst(%dma_wait3A_363 : memref<10240x64xf32, #tpu.memory_space<vmem_shared>>)
      %add3A_364 = arith.constant 2 : i32
      %add3A_365 = arith.addi %add3A_343, %add3A_364 : i32
      %dma_start3A_366 = arith.constant 0 : i32
      %dma_start3A_367 = tpu.memref_slice %arg7[%add3A_365, %dma_start3A_366] : memref<40x128xi32, #tpu.memory_space<vmem>> -> memref<1x128xi32, #tpu.memory_space<vmem>>
      %dma_start3A_368 = tpu.memref_squeeze %dma_start3A_367 : memref<1x128xi32, #tpu.memory_space<vmem>> -> memref<128xi32, #tpu.memory_space<vmem>>
      %dma_start3A_369 = arith.constant 0 : i32
      %dma_start3A_370 = arith.constant 0 : i32
      %dma_start3A_371 = tpu.memref_slice %arg6[%dma_start3A_369, %dma_start3A_370] : memref<10240x64xf32, #tpu.memory_space<vmem_shared>> -> memref<10240x64xf32, #tpu.memory_space<vmem_shared>>
      tpu.enqueue_indirect_dma source(%dma_start3A_371 : memref<10240x64xf32, #tpu.memory_space<vmem_shared>>) target(%arg12 : memref<128x64xf32, #tpu.memory_space<vmem>>) offsets(%dma_start3A_368 : memref<128xi32, #tpu.memory_space<vmem>>) semaphore(%arg16 : memref<!tpu.dma_semaphore, #tpu.memory_space<semaphore_mem>>)
    }
    %scan3A_66 = arith.constant 9 : i32
    %dma_wait3A_67 = arith.constant 38 : i32
    %dma_wait3A_68 = arith.constant 0 : i32
    %dma_wait3A_69 = tpu.memref_slice %arg7[%dma_wait3A_67, %dma_wait3A_68] : memref<40x128xi32, #tpu.memory_space<vmem>> -> memref<1x128xi32, #tpu.memory_space<vmem>>
    %dma_wait3A_70 = tpu.memref_squeeze %dma_wait3A_69 : memref<1x128xi32, #tpu.memory_space<vmem>> -> memref<128xi32, #tpu.memory_space<vmem>>
    %dma_wait3A_71 = arith.constant 0 : i32
    %dma_wait3A_72 = arith.constant 0 : i32
    %dma_wait3A_73 = tpu.memref_slice %arg6[%dma_wait3A_71, %dma_wait3A_72] : memref<10240x64xf32, #tpu.memory_space<vmem_shared>> -> memref<10240x64xf32, #tpu.memory_space<vmem_shared>>
    tpu.wait_indirect_dma semaphore(%arg15 : memref<!tpu.dma_semaphore, #tpu.memory_space<semaphore_mem>>) src(%dma_wait3A_73 : memref<10240x64xf32, #tpu.memory_space<vmem_shared>>) dst(%arg11 : memref<128x64xf32, #tpu.memory_space<vmem>>)
    %dma_start3A_74 = arith.constant 38 : i32
    %dma_start3A_75 = arith.constant 0 : i32
    %dma_start3A_76 = tpu.memref_slice %arg8[%dma_start3A_74, %dma_start3A_75] : memref<40x128xi32, #tpu.memory_space<vmem>> -> memref<1x128xi32, #tpu.memory_space<vmem>>
    %dma_start3A_77 = tpu.memref_squeeze %dma_start3A_76 : memref<1x128xi32, #tpu.memory_space<vmem>> -> memref<128xi32, #tpu.memory_space<vmem>>
    %dma_start3A_78 = arith.constant 0 : i32
    %dma_start3A_79 = arith.constant 0 : i32
    %dma_start3A_80 = tpu.memref_slice %arg5[%dma_start3A_78, %dma_start3A_79] : memref<10240x64xf32, #tpu.memory_space<vmem_shared>> -> memref<10240x64xf32, #tpu.memory_space<vmem_shared>>
    tpu.enqueue_indirect_dma source(%arg11 : memref<128x64xf32, #tpu.memory_space<vmem>>) target(%dma_start3A_80 : memref<10240x64xf32, #tpu.memory_space<vmem_shared>>) offsets(%dma_start3A_77 : memref<128xi32, #tpu.memory_space<vmem>>) semaphore(%arg15 : memref<!tpu.dma_semaphore, #tpu.memory_space<semaphore_mem>>) {add = true}
    %dma_wait3A_81 = arith.constant 36 : i32
    %dma_wait3A_82 = arith.constant 0 : i32
    %dma_wait3A_83 = tpu.memref_slice %arg8[%dma_wait3A_81, %dma_wait3A_82] : memref<40x128xi32, #tpu.memory_space<vmem>> -> memref<1x128xi32, #tpu.memory_space<vmem>>
    %dma_wait3A_84 = tpu.memref_squeeze %dma_wait3A_83 : memref<1x128xi32, #tpu.memory_space<vmem>> -> memref<128xi32, #tpu.memory_space<vmem>>
    %dma_wait3A_85 = arith.constant 0 : i32
    %dma_wait3A_86 = arith.constant 0 : i32
    %dma_wait3A_87 = tpu.memref_slice %arg5[%dma_wait3A_85, %dma_wait3A_86] : memref<10240x64xf32, #tpu.memory_space<vmem_shared>> -> memref<10240x64xf32, #tpu.memory_space<vmem_shared>>
    tpu.wait_indirect_dma semaphore(%arg13 : memref<!tpu.dma_semaphore, #tpu.memory_space<semaphore_mem>>) src(%arg9 : memref<128x64xf32, #tpu.memory_space<vmem>>) dst(%dma_wait3A_87 : memref<10240x64xf32, #tpu.memory_space<vmem_shared>>)
    %dma_wait3A_88 = arith.constant 39 : i32
    %dma_wait3A_89 = arith.constant 0 : i32
    %dma_wait3A_90 = tpu.memref_slice %arg7[%dma_wait3A_88, %dma_wait3A_89] : memref<40x128xi32, #tpu.memory_space<vmem>> -> memref<1x128xi32, #tpu.memory_space<vmem>>
    %dma_wait3A_91 = tpu.memref_squeeze %dma_wait3A_90 : memref<1x128xi32, #tpu.memory_space<vmem>> -> memref<128xi32, #tpu.memory_space<vmem>>
    %dma_wait3A_92 = arith.constant 0 : i32
    %dma_wait3A_93 = arith.constant 0 : i32
    %dma_wait3A_94 = tpu.memref_slice %arg6[%dma_wait3A_92, %dma_wait3A_93] : memref<10240x64xf32, #tpu.memory_space<vmem_shared>> -> memref<10240x64xf32, #tpu.memory_space<vmem_shared>>
    tpu.wait_indirect_dma semaphore(%arg16 : memref<!tpu.dma_semaphore, #tpu.memory_space<semaphore_mem>>) src(%dma_wait3A_94 : memref<10240x64xf32, #tpu.memory_space<vmem_shared>>) dst(%arg12 : memref<128x64xf32, #tpu.memory_space<vmem>>)
    %dma_start3A_95 = arith.constant 39 : i32
    %dma_start3A_96 = arith.constant 0 : i32
    %dma_start3A_97 = tpu.memref_slice %arg8[%dma_start3A_95, %dma_start3A_96] : memref<40x128xi32, #tpu.memory_space<vmem>> -> memref<1x128xi32, #tpu.memory_space<vmem>>
    %dma_start3A_98 = tpu.memref_squeeze %dma_start3A_97 : memref<1x128xi32, #tpu.memory_space<vmem>> -> memref<128xi32, #tpu.memory_space<vmem>>
    %dma_start3A_99 = arith.constant 0 : i32
    %dma_start3A_100 = arith.constant 0 : i32
    %dma_start3A_101 = tpu.memref_slice %arg5[%dma_start3A_99, %dma_start3A_100] : memref<10240x64xf32, #tpu.memory_space<vmem_shared>> -> memref<10240x64xf32, #tpu.memory_space<vmem_shared>>
    tpu.enqueue_indirect_dma source(%arg12 : memref<128x64xf32, #tpu.memory_space<vmem>>) target(%dma_start3A_101 : memref<10240x64xf32, #tpu.memory_space<vmem_shared>>) offsets(%dma_start3A_98 : memref<128xi32, #tpu.memory_space<vmem>>) semaphore(%arg16 : memref<!tpu.dma_semaphore, #tpu.memory_space<semaphore_mem>>) {add = true}
    %dma_wait3A_102 = arith.constant 37 : i32
    %dma_wait3A_103 = arith.constant 0 : i32
    %dma_wait3A_104 = tpu.memref_slice %arg8[%dma_wait3A_102, %dma_wait3A_103] : memref<40x128xi32, #tpu.memory_space<vmem>> -> memref<1x128xi32, #tpu.memory_space<vmem>>
    %dma_wait3A_105 = tpu.memref_squeeze %dma_wait3A_104 : memref<1x128xi32, #tpu.memory_space<vmem>> -> memref<128xi32, #tpu.memory_space<vmem>>
    %dma_wait3A_106 = arith.constant 0 : i32
    %dma_wait3A_107 = arith.constant 0 : i32
    %dma_wait3A_108 = tpu.memref_slice %arg5[%dma_wait3A_106, %dma_wait3A_107] : memref<10240x64xf32, #tpu.memory_space<vmem_shared>> -> memref<10240x64xf32, #tpu.memory_space<vmem_shared>>
    tpu.wait_indirect_dma semaphore(%arg14 : memref<!tpu.dma_semaphore, #tpu.memory_space<semaphore_mem>>) src(%arg10 : memref<128x64xf32, #tpu.memory_space<vmem>>) dst(%dma_wait3A_108 : memref<10240x64xf32, #tpu.memory_space<vmem_shared>>)
    %dma_wait3A_109 = arith.constant 38 : i32
    %dma_wait3A_110 = arith.constant 0 : i32
    %dma_wait3A_111 = tpu.memref_slice %arg8[%dma_wait3A_109, %dma_wait3A_110] : memref<40x128xi32, #tpu.memory_space<vmem>> -> memref<1x128xi32, #tpu.memory_space<vmem>>
    %dma_wait3A_112 = tpu.memref_squeeze %dma_wait3A_111 : memref<1x128xi32, #tpu.memory_space<vmem>> -> memref<128xi32, #tpu.memory_space<vmem>>
    %dma_wait3A_113 = arith.constant 0 : i32
    %dma_wait3A_114 = arith.constant 0 : i32
    %dma_wait3A_115 = tpu.memref_slice %arg5[%dma_wait3A_113, %dma_wait3A_114] : memref<10240x64xf32, #tpu.memory_space<vmem_shared>> -> memref<10240x64xf32, #tpu.memory_space<vmem_shared>>
    tpu.wait_indirect_dma semaphore(%arg15 : memref<!tpu.dma_semaphore, #tpu.memory_space<semaphore_mem>>) src(%arg11 : memref<128x64xf32, #tpu.memory_space<vmem>>) dst(%dma_wait3A_115 : memref<10240x64xf32, #tpu.memory_space<vmem_shared>>)
    %dma_wait3A_116 = arith.constant 39 : i32
    %dma_wait3A_117 = arith.constant 0 : i32
    %dma_wait3A_118 = tpu.memref_slice %arg8[%dma_wait3A_116, %dma_wait3A_117] : memref<40x128xi32, #tpu.memory_space<vmem>> -> memref<1x128xi32, #tpu.memory_space<vmem>>
    %dma_wait3A_119 = tpu.memref_squeeze %dma_wait3A_118 : memref<1x128xi32, #tpu.memory_space<vmem>> -> memref<128xi32, #tpu.memory_space<vmem>>
    %dma_wait3A_120 = arith.constant 0 : i32
    %dma_wait3A_121 = arith.constant 0 : i32
    %dma_wait3A_122 = tpu.memref_slice %arg5[%dma_wait3A_120, %dma_wait3A_121] : memref<10240x64xf32, #tpu.memory_space<vmem_shared>> -> memref<10240x64xf32, #tpu.memory_space<vmem_shared>>
    tpu.wait_indirect_dma semaphore(%arg16 : memref<!tpu.dma_semaphore, #tpu.memory_space<semaphore_mem>>) src(%arg12 : memref<128x64xf32, #tpu.memory_space<vmem>>) dst(%dma_wait3A_122 : memref<10240x64xf32, #tpu.memory_space<vmem_shared>>)
    %mul3A_123 = arith.constant 80 : i32
    %mul3A_124 = arith.muli %add3A, %mul3A_123 : i32
    %add3A_125 = arith.constant 40 : i32
    %add3A_126 = arith.addi %mul3A_124, %add3A_125 : i32
    %run_scoped3A_127 = arith.constant 0 : i32
    "tpu.region"() ({
      %run_scoped3A_248 = tpu.sem_alloc : memref<!tpu.dma_semaphore, #tpu.memory_space<semaphore_mem>>
      %dma_start3A_249 = arith.constant 0 : i32
      %dma_start3A_250 = tpu.memref_slice %arg3[%run_scoped3A_127, %add3A_126, %dma_start3A_249] : memref<2x2560x128xi32, #tpu.memory_space<hbm>> -> memref<1x40x128xi32, #tpu.memory_space<hbm>>
      %dma_start3A_251 = tpu.memref_squeeze %dma_start3A_250 : memref<1x40x128xi32, #tpu.memory_space<hbm>> -> memref<40x128xi32, #tpu.memory_space<hbm>>
      %dma_start3A_252 = arith.constant 0 : i32
      %dma_start3A_253 = tpu.memref_slice %arg3[%run_scoped3A_127, %add3A_126, %dma_start3A_252] : memref<2x2560x128xi32, #tpu.memory_space<hbm>> -> memref<1x40x128xi32, #tpu.memory_space<hbm>>
      %dma_start3A_254 = tpu.memref_squeeze %dma_start3A_253 : memref<1x40x128xi32, #tpu.memory_space<hbm>> -> memref<40x128xi32, #tpu.memory_space<hbm>>
      tpu.enqueue_dma source(%dma_start3A_254 : memref<40x128xi32, #tpu.memory_space<hbm>>) target(%arg7 : memref<40x128xi32, #tpu.memory_space<vmem>>) target_semaphore(%run_scoped3A_248 : memref<!tpu.dma_semaphore, #tpu.memory_space<semaphore_mem>>)
      %dma_wait3A_255 = arith.constant 0 : i32
      %dma_wait3A_256 = tpu.memref_slice %arg3[%run_scoped3A_127, %add3A_126, %dma_wait3A_255] : memref<2x2560x128xi32, #tpu.memory_space<hbm>> -> memref<1x40x128xi32, #tpu.memory_space<hbm>>
      %dma_wait3A_257 = tpu.memref_squeeze %dma_wait3A_256 : memref<1x40x128xi32, #tpu.memory_space<hbm>> -> memref<40x128xi32, #tpu.memory_space<hbm>>
      %dma_wait3A_258 = arith.constant 0 : i32
      %dma_wait3A_259 = tpu.memref_slice %arg3[%run_scoped3A_127, %add3A_126, %dma_wait3A_258] : memref<2x2560x128xi32, #tpu.memory_space<hbm>> -> memref<1x40x128xi32, #tpu.memory_space<hbm>>
      %dma_wait3A_260 = tpu.memref_squeeze %dma_wait3A_259 : memref<1x40x128xi32, #tpu.memory_space<hbm>> -> memref<40x128xi32, #tpu.memory_space<hbm>>
      tpu.wait_dma2 semaphore(%run_scoped3A_248 : memref<!tpu.dma_semaphore, #tpu.memory_space<semaphore_mem>>) src(%dma_wait3A_260 : memref<40x128xi32, #tpu.memory_space<hbm>>) dst(%arg7 : memref<40x128xi32, #tpu.memory_space<vmem>>)
      tpu.yield
    }) : () -> ()
    %run_scoped3A_128 = arith.constant 1 : i32
    "tpu.region"() ({
      %run_scoped3A_248 = tpu.sem_alloc : memref<!tpu.dma_semaphore, #tpu.memory_space<semaphore_mem>>
      %dma_start3A_249 = arith.constant 0 : i32
      %dma_start3A_250 = tpu.memref_slice %arg3[%run_scoped3A_128, %add3A_126, %dma_start3A_249] : memref<2x2560x128xi32, #tpu.memory_space<hbm>> -> memref<1x40x128xi32, #tpu.memory_space<hbm>>
      %dma_start3A_251 = tpu.memref_squeeze %dma_start3A_250 : memref<1x40x128xi32, #tpu.memory_space<hbm>> -> memref<40x128xi32, #tpu.memory_space<hbm>>
      %dma_start3A_252 = arith.constant 0 : i32
      %dma_start3A_253 = tpu.memref_slice %arg3[%run_scoped3A_128, %add3A_126, %dma_start3A_252] : memref<2x2560x128xi32, #tpu.memory_space<hbm>> -> memref<1x40x128xi32, #tpu.memory_space<hbm>>
      %dma_start3A_254 = tpu.memref_squeeze %dma_start3A_253 : memref<1x40x128xi32, #tpu.memory_space<hbm>> -> memref<40x128xi32, #tpu.memory_space<hbm>>
      tpu.enqueue_dma source(%dma_start3A_254 : memref<40x128xi32, #tpu.memory_space<hbm>>) target(%arg8 : memref<40x128xi32, #tpu.memory_space<vmem>>) target_semaphore(%run_scoped3A_248 : memref<!tpu.dma_semaphore, #tpu.memory_space<semaphore_mem>>)
      %dma_wait3A_255 = arith.constant 0 : i32
      %dma_wait3A_256 = tpu.memref_slice %arg3[%run_scoped3A_128, %add3A_126, %dma_wait3A_255] : memref<2x2560x128xi32, #tpu.memory_space<hbm>> -> memref<1x40x128xi32, #tpu.memory_space<hbm>>
      %dma_wait3A_257 = tpu.memref_squeeze %dma_wait3A_256 : memref<1x40x128xi32, #tpu.memory_space<hbm>> -> memref<40x128xi32, #tpu.memory_space<hbm>>
      %dma_wait3A_258 = arith.constant 0 : i32
      %dma_wait3A_259 = tpu.memref_slice %arg3[%run_scoped3A_128, %add3A_126, %dma_wait3A_258] : memref<2x2560x128xi32, #tpu.memory_space<hbm>> -> memref<1x40x128xi32, #tpu.memory_space<hbm>>
      %dma_wait3A_260 = tpu.memref_squeeze %dma_wait3A_259 : memref<1x40x128xi32, #tpu.memory_space<hbm>> -> memref<40x128xi32, #tpu.memory_space<hbm>>
      tpu.wait_dma2 semaphore(%run_scoped3A_248 : memref<!tpu.dma_semaphore, #tpu.memory_space<semaphore_mem>>) src(%dma_wait3A_260 : memref<40x128xi32, #tpu.memory_space<hbm>>) dst(%arg8 : memref<40x128xi32, #tpu.memory_space<vmem>>)
      tpu.yield
    }) : () -> ()
    %dma_start3A_129 = arith.constant 0 : i32
    %dma_start3A_130 = arith.constant 0 : i32
    %dma_start3A_131 = tpu.memref_slice %arg7[%dma_start3A_129, %dma_start3A_130] : memref<40x128xi32, #tpu.memory_space<vmem>> -> memref<1x128xi32, #tpu.memory_space<vmem>>
    %dma_start3A_132 = tpu.memref_squeeze %dma_start3A_131 : memref<1x128xi32, #tpu.memory_space<vmem>> -> memref<128xi32, #tpu.memory_space<vmem>>
    %dma_start3A_133 = arith.constant 0 : i32
    %dma_start3A_134 = arith.constant 0 : i32
    %dma_start3A_135 = tpu.memref_slice %arg6[%dma_start3A_133, %dma_start3A_134] : memref<10240x64xf32, #tpu.memory_space<vmem_shared>> -> memref<10240x64xf32, #tpu.memory_space<vmem_shared>>
    tpu.enqueue_indirect_dma source(%dma_start3A_135 : memref<10240x64xf32, #tpu.memory_space<vmem_shared>>) target(%arg9 : memref<128x64xf32, #tpu.memory_space<vmem>>) offsets(%dma_start3A_132 : memref<128xi32, #tpu.memory_space<vmem>>) semaphore(%arg13 : memref<!tpu.dma_semaphore, #tpu.memory_space<semaphore_mem>>)
    %dma_start3A_136 = arith.constant 1 : i32
    %dma_start3A_137 = arith.constant 0 : i32
    %dma_start3A_138 = tpu.memref_slice %arg7[%dma_start3A_136, %dma_start3A_137] : memref<40x128xi32, #tpu.memory_space<vmem>> -> memref<1x128xi32, #tpu.memory_space<vmem>>
    %dma_start3A_139 = tpu.memref_squeeze %dma_start3A_138 : memref<1x128xi32, #tpu.memory_space<vmem>> -> memref<128xi32, #tpu.memory_space<vmem>>
    %dma_start3A_140 = arith.constant 0 : i32
    %dma_start3A_141 = arith.constant 0 : i32
    %dma_start3A_142 = tpu.memref_slice %arg6[%dma_start3A_140, %dma_start3A_141] : memref<10240x64xf32, #tpu.memory_space<vmem_shared>> -> memref<10240x64xf32, #tpu.memory_space<vmem_shared>>
    tpu.enqueue_indirect_dma source(%dma_start3A_142 : memref<10240x64xf32, #tpu.memory_space<vmem_shared>>) target(%arg10 : memref<128x64xf32, #tpu.memory_space<vmem>>) offsets(%dma_start3A_139 : memref<128xi32, #tpu.memory_space<vmem>>) semaphore(%arg14 : memref<!tpu.dma_semaphore, #tpu.memory_space<semaphore_mem>>)
    %dma_wait3A_143 = arith.constant 0 : i32
    %dma_wait3A_144 = arith.constant 0 : i32
    %dma_wait3A_145 = tpu.memref_slice %arg7[%dma_wait3A_143, %dma_wait3A_144] : memref<40x128xi32, #tpu.memory_space<vmem>> -> memref<1x128xi32, #tpu.memory_space<vmem>>
    %dma_wait3A_146 = tpu.memref_squeeze %dma_wait3A_145 : memref<1x128xi32, #tpu.memory_space<vmem>> -> memref<128xi32, #tpu.memory_space<vmem>>
    %dma_wait3A_147 = arith.constant 0 : i32
    %dma_wait3A_148 = arith.constant 0 : i32
    %dma_wait3A_149 = tpu.memref_slice %arg6[%dma_wait3A_147, %dma_wait3A_148] : memref<10240x64xf32, #tpu.memory_space<vmem_shared>> -> memref<10240x64xf32, #tpu.memory_space<vmem_shared>>
    tpu.wait_indirect_dma semaphore(%arg13 : memref<!tpu.dma_semaphore, #tpu.memory_space<semaphore_mem>>) src(%dma_wait3A_149 : memref<10240x64xf32, #tpu.memory_space<vmem_shared>>) dst(%arg9 : memref<128x64xf32, #tpu.memory_space<vmem>>)
    %dma_start3A_150 = arith.constant 0 : i32
    %dma_start3A_151 = arith.constant 0 : i32
    %dma_start3A_152 = tpu.memref_slice %arg8[%dma_start3A_150, %dma_start3A_151] : memref<40x128xi32, #tpu.memory_space<vmem>> -> memref<1x128xi32, #tpu.memory_space<vmem>>
    %dma_start3A_153 = tpu.memref_squeeze %dma_start3A_152 : memref<1x128xi32, #tpu.memory_space<vmem>> -> memref<128xi32, #tpu.memory_space<vmem>>
    %dma_start3A_154 = arith.constant 0 : i32
    %dma_start3A_155 = arith.constant 0 : i32
    %dma_start3A_156 = tpu.memref_slice %arg5[%dma_start3A_154, %dma_start3A_155] : memref<10240x64xf32, #tpu.memory_space<vmem_shared>> -> memref<10240x64xf32, #tpu.memory_space<vmem_shared>>
    tpu.enqueue_indirect_dma source(%arg9 : memref<128x64xf32, #tpu.memory_space<vmem>>) target(%dma_start3A_156 : memref<10240x64xf32, #tpu.memory_space<vmem_shared>>) offsets(%dma_start3A_153 : memref<128xi32, #tpu.memory_space<vmem>>) semaphore(%arg13 : memref<!tpu.dma_semaphore, #tpu.memory_space<semaphore_mem>>) {add = true}
    %dma_start3A_157 = arith.constant 2 : i32
    %dma_start3A_158 = arith.constant 0 : i32
    %dma_start3A_159 = tpu.memref_slice %arg7[%dma_start3A_157, %dma_start3A_158] : memref<40x128xi32, #tpu.memory_space<vmem>> -> memref<1x128xi32, #tpu.memory_space<vmem>>
    %dma_start3A_160 = tpu.memref_squeeze %dma_start3A_159 : memref<1x128xi32, #tpu.memory_space<vmem>> -> memref<128xi32, #tpu.memory_space<vmem>>
    %dma_start3A_161 = arith.constant 0 : i32
    %dma_start3A_162 = arith.constant 0 : i32
    %dma_start3A_163 = tpu.memref_slice %arg6[%dma_start3A_161, %dma_start3A_162] : memref<10240x64xf32, #tpu.memory_space<vmem_shared>> -> memref<10240x64xf32, #tpu.memory_space<vmem_shared>>
    tpu.enqueue_indirect_dma source(%dma_start3A_163 : memref<10240x64xf32, #tpu.memory_space<vmem_shared>>) target(%arg11 : memref<128x64xf32, #tpu.memory_space<vmem>>) offsets(%dma_start3A_160 : memref<128xi32, #tpu.memory_space<vmem>>) semaphore(%arg15 : memref<!tpu.dma_semaphore, #tpu.memory_space<semaphore_mem>>)
    %dma_wait3A_164 = arith.constant 1 : i32
    %dma_wait3A_165 = arith.constant 0 : i32
    %dma_wait3A_166 = tpu.memref_slice %arg7[%dma_wait3A_164, %dma_wait3A_165] : memref<40x128xi32, #tpu.memory_space<vmem>> -> memref<1x128xi32, #tpu.memory_space<vmem>>
    %dma_wait3A_167 = tpu.memref_squeeze %dma_wait3A_166 : memref<1x128xi32, #tpu.memory_space<vmem>> -> memref<128xi32, #tpu.memory_space<vmem>>
    %dma_wait3A_168 = arith.constant 0 : i32
    %dma_wait3A_169 = arith.constant 0 : i32
    %dma_wait3A_170 = tpu.memref_slice %arg6[%dma_wait3A_168, %dma_wait3A_169] : memref<10240x64xf32, #tpu.memory_space<vmem_shared>> -> memref<10240x64xf32, #tpu.memory_space<vmem_shared>>
    tpu.wait_indirect_dma semaphore(%arg14 : memref<!tpu.dma_semaphore, #tpu.memory_space<semaphore_mem>>) src(%dma_wait3A_170 : memref<10240x64xf32, #tpu.memory_space<vmem_shared>>) dst(%arg10 : memref<128x64xf32, #tpu.memory_space<vmem>>)
    %dma_start3A_171 = arith.constant 1 : i32
    %dma_start3A_172 = arith.constant 0 : i32
    %dma_start3A_173 = tpu.memref_slice %arg8[%dma_start3A_171, %dma_start3A_172] : memref<40x128xi32, #tpu.memory_space<vmem>> -> memref<1x128xi32, #tpu.memory_space<vmem>>
    %dma_start3A_174 = tpu.memref_squeeze %dma_start3A_173 : memref<1x128xi32, #tpu.memory_space<vmem>> -> memref<128xi32, #tpu.memory_space<vmem>>
    %dma_start3A_175 = arith.constant 0 : i32
    %dma_start3A_176 = arith.constant 0 : i32
    %dma_start3A_177 = tpu.memref_slice %arg5[%dma_start3A_175, %dma_start3A_176] : memref<10240x64xf32, #tpu.memory_space<vmem_shared>> -> memref<10240x64xf32, #tpu.memory_space<vmem_shared>>
    tpu.enqueue_indirect_dma source(%arg10 : memref<128x64xf32, #tpu.memory_space<vmem>>) target(%dma_start3A_177 : memref<10240x64xf32, #tpu.memory_space<vmem_shared>>) offsets(%dma_start3A_174 : memref<128xi32, #tpu.memory_space<vmem>>) semaphore(%arg14 : memref<!tpu.dma_semaphore, #tpu.memory_space<semaphore_mem>>) {add = true}
    %dma_start3A_178 = arith.constant 3 : i32
    %dma_start3A_179 = arith.constant 0 : i32
    %dma_start3A_180 = tpu.memref_slice %arg7[%dma_start3A_178, %dma_start3A_179] : memref<40x128xi32, #tpu.memory_space<vmem>> -> memref<1x128xi32, #tpu.memory_space<vmem>>
    %dma_start3A_181 = tpu.memref_squeeze %dma_start3A_180 : memref<1x128xi32, #tpu.memory_space<vmem>> -> memref<128xi32, #tpu.memory_space<vmem>>
    %dma_start3A_182 = arith.constant 0 : i32
    %dma_start3A_183 = arith.constant 0 : i32
    %dma_start3A_184 = tpu.memref_slice %arg6[%dma_start3A_182, %dma_start3A_183] : memref<10240x64xf32, #tpu.memory_space<vmem_shared>> -> memref<10240x64xf32, #tpu.memory_space<vmem_shared>>
    tpu.enqueue_indirect_dma source(%dma_start3A_184 : memref<10240x64xf32, #tpu.memory_space<vmem_shared>>) target(%arg12 : memref<128x64xf32, #tpu.memory_space<vmem>>) offsets(%dma_start3A_181 : memref<128xi32, #tpu.memory_space<vmem>>) semaphore(%arg16 : memref<!tpu.dma_semaphore, #tpu.memory_space<semaphore_mem>>)
    %scan3A_185 = arith.constant 0 : i32
    %scan3A_186 = arith.constant 0 : i32
    %scan3A_187 = arith.constant 9 : i32
    %scan3A_188 = arith.addi %scan3A_186, %scan3A_187 : i32
    %scan3A_189 = arith.constant 1 : i32
    scf.for %scan3A_248 = %scan3A_186 to %scan3A_188 step %scan3A_189  : i32 {
      %mul3A_249 = arith.constant 4 : i32
      %mul3A_250 = arith.muli %mul3A_249, %scan3A_248 : i32
      %add3A_251 = arith.constant 2 : i32
      %add3A_252 = arith.addi %mul3A_250, %add3A_251 : i32
      %add3A_253 = arith.constant 0 : i32
      %add3A_254 = arith.addi %add3A_252, %add3A_253 : i32
      %dma_wait3A_255 = arith.constant 0 : i32
      %dma_wait3A_256 = tpu.memref_slice %arg7[%add3A_254, %dma_wait3A_255] : memref<40x128xi32, #tpu.memory_space<vmem>> -> memref<1x128xi32, #tpu.memory_space<vmem>>
      %dma_wait3A_257 = tpu.memref_squeeze %dma_wait3A_256 : memref<1x128xi32, #tpu.memory_space<vmem>> -> memref<128xi32, #tpu.memory_space<vmem>>
      %dma_wait3A_258 = arith.constant 0 : i32
      %dma_wait3A_259 = arith.constant 0 : i32
      %dma_wait3A_260 = tpu.memref_slice %arg6[%dma_wait3A_258, %dma_wait3A_259] : memref<10240x64xf32, #tpu.memory_space<vmem_shared>> -> memref<10240x64xf32, #tpu.memory_space<vmem_shared>>
      tpu.wait_indirect_dma semaphore(%arg15 : memref<!tpu.dma_semaphore, #tpu.memory_space<semaphore_mem>>) src(%dma_wait3A_260 : memref<10240x64xf32, #tpu.memory_space<vmem_shared>>) dst(%arg11 : memref<128x64xf32, #tpu.memory_space<vmem>>)
      %dma_start3A_261 = arith.constant 0 : i32
      %dma_start3A_262 = tpu.memref_slice %arg8[%add3A_254, %dma_start3A_261] : memref<40x128xi32, #tpu.memory_space<vmem>> -> memref<1x128xi32, #tpu.memory_space<vmem>>
      %dma_start3A_263 = tpu.memref_squeeze %dma_start3A_262 : memref<1x128xi32, #tpu.memory_space<vmem>> -> memref<128xi32, #tpu.memory_space<vmem>>
      %dma_start3A_264 = arith.constant 0 : i32
      %dma_start3A_265 = arith.constant 0 : i32
      %dma_start3A_266 = tpu.memref_slice %arg5[%dma_start3A_264, %dma_start3A_265] : memref<10240x64xf32, #tpu.memory_space<vmem_shared>> -> memref<10240x64xf32, #tpu.memory_space<vmem_shared>>
      tpu.enqueue_indirect_dma source(%arg11 : memref<128x64xf32, #tpu.memory_space<vmem>>) target(%dma_start3A_266 : memref<10240x64xf32, #tpu.memory_space<vmem_shared>>) offsets(%dma_start3A_263 : memref<128xi32, #tpu.memory_space<vmem>>) semaphore(%arg15 : memref<!tpu.dma_semaphore, #tpu.memory_space<semaphore_mem>>) {add = true}
      %sub3A = arith.constant 2 : i32
      %sub3A_267 = arith.subi %add3A_254, %sub3A : i32
      %dma_wait3A_268 = arith.constant 0 : i32
      %dma_wait3A_269 = tpu.memref_slice %arg8[%sub3A_267, %dma_wait3A_268] : memref<40x128xi32, #tpu.memory_space<vmem>> -> memref<1x128xi32, #tpu.memory_space<vmem>>
      %dma_wait3A_270 = tpu.memref_squeeze %dma_wait3A_269 : memref<1x128xi32, #tpu.memory_space<vmem>> -> memref<128xi32, #tpu.memory_space<vmem>>
      %dma_wait3A_271 = arith.constant 0 : i32
      %dma_wait3A_272 = arith.constant 0 : i32
      %dma_wait3A_273 = tpu.memref_slice %arg5[%dma_wait3A_271, %dma_wait3A_272] : memref<10240x64xf32, #tpu.memory_space<vmem_shared>> -> memref<10240x64xf32, #tpu.memory_space<vmem_shared>>
      tpu.wait_indirect_dma semaphore(%arg13 : memref<!tpu.dma_semaphore, #tpu.memory_space<semaphore_mem>>) src(%arg9 : memref<128x64xf32, #tpu.memory_space<vmem>>) dst(%dma_wait3A_273 : memref<10240x64xf32, #tpu.memory_space<vmem_shared>>)
      %add3A_274 = arith.constant 2 : i32
      %add3A_275 = arith.addi %add3A_254, %add3A_274 : i32
      %dma_start3A_276 = arith.constant 0 : i32
      %dma_start3A_277 = tpu.memref_slice %arg7[%add3A_275, %dma_start3A_276] : memref<40x128xi32, #tpu.memory_space<vmem>> -> memref<1x128xi32, #tpu.memory_space<vmem>>
      %dma_start3A_278 = tpu.memref_squeeze %dma_start3A_277 : memref<1x128xi32, #tpu.memory_space<vmem>> -> memref<128xi32, #tpu.memory_space<vmem>>
      %dma_start3A_279 = arith.constant 0 : i32
      %dma_start3A_280 = arith.constant 0 : i32
      %dma_start3A_281 = tpu.memref_slice %arg6[%dma_start3A_279, %dma_start3A_280] : memref<10240x64xf32, #tpu.memory_space<vmem_shared>> -> memref<10240x64xf32, #tpu.memory_space<vmem_shared>>
      tpu.enqueue_indirect_dma source(%dma_start3A_281 : memref<10240x64xf32, #tpu.memory_space<vmem_shared>>) target(%arg9 : memref<128x64xf32, #tpu.memory_space<vmem>>) offsets(%dma_start3A_278 : memref<128xi32, #tpu.memory_space<vmem>>) semaphore(%arg13 : memref<!tpu.dma_semaphore, #tpu.memory_space<semaphore_mem>>)
      %add3A_282 = arith.constant 1 : i32
      %add3A_283 = arith.addi %add3A_252, %add3A_282 : i32
      %dma_wait3A_284 = arith.constant 0 : i32
      %dma_wait3A_285 = tpu.memref_slice %arg7[%add3A_283, %dma_wait3A_284] : memref<40x128xi32, #tpu.memory_space<vmem>> -> memref<1x128xi32, #tpu.memory_space<vmem>>
      %dma_wait3A_286 = tpu.memref_squeeze %dma_wait3A_285 : memref<1x128xi32, #tpu.memory_space<vmem>> -> memref<128xi32, #tpu.memory_space<vmem>>
      %dma_wait3A_287 = arith.constant 0 : i32
      %dma_wait3A_288 = arith.constant 0 : i32
      %dma_wait3A_289 = tpu.memref_slice %arg6[%dma_wait3A_287, %dma_wait3A_288] : memref<10240x64xf32, #tpu.memory_space<vmem_shared>> -> memref<10240x64xf32, #tpu.memory_space<vmem_shared>>
      tpu.wait_indirect_dma semaphore(%arg16 : memref<!tpu.dma_semaphore, #tpu.memory_space<semaphore_mem>>) src(%dma_wait3A_289 : memref<10240x64xf32, #tpu.memory_space<vmem_shared>>) dst(%arg12 : memref<128x64xf32, #tpu.memory_space<vmem>>)
      %dma_start3A_290 = arith.constant 0 : i32
      %dma_start3A_291 = tpu.memref_slice %arg8[%add3A_283, %dma_start3A_290] : memref<40x128xi32, #tpu.memory_space<vmem>> -> memref<1x128xi32, #tpu.memory_space<vmem>>
      %dma_start3A_292 = tpu.memref_squeeze %dma_start3A_291 : memref<1x128xi32, #tpu.memory_space<vmem>> -> memref<128xi32, #tpu.memory_space<vmem>>
      %dma_start3A_293 = arith.constant 0 : i32
      %dma_start3A_294 = arith.constant 0 : i32
      %dma_start3A_295 = tpu.memref_slice %arg5[%dma_start3A_293, %dma_start3A_294] : memref<10240x64xf32, #tpu.memory_space<vmem_shared>> -> memref<10240x64xf32, #tpu.memory_space<vmem_shared>>
      tpu.enqueue_indirect_dma source(%arg12 : memref<128x64xf32, #tpu.memory_space<vmem>>) target(%dma_start3A_295 : memref<10240x64xf32, #tpu.memory_space<vmem_shared>>) offsets(%dma_start3A_292 : memref<128xi32, #tpu.memory_space<vmem>>) semaphore(%arg16 : memref<!tpu.dma_semaphore, #tpu.memory_space<semaphore_mem>>) {add = true}
      %sub3A_296 = arith.constant 2 : i32
      %sub3A_297 = arith.subi %add3A_283, %sub3A_296 : i32
      %dma_wait3A_298 = arith.constant 0 : i32
      %dma_wait3A_299 = tpu.memref_slice %arg8[%sub3A_297, %dma_wait3A_298] : memref<40x128xi32, #tpu.memory_space<vmem>> -> memref<1x128xi32, #tpu.memory_space<vmem>>
      %dma_wait3A_300 = tpu.memref_squeeze %dma_wait3A_299 : memref<1x128xi32, #tpu.memory_space<vmem>> -> memref<128xi32, #tpu.memory_space<vmem>>
      %dma_wait3A_301 = arith.constant 0 : i32
      %dma_wait3A_302 = arith.constant 0 : i32
      %dma_wait3A_303 = tpu.memref_slice %arg5[%dma_wait3A_301, %dma_wait3A_302] : memref<10240x64xf32, #tpu.memory_space<vmem_shared>> -> memref<10240x64xf32, #tpu.memory_space<vmem_shared>>
      tpu.wait_indirect_dma semaphore(%arg14 : memref<!tpu.dma_semaphore, #tpu.memory_space<semaphore_mem>>) src(%arg10 : memref<128x64xf32, #tpu.memory_space<vmem>>) dst(%dma_wait3A_303 : memref<10240x64xf32, #tpu.memory_space<vmem_shared>>)
      %add3A_304 = arith.constant 2 : i32
      %add3A_305 = arith.addi %add3A_283, %add3A_304 : i32
      %dma_start3A_306 = arith.constant 0 : i32
      %dma_start3A_307 = tpu.memref_slice %arg7[%add3A_305, %dma_start3A_306] : memref<40x128xi32, #tpu.memory_space<vmem>> -> memref<1x128xi32, #tpu.memory_space<vmem>>
      %dma_start3A_308 = tpu.memref_squeeze %dma_start3A_307 : memref<1x128xi32, #tpu.memory_space<vmem>> -> memref<128xi32, #tpu.memory_space<vmem>>
      %dma_start3A_309 = arith.constant 0 : i32
      %dma_start3A_310 = arith.constant 0 : i32
      %dma_start3A_311 = tpu.memref_slice %arg6[%dma_start3A_309, %dma_start3A_310] : memref<10240x64xf32, #tpu.memory_space<vmem_shared>> -> memref<10240x64xf32, #tpu.memory_space<vmem_shared>>
      tpu.enqueue_indirect_dma source(%dma_start3A_311 : memref<10240x64xf32, #tpu.memory_space<vmem_shared>>) target(%arg10 : memref<128x64xf32, #tpu.memory_space<vmem>>) offsets(%dma_start3A_308 : memref<128xi32, #tpu.memory_space<vmem>>) semaphore(%arg14 : memref<!tpu.dma_semaphore, #tpu.memory_space<semaphore_mem>>)
      %add3A_312 = arith.constant 2 : i32
      %add3A_313 = arith.addi %add3A_252, %add3A_312 : i32
      %dma_wait3A_314 = arith.constant 0 : i32
      %dma_wait3A_315 = tpu.memref_slice %arg7[%add3A_313, %dma_wait3A_314] : memref<40x128xi32, #tpu.memory_space<vmem>> -> memref<1x128xi32, #tpu.memory_space<vmem>>
      %dma_wait3A_316 = tpu.memref_squeeze %dma_wait3A_315 : memref<1x128xi32, #tpu.memory_space<vmem>> -> memref<128xi32, #tpu.memory_space<vmem>>
      %dma_wait3A_317 = arith.constant 0 : i32
      %dma_wait3A_318 = arith.constant 0 : i32
      %dma_wait3A_319 = tpu.memref_slice %arg6[%dma_wait3A_317, %dma_wait3A_318] : memref<10240x64xf32, #tpu.memory_space<vmem_shared>> -> memref<10240x64xf32, #tpu.memory_space<vmem_shared>>
      tpu.wait_indirect_dma semaphore(%arg13 : memref<!tpu.dma_semaphore, #tpu.memory_space<semaphore_mem>>) src(%dma_wait3A_319 : memref<10240x64xf32, #tpu.memory_space<vmem_shared>>) dst(%arg9 : memref<128x64xf32, #tpu.memory_space<vmem>>)
      %dma_start3A_320 = arith.constant 0 : i32
      %dma_start3A_321 = tpu.memref_slice %arg8[%add3A_313, %dma_start3A_320] : memref<40x128xi32, #tpu.memory_space<vmem>> -> memref<1x128xi32, #tpu.memory_space<vmem>>
      %dma_start3A_322 = tpu.memref_squeeze %dma_start3A_321 : memref<1x128xi32, #tpu.memory_space<vmem>> -> memref<128xi32, #tpu.memory_space<vmem>>
      %dma_start3A_323 = arith.constant 0 : i32
      %dma_start3A_324 = arith.constant 0 : i32
      %dma_start3A_325 = tpu.memref_slice %arg5[%dma_start3A_323, %dma_start3A_324] : memref<10240x64xf32, #tpu.memory_space<vmem_shared>> -> memref<10240x64xf32, #tpu.memory_space<vmem_shared>>
      tpu.enqueue_indirect_dma source(%arg9 : memref<128x64xf32, #tpu.memory_space<vmem>>) target(%dma_start3A_325 : memref<10240x64xf32, #tpu.memory_space<vmem_shared>>) offsets(%dma_start3A_322 : memref<128xi32, #tpu.memory_space<vmem>>) semaphore(%arg13 : memref<!tpu.dma_semaphore, #tpu.memory_space<semaphore_mem>>) {add = true}
      %sub3A_326 = arith.constant 2 : i32
      %sub3A_327 = arith.subi %add3A_313, %sub3A_326 : i32
      %dma_wait3A_328 = arith.constant 0 : i32
      %dma_wait3A_329 = tpu.memref_slice %arg8[%sub3A_327, %dma_wait3A_328] : memref<40x128xi32, #tpu.memory_space<vmem>> -> memref<1x128xi32, #tpu.memory_space<vmem>>
      %dma_wait3A_330 = tpu.memref_squeeze %dma_wait3A_329 : memref<1x128xi32, #tpu.memory_space<vmem>> -> memref<128xi32, #tpu.memory_space<vmem>>
      %dma_wait3A_331 = arith.constant 0 : i32
      %dma_wait3A_332 = arith.constant 0 : i32
      %dma_wait3A_333 = tpu.memref_slice %arg5[%dma_wait3A_331, %dma_wait3A_332] : memref<10240x64xf32, #tpu.memory_space<vmem_shared>> -> memref<10240x64xf32, #tpu.memory_space<vmem_shared>>
      tpu.wait_indirect_dma semaphore(%arg15 : memref<!tpu.dma_semaphore, #tpu.memory_space<semaphore_mem>>) src(%arg11 : memref<128x64xf32, #tpu.memory_space<vmem>>) dst(%dma_wait3A_333 : memref<10240x64xf32, #tpu.memory_space<vmem_shared>>)
      %add3A_334 = arith.constant 2 : i32
      %add3A_335 = arith.addi %add3A_313, %add3A_334 : i32
      %dma_start3A_336 = arith.constant 0 : i32
      %dma_start3A_337 = tpu.memref_slice %arg7[%add3A_335, %dma_start3A_336] : memref<40x128xi32, #tpu.memory_space<vmem>> -> memref<1x128xi32, #tpu.memory_space<vmem>>
      %dma_start3A_338 = tpu.memref_squeeze %dma_start3A_337 : memref<1x128xi32, #tpu.memory_space<vmem>> -> memref<128xi32, #tpu.memory_space<vmem>>
      %dma_start3A_339 = arith.constant 0 : i32
      %dma_start3A_340 = arith.constant 0 : i32
      %dma_start3A_341 = tpu.memref_slice %arg6[%dma_start3A_339, %dma_start3A_340] : memref<10240x64xf32, #tpu.memory_space<vmem_shared>> -> memref<10240x64xf32, #tpu.memory_space<vmem_shared>>
      tpu.enqueue_indirect_dma source(%dma_start3A_341 : memref<10240x64xf32, #tpu.memory_space<vmem_shared>>) target(%arg11 : memref<128x64xf32, #tpu.memory_space<vmem>>) offsets(%dma_start3A_338 : memref<128xi32, #tpu.memory_space<vmem>>) semaphore(%arg15 : memref<!tpu.dma_semaphore, #tpu.memory_space<semaphore_mem>>)
      %add3A_342 = arith.constant 3 : i32
      %add3A_343 = arith.addi %add3A_252, %add3A_342 : i32
      %dma_wait3A_344 = arith.constant 0 : i32
      %dma_wait3A_345 = tpu.memref_slice %arg7[%add3A_343, %dma_wait3A_344] : memref<40x128xi32, #tpu.memory_space<vmem>> -> memref<1x128xi32, #tpu.memory_space<vmem>>
      %dma_wait3A_346 = tpu.memref_squeeze %dma_wait3A_345 : memref<1x128xi32, #tpu.memory_space<vmem>> -> memref<128xi32, #tpu.memory_space<vmem>>
      %dma_wait3A_347 = arith.constant 0 : i32
      %dma_wait3A_348 = arith.constant 0 : i32
      %dma_wait3A_349 = tpu.memref_slice %arg6[%dma_wait3A_347, %dma_wait3A_348] : memref<10240x64xf32, #tpu.memory_space<vmem_shared>> -> memref<10240x64xf32, #tpu.memory_space<vmem_shared>>
      tpu.wait_indirect_dma semaphore(%arg14 : memref<!tpu.dma_semaphore, #tpu.memory_space<semaphore_mem>>) src(%dma_wait3A_349 : memref<10240x64xf32, #tpu.memory_space<vmem_shared>>) dst(%arg10 : memref<128x64xf32, #tpu.memory_space<vmem>>)
      %dma_start3A_350 = arith.constant 0 : i32
      %dma_start3A_351 = tpu.memref_slice %arg8[%add3A_343, %dma_start3A_350] : memref<40x128xi32, #tpu.memory_space<vmem>> -> memref<1x128xi32, #tpu.memory_space<vmem>>
      %dma_start3A_352 = tpu.memref_squeeze %dma_start3A_351 : memref<1x128xi32, #tpu.memory_space<vmem>> -> memref<128xi32, #tpu.memory_space<vmem>>
      %dma_start3A_353 = arith.constant 0 : i32
      %dma_start3A_354 = arith.constant 0 : i32
      %dma_start3A_355 = tpu.memref_slice %arg5[%dma_start3A_353, %dma_start3A_354] : memref<10240x64xf32, #tpu.memory_space<vmem_shared>> -> memref<10240x64xf32, #tpu.memory_space<vmem_shared>>
      tpu.enqueue_indirect_dma source(%arg10 : memref<128x64xf32, #tpu.memory_space<vmem>>) target(%dma_start3A_355 : memref<10240x64xf32, #tpu.memory_space<vmem_shared>>) offsets(%dma_start3A_352 : memref<128xi32, #tpu.memory_space<vmem>>) semaphore(%arg14 : memref<!tpu.dma_semaphore, #tpu.memory_space<semaphore_mem>>) {add = true}
      %sub3A_356 = arith.constant 2 : i32
      %sub3A_357 = arith.subi %add3A_343, %sub3A_356 : i32
      %dma_wait3A_358 = arith.constant 0 : i32
      %dma_wait3A_359 = tpu.memref_slice %arg8[%sub3A_357, %dma_wait3A_358] : memref<40x128xi32, #tpu.memory_space<vmem>> -> memref<1x128xi32, #tpu.memory_space<vmem>>
      %dma_wait3A_360 = tpu.memref_squeeze %dma_wait3A_359 : memref<1x128xi32, #tpu.memory_space<vmem>> -> memref<128xi32, #tpu.memory_space<vmem>>
      %dma_wait3A_361 = arith.constant 0 : i32
      %dma_wait3A_362 = arith.constant 0 : i32
      %dma_wait3A_363 = tpu.memref_slice %arg5[%dma_wait3A_361, %dma_wait3A_362] : memref<10240x64xf32, #tpu.memory_space<vmem_shared>> -> memref<10240x64xf32, #tpu.memory_space<vmem_shared>>
      tpu.wait_indirect_dma semaphore(%arg16 : memref<!tpu.dma_semaphore, #tpu.memory_space<semaphore_mem>>) src(%arg12 : memref<128x64xf32, #tpu.memory_space<vmem>>) dst(%dma_wait3A_363 : memref<10240x64xf32, #tpu.memory_space<vmem_shared>>)
      %add3A_364 = arith.constant 2 : i32
      %add3A_365 = arith.addi %add3A_343, %add3A_364 : i32
      %dma_start3A_366 = arith.constant 0 : i32
      %dma_start3A_367 = tpu.memref_slice %arg7[%add3A_365, %dma_start3A_366] : memref<40x128xi32, #tpu.memory_space<vmem>> -> memref<1x128xi32, #tpu.memory_space<vmem>>
      %dma_start3A_368 = tpu.memref_squeeze %dma_start3A_367 : memref<1x128xi32, #tpu.memory_space<vmem>> -> memref<128xi32, #tpu.memory_space<vmem>>
      %dma_start3A_369 = arith.constant 0 : i32
      %dma_start3A_370 = arith.constant 0 : i32
      %dma_start3A_371 = tpu.memref_slice %arg6[%dma_start3A_369, %dma_start3A_370] : memref<10240x64xf32, #tpu.memory_space<vmem_shared>> -> memref<10240x64xf32, #tpu.memory_space<vmem_shared>>
      tpu.enqueue_indirect_dma source(%dma_start3A_371 : memref<10240x64xf32, #tpu.memory_space<vmem_shared>>) target(%arg12 : memref<128x64xf32, #tpu.memory_space<vmem>>) offsets(%dma_start3A_368 : memref<128xi32, #tpu.memory_space<vmem>>) semaphore(%arg16 : memref<!tpu.dma_semaphore, #tpu.memory_space<semaphore_mem>>)
    }
    %scan3A_190 = arith.constant 9 : i32
    %dma_wait3A_191 = arith.constant 38 : i32
    %dma_wait3A_192 = arith.constant 0 : i32
    %dma_wait3A_193 = tpu.memref_slice %arg7[%dma_wait3A_191, %dma_wait3A_192] : memref<40x128xi32, #tpu.memory_space<vmem>> -> memref<1x128xi32, #tpu.memory_space<vmem>>
    %dma_wait3A_194 = tpu.memref_squeeze %dma_wait3A_193 : memref<1x128xi32, #tpu.memory_space<vmem>> -> memref<128xi32, #tpu.memory_space<vmem>>
    %dma_wait3A_195 = arith.constant 0 : i32
    %dma_wait3A_196 = arith.constant 0 : i32
    %dma_wait3A_197 = tpu.memref_slice %arg6[%dma_wait3A_195, %dma_wait3A_196] : memref<10240x64xf32, #tpu.memory_space<vmem_shared>> -> memref<10240x64xf32, #tpu.memory_space<vmem_shared>>
    tpu.wait_indirect_dma semaphore(%arg15 : memref<!tpu.dma_semaphore, #tpu.memory_space<semaphore_mem>>) src(%dma_wait3A_197 : memref<10240x64xf32, #tpu.memory_space<vmem_shared>>) dst(%arg11 : memref<128x64xf32, #tpu.memory_space<vmem>>)
    %dma_start3A_198 = arith.constant 38 : i32
    %dma_start3A_199 = arith.constant 0 : i32
    %dma_start3A_200 = tpu.memref_slice %arg8[%dma_start3A_198, %dma_start3A_199] : memref<40x128xi32, #tpu.memory_space<vmem>> -> memref<1x128xi32, #tpu.memory_space<vmem>>
    %dma_start3A_201 = tpu.memref_squeeze %dma_start3A_200 : memref<1x128xi32, #tpu.memory_space<vmem>> -> memref<128xi32, #tpu.memory_space<vmem>>
    %dma_start3A_202 = arith.constant 0 : i32
    %dma_start3A_203 = arith.constant 0 : i32
    %dma_start3A_204 = tpu.memref_slice %arg5[%dma_start3A_202, %dma_start3A_203] : memref<10240x64xf32, #tpu.memory_space<vmem_shared>> -> memref<10240x64xf32, #tpu.memory_space<vmem_shared>>
    tpu.enqueue_indirect_dma source(%arg11 : memref<128x64xf32, #tpu.memory_space<vmem>>) target(%dma_start3A_204 : memref<10240x64xf32, #tpu.memory_space<vmem_shared>>) offsets(%dma_start3A_201 : memref<128xi32, #tpu.memory_space<vmem>>) semaphore(%arg15 : memref<!tpu.dma_semaphore, #tpu.memory_space<semaphore_mem>>) {add = true}
    %dma_wait3A_205 = arith.constant 36 : i32
    %dma_wait3A_206 = arith.constant 0 : i32
    %dma_wait3A_207 = tpu.memref_slice %arg8[%dma_wait3A_205, %dma_wait3A_206] : memref<40x128xi32, #tpu.memory_space<vmem>> -> memref<1x128xi32, #tpu.memory_space<vmem>>
    %dma_wait3A_208 = tpu.memref_squeeze %dma_wait3A_207 : memref<1x128xi32, #tpu.memory_space<vmem>> -> memref<128xi32, #tpu.memory_space<vmem>>
    %dma_wait3A_209 = arith.constant 0 : i32
    %dma_wait3A_210 = arith.constant 0 : i32
    %dma_wait3A_211 = tpu.memref_slice %arg5[%dma_wait3A_209, %dma_wait3A_210] : memref<10240x64xf32, #tpu.memory_space<vmem_shared>> -> memref<10240x64xf32, #tpu.memory_space<vmem_shared>>
    tpu.wait_indirect_dma semaphore(%arg13 : memref<!tpu.dma_semaphore, #tpu.memory_space<semaphore_mem>>) src(%arg9 : memref<128x64xf32, #tpu.memory_space<vmem>>) dst(%dma_wait3A_211 : memref<10240x64xf32, #tpu.memory_space<vmem_shared>>)
    %dma_wait3A_212 = arith.constant 39 : i32
    %dma_wait3A_213 = arith.constant 0 : i32
    %dma_wait3A_214 = tpu.memref_slice %arg7[%dma_wait3A_212, %dma_wait3A_213] : memref<40x128xi32, #tpu.memory_space<vmem>> -> memref<1x128xi32, #tpu.memory_space<vmem>>
    %dma_wait3A_215 = tpu.memref_squeeze %dma_wait3A_214 : memref<1x128xi32, #tpu.memory_space<vmem>> -> memref<128xi32, #tpu.memory_space<vmem>>
    %dma_wait3A_216 = arith.constant 0 : i32
    %dma_wait3A_217 = arith.constant 0 : i32
    %dma_wait3A_218 = tpu.memref_slice %arg6[%dma_wait3A_216, %dma_wait3A_217] : memref<10240x64xf32, #tpu.memory_space<vmem_shared>> -> memref<10240x64xf32, #tpu.memory_space<vmem_shared>>
    tpu.wait_indirect_dma semaphore(%arg16 : memref<!tpu.dma_semaphore, #tpu.memory_space<semaphore_mem>>) src(%dma_wait3A_218 : memref<10240x64xf32, #tpu.memory_space<vmem_shared>>) dst(%arg12 : memref<128x64xf32, #tpu.memory_space<vmem>>)
    %dma_start3A_219 = arith.constant 39 : i32
    %dma_start3A_220 = arith.constant 0 : i32
    %dma_start3A_221 = tpu.memref_slice %arg8[%dma_start3A_219, %dma_start3A_220] : memref<40x128xi32, #tpu.memory_space<vmem>> -> memref<1x128xi32, #tpu.memory_space<vmem>>
    %dma_start3A_222 = tpu.memref_squeeze %dma_start3A_221 : memref<1x128xi32, #tpu.memory_space<vmem>> -> memref<128xi32, #tpu.memory_space<vmem>>
    %dma_start3A_223 = arith.constant 0 : i32
    %dma_start3A_224 = arith.constant 0 : i32
    %dma_start3A_225 = tpu.memref_slice %arg5[%dma_start3A_223, %dma_start3A_224] : memref<10240x64xf32, #tpu.memory_space<vmem_shared>> -> memref<10240x64xf32, #tpu.memory_space<vmem_shared>>
    tpu.enqueue_indirect_dma source(%arg12 : memref<128x64xf32, #tpu.memory_space<vmem>>) target(%dma_start3A_225 : memref<10240x64xf32, #tpu.memory_space<vmem_shared>>) offsets(%dma_start3A_222 : memref<128xi32, #tpu.memory_space<vmem>>) semaphore(%arg16 : memref<!tpu.dma_semaphore, #tpu.memory_space<semaphore_mem>>) {add = true}
    %dma_wait3A_226 = arith.constant 37 : i32
    %dma_wait3A_227 = arith.constant 0 : i32
    %dma_wait3A_228 = tpu.memref_slice %arg8[%dma_wait3A_226, %dma_wait3A_227] : memref<40x128xi32, #tpu.memory_space<vmem>> -> memref<1x128xi32, #tpu.memory_space<vmem>>
    %dma_wait3A_229 = tpu.memref_squeeze %dma_wait3A_228 : memref<1x128xi32, #tpu.memory_space<vmem>> -> memref<128xi32, #tpu.memory_space<vmem>>
    %dma_wait3A_230 = arith.constant 0 : i32
    %dma_wait3A_231 = arith.constant 0 : i32
    %dma_wait3A_232 = tpu.memref_slice %arg5[%dma_wait3A_230, %dma_wait3A_231] : memref<10240x64xf32, #tpu.memory_space<vmem_shared>> -> memref<10240x64xf32, #tpu.memory_space<vmem_shared>>
    tpu.wait_indirect_dma semaphore(%arg14 : memref<!tpu.dma_semaphore, #tpu.memory_space<semaphore_mem>>) src(%arg10 : memref<128x64xf32, #tpu.memory_space<vmem>>) dst(%dma_wait3A_232 : memref<10240x64xf32, #tpu.memory_space<vmem_shared>>)
    %dma_wait3A_233 = arith.constant 38 : i32
    %dma_wait3A_234 = arith.constant 0 : i32
    %dma_wait3A_235 = tpu.memref_slice %arg8[%dma_wait3A_233, %dma_wait3A_234] : memref<40x128xi32, #tpu.memory_space<vmem>> -> memref<1x128xi32, #tpu.memory_space<vmem>>
    %dma_wait3A_236 = tpu.memref_squeeze %dma_wait3A_235 : memref<1x128xi32, #tpu.memory_space<vmem>> -> memref<128xi32, #tpu.memory_space<vmem>>
    %dma_wait3A_237 = arith.constant 0 : i32
    %dma_wait3A_238 = arith.constant 0 : i32
    %dma_wait3A_239 = tpu.memref_slice %arg5[%dma_wait3A_237, %dma_wait3A_238] : memref<10240x64xf32, #tpu.memory_space<vmem_shared>> -> memref<10240x64xf32, #tpu.memory_space<vmem_shared>>
    tpu.wait_indirect_dma semaphore(%arg15 : memref<!tpu.dma_semaphore, #tpu.memory_space<semaphore_mem>>) src(%arg11 : memref<128x64xf32, #tpu.memory_space<vmem>>) dst(%dma_wait3A_239 : memref<10240x64xf32, #tpu.memory_space<vmem_shared>>)
    %dma_wait3A_240 = arith.constant 39 : i32
    %dma_wait3A_241 = arith.constant 0 : i32
    %dma_wait3A_242 = tpu.memref_slice %arg8[%dma_wait3A_240, %dma_wait3A_241] : memref<40x128xi32, #tpu.memory_space<vmem>> -> memref<1x128xi32, #tpu.memory_space<vmem>>
    %dma_wait3A_243 = tpu.memref_squeeze %dma_wait3A_242 : memref<1x128xi32, #tpu.memory_space<vmem>> -> memref<128xi32, #tpu.memory_space<vmem>>
    %dma_wait3A_244 = arith.constant 0 : i32
    %dma_wait3A_245 = arith.constant 0 : i32
    %dma_wait3A_246 = tpu.memref_slice %arg5[%dma_wait3A_244, %dma_wait3A_245] : memref<10240x64xf32, #tpu.memory_space<vmem_shared>> -> memref<10240x64xf32, #tpu.memory_space<vmem_shared>>
    tpu.wait_indirect_dma semaphore(%arg16 : memref<!tpu.dma_semaphore, #tpu.memory_space<semaphore_mem>>) src(%arg12 : memref<128x64xf32, #tpu.memory_space<vmem>>) dst(%dma_wait3A_246 : memref<10240x64xf32, #tpu.memory_space<vmem_shared>>)
    %barrier3A_247 = arith.constant 0 : index
    tpu.barrier barrier_id(%barrier3A_247)
    "tpu.region"() ({
      %run_scoped3A_248 = tpu.sem_alloc : memref<!tpu.dma_semaphore, #tpu.memory_space<semaphore_mem>>
      %dma_start3A_249 = arith.constant 0 : i32
      %dma_start3A_250 = tpu.memref_slice %arg4[%arg0, %mul3A_2, %dma_start3A_249] : memref<2x10240x64xf32, #tpu.memory_space<hbm>> -> memref<1x640x64xf32, #tpu.memory_space<hbm>>
      %dma_start3A_251 = tpu.memref_squeeze %dma_start3A_250 : memref<1x640x64xf32, #tpu.memory_space<hbm>> -> memref<640x64xf32, #tpu.memory_space<hbm>>
      %dma_start3A_252 = arith.constant 0 : i32
      %dma_start3A_253 = tpu.memref_slice %arg5[%mul3A_2, %dma_start3A_252] : memref<10240x64xf32, #tpu.memory_space<vmem_shared>> -> memref<640x64xf32, #tpu.memory_space<vmem_shared>>
      tpu.enqueue_dma source(%dma_start3A_253 : memref<640x64xf32, #tpu.memory_space<vmem_shared>>) target(%dma_start3A_251 : memref<640x64xf32, #tpu.memory_space<hbm>>) target_semaphore(%run_scoped3A_248 : memref<!tpu.dma_semaphore, #tpu.memory_space<semaphore_mem>>)
      %dma_wait3A_254 = arith.constant 0 : i32
      %dma_wait3A_255 = tpu.memref_slice %arg4[%arg0, %mul3A_2, %dma_wait3A_254] : memref<2x10240x64xf32, #tpu.memory_space<hbm>> -> memref<1x640x64xf32, #tpu.memory_space<hbm>>
      %dma_wait3A_256 = tpu.memref_squeeze %dma_wait3A_255 : memref<1x640x64xf32, #tpu.memory_space<hbm>> -> memref<640x64xf32, #tpu.memory_space<hbm>>
      %dma_wait3A_257 = arith.constant 0 : i32
      %dma_wait3A_258 = tpu.memref_slice %arg5[%mul3A_2, %dma_wait3A_257] : memref<10240x64xf32, #tpu.memory_space<vmem_shared>> -> memref<640x64xf32, #tpu.memory_space<vmem_shared>>
      tpu.wait_dma2 semaphore(%run_scoped3A_248 : memref<!tpu.dma_semaphore, #tpu.memory_space<semaphore_mem>>) src(%dma_wait3A_258 : memref<640x64xf32, #tpu.memory_space<vmem_shared>>) dst(%dma_wait3A_256 : memref<640x64xf32, #tpu.memory_space<hbm>>)
      tpu.yield
    }) : () -> ()
    return
  }
}

module attributes {stable_mosaic.version = 14 : i64} {
  func.func @_tc_matmul(%arg0: memref<10240x128xf32, #tpu.memory_space<vmem>>, %arg1: memref<128x64xf32, #tpu.memory_space<vmem>>, %arg2: memref<10240x64xf32, #tpu.memory_space<vmem>>) attributes {dimension_semantics = [], scalar_prefetch = 0 : i64, scratch_operands = 0 : i64, tpu.core_type = #tpu.core_type<tc>} {
    %get3A = arith.constant 0 : index
    %get3A_0 = arith.constant 0 : index
    %get3A_1 = vector.load %arg0[%get3A, %get3A_0] : memref<10240x128xf32, #tpu.memory_space<vmem>>, vector<10240x128xf32>
    %get3A_2 = arith.constant 0 : index
    %get3A_3 = arith.constant 0 : index
    %get3A_4 = vector.load %arg1[%get3A_2, %get3A_3] : memref<128x64xf32, #tpu.memory_space<vmem>>, vector<128x64xf32>
    %dot_general3A = arith.constant dense<0.000000e+00> : vector<10240x64xf32>
    %dot_general3A_5 = tpu.matmul %get3A_1, %get3A_4, %dot_general3A {dimension_numbers = #tpu.dot_dimension_numbers<[1], [0], [0], [1], [0, 0, 1, 1], [], []>, transpose_lhs_hint = false} : vector<10240x128xf32>, vector<128x64xf32>, vector<10240x64xf32> -> vector<10240x64xf32>
    %swap3A = arith.constant 0 : index
    %swap3A_6 = arith.constant 0 : index
    %swap3A_7 = vector.load %arg2[%swap3A, %swap3A_6] : memref<10240x64xf32, #tpu.memory_space<vmem>>, vector<10240x64xf32>
    tpu.vector_store %arg2[%swap3A, %swap3A_6], %dot_general3A_5 {strides = array<i32>} : memref<10240x64xf32, #tpu.memory_space<vmem>>, vector<10240x64xf32>,
    return
  }
}

module attributes {stable_mosaic.version = 14 : i64} {
  func.func @_tc_scale(%arg0: memref<10240x64xf32, #tpu.memory_space<vmem>>, %arg1: memref<2x10240x1xf32, #tpu.memory_space<vmem>>, %arg2: memref<10240x64xf32, #tpu.memory_space<vmem>>, %arg3: memref<10240x1xf32, #tpu.memory_space<vmem>>) attributes {dimension_semantics = [], scalar_prefetch = 0 : i64, scratch_operands = 0 : i64, tpu.core_type = #tpu.core_type<tc>} {
    %get3A = arith.constant 0 : index
    %get3A_0 = arith.constant 0 : index
    %get3A_1 = arith.constant 0 : index
    %get3A_2 = vector.load %arg1[%get3A, %get3A_0, %get3A_1] : memref<2x10240x1xf32, #tpu.memory_space<vmem>>, vector<1x10240x1xf32>
    %get3A_3 = vector.shape_cast %get3A_2 : vector<1x10240x1xf32> to vector<10240x1xf32>
    %add3A = arith.constant 1.000000e+00 : f32
    %add3A_4 = vector.broadcast %add3A : f32 to vector<10240x1xf32>
    %add3A_5 = arith.addf %add3A_4, %get3A_3 : vector<10240x1xf32>
    %get3A_6 = arith.constant 1 : index
    %get3A_7 = arith.constant 0 : index
    %get3A_8 = arith.constant 0 : index
    %get3A_9 = vector.load %arg1[%get3A_6, %get3A_7, %get3A_8] : memref<2x10240x1xf32, #tpu.memory_space<vmem>>, vector<1x10240x1xf32>
    %get3A_10 = vector.shape_cast %get3A_9 : vector<1x10240x1xf32> to vector<10240x1xf32>
    %add3A_11 = arith.addf %add3A_5, %get3A_10 : vector<10240x1xf32>
    %rsqrt3A = math.rsqrt %add3A_11 : vector<10240x1xf32>
    %get3A_12 = arith.constant 0 : index
    %get3A_13 = arith.constant 0 : index
    %get3A_14 = vector.load %arg0[%get3A_12, %get3A_13] : memref<10240x64xf32, #tpu.memory_space<vmem>>, vector<10240x64xf32>
    %mul3A = vector.broadcast %rsqrt3A : vector<10240x1xf32> to vector<10240x64xf32>
    %mul3A_15 = arith.mulf %mul3A, %get3A_14 : vector<10240x64xf32>
    %swap3A = arith.constant 0 : index
    %swap3A_16 = arith.constant 0 : index
    %swap3A_17 = vector.load %arg2[%swap3A, %swap3A_16] : memref<10240x64xf32, #tpu.memory_space<vmem>>, vector<10240x64xf32>
    tpu.vector_store %arg2[%swap3A, %swap3A_16], %mul3A_15 {strides = array<i32>} : memref<10240x64xf32, #tpu.memory_space<vmem>>, vector<10240x64xf32>,
    %swap3A_18 = arith.constant 0 : index
    %swap3A_19 = arith.constant 0 : index
    %swap3A_20 = vector.load %arg3[%swap3A_18, %swap3A_19] : memref<10240x1xf32, #tpu.memory_space<vmem>>, vector<10240x1xf32>
    tpu.vector_store %arg3[%swap3A_18, %swap3A_19], %rsqrt3A {strides = array<i32>} : memref<10240x1xf32, #tpu.memory_space<vmem>>, vector<10240x1xf32>,
    return
  }
}

module attributes {stable_mosaic.version = 14 : i64} {
  func.func @_tc_mid(%arg0: memref<2x10240x64xf32, #tpu.memory_space<vmem>>, %arg1: memref<10240x64xf32, #tpu.memory_space<vmem>>, %arg2: memref<10240x1xf32, #tpu.memory_space<vmem>>, %arg3: memref<1x64xf32, #tpu.memory_space<vmem>>, %arg4: memref<64x64xf32, #tpu.memory_space<vmem>>, %arg5: memref<10240x64xf32, #tpu.memory_space<vmem>>) attributes {dimension_semantics = [], scalar_prefetch = 0 : i64, scratch_operands = 0 : i64, tpu.core_type = #tpu.core_type<tc>} {
    %get3A = arith.constant 0 : index
    %get3A_0 = arith.constant 0 : index
    %get3A_1 = arith.constant 0 : index
    %get3A_2 = vector.load %arg0[%get3A, %get3A_0, %get3A_1] : memref<2x10240x64xf32, #tpu.memory_space<vmem>>, vector<1x10240x64xf32>
    %get3A_3 = vector.shape_cast %get3A_2 : vector<1x10240x64xf32> to vector<10240x64xf32>
    %get3A_4 = arith.constant 1 : index
    %get3A_5 = arith.constant 0 : index
    %get3A_6 = arith.constant 0 : index
    %get3A_7 = vector.load %arg0[%get3A_4, %get3A_5, %get3A_6] : memref<2x10240x64xf32, #tpu.memory_space<vmem>>, vector<1x10240x64xf32>
    %get3A_8 = vector.shape_cast %get3A_7 : vector<1x10240x64xf32> to vector<10240x64xf32>
    %add3A = arith.addf %get3A_3, %get3A_8 : vector<10240x64xf32>
    %get3A_9 = arith.constant 0 : index
    %get3A_10 = arith.constant 0 : index
    %get3A_11 = vector.load %arg1[%get3A_9, %get3A_10] : memref<10240x64xf32, #tpu.memory_space<vmem>>, vector<10240x64xf32>
    %sub3A = arith.subf %add3A, %get3A_11 : vector<10240x64xf32>
    %get3A_12 = arith.constant 0 : index
    %get3A_13 = arith.constant 0 : index
    %get3A_14 = vector.load %arg2[%get3A_12, %get3A_13] : memref<10240x1xf32, #tpu.memory_space<vmem>>, vector<10240x1xf32>
    %mul3A = vector.broadcast %get3A_14 : vector<10240x1xf32> to vector<10240x64xf32>
    %mul3A_15 = arith.mulf %mul3A, %sub3A : vector<10240x64xf32>
    %get3A_16 = arith.constant 0 : index
    %get3A_17 = arith.constant 0 : index
    %get3A_18 = vector.load %arg3[%get3A_16, %get3A_17] : memref<1x64xf32, #tpu.memory_space<vmem>>, vector<1x64xf32>
    %add3A_19 = vector.broadcast %get3A_18 : vector<1x64xf32> to vector<10240x64xf32>
    %add3A_20 = arith.addf %mul3A_15, %add3A_19 : vector<10240x64xf32>
    %max3A = arith.constant 0.000000e+00 : f32
    %max3A_21 = vector.broadcast %max3A : f32 to vector<10240x64xf32>
    %max3A_22 = arith.maximumf %add3A_20, %max3A_21 : vector<10240x64xf32>
    %get3A_23 = arith.constant 0 : index
    %get3A_24 = arith.constant 0 : index
    %get3A_25 = vector.load %arg2[%get3A_23, %get3A_24] : memref<10240x1xf32, #tpu.memory_space<vmem>>, vector<10240x1xf32>
    %get3A_26 = arith.constant 0 : index
    %get3A_27 = arith.constant 0 : index
    %get3A_28 = vector.load %arg4[%get3A_26, %get3A_27] : memref<64x64xf32, #tpu.memory_space<vmem>>, vector<64x64xf32>
    %dot_general3A = arith.constant dense<0.000000e+00> : vector<10240x64xf32>
    %dot_general3A_29 = tpu.matmul %max3A_22, %get3A_28, %dot_general3A {dimension_numbers = #tpu.dot_dimension_numbers<[1], [0], [0], [1], [0, 0, 1, 1], [], []>, transpose_lhs_hint = false} : vector<10240x64xf32>, vector<64x64xf32>, vector<10240x64xf32> -> vector<10240x64xf32>
    %mul3A_30 = vector.broadcast %get3A_25 : vector<10240x1xf32> to vector<10240x64xf32>
    %mul3A_31 = arith.mulf %mul3A_30, %dot_general3A_29 : vector<10240x64xf32>
    %swap3A = arith.constant 0 : index
    %swap3A_32 = arith.constant 0 : index
    %swap3A_33 = vector.load %arg5[%swap3A, %swap3A_32] : memref<10240x64xf32, #tpu.memory_space<vmem>>, vector<10240x64xf32>
    tpu.vector_store %arg5[%swap3A, %swap3A_32], %mul3A_31 {strides = array<i32>} : memref<10240x64xf32, #tpu.memory_space<vmem>>, vector<10240x64xf32>,
    return
  }
}

module attributes {stable_mosaic.version = 14 : i64} {
  func.func @_tc_out(%arg0: memref<2x10240x64xf32, #tpu.memory_space<vmem>>, %arg1: memref<10240x64xf32, #tpu.memory_space<vmem>>, %arg2: memref<10240x1xf32, #tpu.memory_space<vmem>>, %arg3: memref<1x64xf32, #tpu.memory_space<vmem>>, %arg4: memref<64x1xf32, #tpu.memory_space<vmem>>, %arg5: memref<1x1xf32, #tpu.memory_space<vmem>>, %arg6: memref<10240x1xf32, #tpu.memory_space<vmem>>) attributes {dimension_semantics = [], scalar_prefetch = 0 : i64, scratch_operands = 0 : i64, tpu.core_type = #tpu.core_type<tc>} {
    %get3A = arith.constant 0 : index
    %get3A_0 = arith.constant 0 : index
    %get3A_1 = arith.constant 0 : index
    %get3A_2 = vector.load %arg0[%get3A, %get3A_0, %get3A_1] : memref<2x10240x64xf32, #tpu.memory_space<vmem>>, vector<1x10240x64xf32>
    %get3A_3 = vector.shape_cast %get3A_2 : vector<1x10240x64xf32> to vector<10240x64xf32>
    %get3A_4 = arith.constant 1 : index
    %get3A_5 = arith.constant 0 : index
    %get3A_6 = arith.constant 0 : index
    %get3A_7 = vector.load %arg0[%get3A_4, %get3A_5, %get3A_6] : memref<2x10240x64xf32, #tpu.memory_space<vmem>>, vector<1x10240x64xf32>
    %get3A_8 = vector.shape_cast %get3A_7 : vector<1x10240x64xf32> to vector<10240x64xf32>
    %add3A = arith.addf %get3A_3, %get3A_8 : vector<10240x64xf32>
    %get3A_9 = arith.constant 0 : index
    %get3A_10 = arith.constant 0 : index
    %get3A_11 = vector.load %arg1[%get3A_9, %get3A_10] : memref<10240x64xf32, #tpu.memory_space<vmem>>, vector<10240x64xf32>
    %sub3A = arith.subf %add3A, %get3A_11 : vector<10240x64xf32>
    %get3A_12 = arith.constant 0 : index
    %get3A_13 = arith.constant 0 : index
    %get3A_14 = vector.load %arg2[%get3A_12, %get3A_13] : memref<10240x1xf32, #tpu.memory_space<vmem>>, vector<10240x1xf32>
    %mul3A = vector.broadcast %get3A_14 : vector<10240x1xf32> to vector<10240x64xf32>
    %mul3A_15 = arith.mulf %mul3A, %sub3A : vector<10240x64xf32>
    %get3A_16 = arith.constant 0 : index
    %get3A_17 = arith.constant 0 : index
    %get3A_18 = vector.load %arg3[%get3A_16, %get3A_17] : memref<1x64xf32, #tpu.memory_space<vmem>>, vector<1x64xf32>
    %add3A_19 = vector.broadcast %get3A_18 : vector<1x64xf32> to vector<10240x64xf32>
    %add3A_20 = arith.addf %mul3A_15, %add3A_19 : vector<10240x64xf32>
    %max3A = arith.constant 0.000000e+00 : f32
    %max3A_21 = vector.broadcast %max3A : f32 to vector<10240x64xf32>
    %max3A_22 = arith.maximumf %add3A_20, %max3A_21 : vector<10240x64xf32>
    %get3A_23 = arith.constant 0 : index
    %get3A_24 = arith.constant 0 : index
    %get3A_25 = vector.load %arg4[%get3A_23, %get3A_24] : memref<64x1xf32, #tpu.memory_space<vmem>>, vector<64x1xf32>
    %dot_general3A = arith.constant dense<0.000000e+00> : vector<10240x1xf32>
    %dot_general3A_26 = tpu.matmul %max3A_22, %get3A_25, %dot_general3A {dimension_numbers = #tpu.dot_dimension_numbers<[1], [0], [0], [1], [0, 0, 1, 1], [], []>, transpose_lhs_hint = false} : vector<10240x64xf32>, vector<64x1xf32>, vector<10240x1xf32> -> vector<10240x1xf32>
    %get3A_27 = arith.constant 0 : index
    %get3A_28 = arith.constant 0 : index
    %get3A_29 = vector.load %arg5[%get3A_27, %get3A_28] : memref<1x1xf32, #tpu.memory_space<vmem>>, vector<1x1xf32>
    %add3A_30 = vector.broadcast %get3A_29 : vector<1x1xf32> to vector<10240x1xf32>
    %add3A_31 = arith.addf %dot_general3A_26, %add3A_30 : vector<10240x1xf32>
    %swap3A = arith.constant 0 : index
    %swap3A_32 = arith.constant 0 : index
    %swap3A_33 = vector.load %arg6[%swap3A, %swap3A_32] : memref<10240x1xf32, #tpu.memory_space<vmem>>, vector<10240x1xf32>
    tpu.vector_store %arg6[%swap3A, %swap3A_32], %add3A_31 {strides = array<i32>} : memref<10240x1xf32, #tpu.memory_space<vmem>>, vector<10240x1xf32>,
    return
  }
}

</mosaic_0001>

<sc_bundles>
// kernel: kernel.12.cloned.1.call-start
scs
__scs_entry_jumppad:
0x0: {  	(pc) =	sbr.rel $0x88, $3  }
0x1: {  	(tag) =	ssettag $0x0;
	lr =	simm.s32 $0x1  }
0x2: {  	[smem:$0x3F99] =	sst lr;
	_ =	strace $0xD0000000  }
0x3: {  	_ = 	snop  }
0x4: {  	_ = 	snop  }
0x5: {  	_ = 	snop  }
0x6: {  	_ = 	snop  }
0x7: {  	_ = 	snop  }
__scs_overlays_trampoline_lowered:
0x8: {  	[smem:$0x3FA8] =	sst s0  }
0x9: {  	[smem:$0x3FA9] =	sst s1  }
0xa: {  	[smem:$0x3FAA] =	sst s2  }
0xb: {  	[smem:$0x3FAB] =	sst s3  }
0xc: {  	[smem:$0x3FAC] =	sst s4  }
0xd: {  	[smem:$0x3FAD] =	sst s5  }
0xe: {  	[smem:$0x3FAE] =	sst s6  }
0xf: {  	[smem:$0x3FAF] =	sst s7  }
0x10: {  	[smem:$0x3FB0] =	sst s8  }
0x11: {  	[smem:$0x3FB1] =	sst s9;
	s0 =	simm.s32 @!p0 $0x0  }
0x12: {  	s1 =	sld [smem:$0x3F97];
	s0 =	simm.s32 @p0 $0x1  }
0x13: {  	[smem:$0x3FB2] =	sst s0;
	s0 =	simm.s32 @!p1 $0x0  }
0x14: {  	s2 =	sld [smem:$0x3F96];
	s0 =	simm.s32 @p1 $0x1  }
0x15: {  	[smem:$0x3FB3] =	sst s0;
	s0 =	simm.s32 @!p2 $0x0  }
0x16: {  	s3 =	sld [smem:$0x3FDB];
	s0 =	simm.s32 @p2 $0x1  }
0x17: {  	s4 =	simm.s32 $0x1BF5;
	[smem:$0x3FB5] =	sst s0  }
0x18: {  	s0 =	sld [smem:$0x3F98];
	_ =	swait.ge [sflag:s4], $0x0  }
0x19: {  	s7 =	sld [smem:$0x3F99]  }
0x1a: {  	s8 =	sadd.s32 $0xFFFFE003, lr  }
0x1b: {  	s9 =	sadd.s32 $0xFFFFFEF7, lr;
	s5 =	simm.s32 $0xFFFFFFFF;
	p2 =	slt.u32 s8, $0xFFFFF086  }
0x1c: {  	p1 =	slt.u32 s9, $0xF7A;
	s5 =	simm.s32 @!p2 $0x0  }
0x1d: {  	s5 =	simm.s32 @p1 $0x1;
	p0 =	seq.s32 s7, s2  }
0x1e: {  	s7 =	smul.u32 @!p0 $0xF7A, s2;
	p2 =	seq.s32 @!p0 s5, $0x0  }
0x1f: {  	s9 =	smul.u32 $0xF7A, s1;
	s8 =	simm.s32 @!p0 $0x1BF5;
	p2 =	por !p2, p0  }
0x20: {  	[sflag:s8] =	ssyncset.s32 @!p0 $0xFFFFF086;
	s6 =	sadd.s32 @!p0 s3, s7;
	s7 =	simm.s32 @!p0 $0x108  }
0x21: {  	s3 =	sadd.s32 s3, s9;
	s6 =	sadd.s32 @!p0 $0x88, s6;
	s7 =	simm.s32 @p2 $0x1082  }
0x22: {  	[simem:s7], [sflag:s8] =	dma.local @!p0 [hbm:s6], $0xF7A  }
0x23: {  	s9 =	sor.u32 $0xD0000000, s2;
	s6 =	simm.s32 $0x108;
	_ =	swait.ge @!p0 [sflag:s8], $0x0  }
0x24: {  	s3 =	sadd.s32 $0x88, s3;
	s6 =	simm.s32 @!p1 $0x1082;
	[sflag:s4] =	ssyncset.s32 $0xFFFFF086  }
0x25: {  	[simem:s6], [sflag:s4] =	dma.local [hbm:s3], $0xF7A  }
0x26: {  	[smem:$0x3F99] =	sst s1;
	(tag) =	ssettag s2;
	_ =	strace s9  }
0x27: {  	s1 =	sld [smem:$0x3FA9]  }
0x28: {  	s2 =	sld [smem:$0x3FAA]  }
0x29: {  	s4 =	sld [smem:$0x3FAC]  }
0x2a: {  	p0 =	seq.s32 s5, $0x0;
	s5 =	sld [smem:$0x3FAD]  }
0x2b: {  	s6 =	sld [smem:$0x3FAE]  }
0x2c: {  	s7 =	sld [smem:$0x3FAF]  }
0x2d: {  	s3 =	simm.s32 $0x108;
	s8 =	sld [smem:$0x3FB0]  }
0x2e: {  	s3 =	simm.s32 @!p0 $0x1082;
	s9 =	sld [smem:$0x3FB1]  }
0x2f: {  	lr =	sadd.s32 s0, s3;
	s0 =	sld [smem:$0x3FA8]  }
0x30: {  	s3 =	sld [smem:$0x3FAB]  }
0x31: {  	[smem:$0x3FB4] =	sst s10  }
0x32: {  	s10 =	sld [smem:$0x3FB2];
	_ =	sdelay $0x3  }
0x33: {  	p0 =	seq.s32 s10, $0x1;
	s10 =	sld [smem:$0x3FB4];
	_ =	sdelay $0x3  }
0x34: {  	[smem:$0x3FB4] =	sst s10  }
0x35: {  	s10 =	sld [smem:$0x3FB3];
	_ =	sdelay $0x3  }
0x36: {  	p1 =	seq.s32 s10, $0x1;
	s10 =	sld [smem:$0x3FB4];
	_ =	sdelay $0x3  }
0x37: {  	[smem:$0x3FB4] =	sst s10  }
0x38: {  	s10 =	sld [smem:$0x3FB5]  }
0x39: {  	_ = 	snop;
	(pc) =	sbr.ind lr, $3  }
0x3a: {  	_ = 	snop  }
0x3b: {  	_ = 	snop  }
0x3c: {  	p2 =	seq.s32 s10, $0x1;
	s10 =	sld [smem:$0x3FB4]  }
0x3d: {  	_ =	shalt  }
0x3e: {  	_ =	shalt  }
0x3f: {  	_ =	shalt  }
0x40: {  	_ =	shalt  }
0x41: {  	_ =	shalt  }
0x42: {  	_ =	shalt  }
0x43: {  	_ =	shalt  }
0x44: {  	_ =	shalt  }
0x45: {  	_ =	shalt  }
0x46: {  	_ =	shalt  }
0x47: {  	_ =	shalt  }
0x48: {  	_ =	shalt  }
0x49: {  	_ =	shalt  }
0x4a: {  	_ =	shalt  }
0x4b: {  	_ =	shalt  }
0x4c: {  	_ =	shalt  }
0x4d: {  	_ =	shalt  }
0x4e: {  	_ =	shalt  }
0x4f: {  	_ =	shalt  }
0x50: {  	_ =	shalt  }
0x51: {  	_ =	shalt  }
0x52: {  	_ =	shalt  }
0x53: {  	_ =	shalt  }
0x54: {  	_ =	shalt  }
0x55: {  	_ =	shalt  }
0x56: {  	_ =	shalt  }
0x57: {  	_ =	shalt  }
0x58: {  	_ =	shalt  }
0x59: {  	_ =	shalt  }
0x5a: {  	_ =	shalt  }
0x5b: {  	_ =	shalt  }
0x5c: {  	_ =	shalt  }
0x5d: {  	_ =	shalt  }
0x5e: {  	_ =	shalt  }
0x5f: {  	_ =	shalt  }
0x60: {  	_ =	shalt  }
0x61: {  	_ =	shalt  }
0x62: {  	_ =	shalt  }
0x63: {  	_ =	shalt  }
0x64: {  	_ =	shalt  }
0x65: {  	_ =	shalt  }
0x66: {  	_ =	shalt  }
0x67: {  	_ =	shalt  }
0x68: {  	_ =	shalt  }
0x69: {  	_ =	shalt  }
0x6a: {  	_ =	shalt  }
0x6b: {  	_ =	shalt  }
0x6c: {  	_ =	shalt  }
0x6d: {  	_ =	shalt  }
0x6e: {  	_ =	shalt  }
0x6f: {  	_ =	shalt  }
0x70: {  	_ =	shalt  }
0x71: {  	_ =	shalt  }
0x72: {  	_ =	shalt  }
0x73: {  	_ =	shalt  }
0x74: {  	_ =	shalt  }
0x75: {  	_ =	shalt  }
0x76: {  	_ =	shalt  }
0x77: {  	_ =	shalt  }
0x78: {  	_ =	shalt  }
0x79: {  	_ =	shalt  }
0x7a: {  	_ =	shalt  }
0x7b: {  	_ =	shalt  }
0x7c: {  	_ =	shalt  }
0x7d: {  	_ =	shalt  }
0x7e: {  	_ =	shalt  }
0x7f: {  	_ =	shalt  }
0x80: {  	_ =	shalt  }
0x81: {  	_ =	shalt  }
0x82: {  	_ =	shalt  }
0x83: {  	_ =	shalt  }
0x84: {  	_ =	shalt  }
0x85: {  	_ =	shalt  }
0x86: {  	_ =	shalt  }
0x87: {  	_ =	shalt  }
.Lfunc_end0:
.L_simem_size_0:
called_computation.1_lowered:
.L_overlay_start_0:
0x88: {  	s2 =	sld [smem:$0x3FD9]  }
0x89: {  	s3 =	sld [smem:$0x3FFE];
	_ =	sdelay $0x1  }
0x8a: {  	s1 =	srdreg.scid  }
0x8b: {  	s0 =	sand.u32 $0x1, s1  }
0x8c: {  	s16 =	sshll.u32 s0, $0xA;
	s2 =	sadd.s32 s3, s2  }
0x8d: {  	s2 =	sadd.s32 s2, s16  }
0x8e: {  	[smem:$0x3FC0] =	sst s2  }
0x8f: {  	_ = 	snop  }
0x90: {  	(tm) =	ssettm $0x1  }
0x91: {  	s17 =	sld [smem:$0x3FFB];
	_ =	sdelay $0x3  }
0x92: {  	_ =	strace s17  }
0x93: {  	s2 =	sld [smem:$0x3FFC];
	_ =	sdelay $0x3  }
0x94: {  	_ =	strace s2  }
0x95: {  	s2 =	sld [smem:$0x3FFD];
	_ =	sdelay $0x3  }
0x96: {  	_ =	strace s2  }
0x97: {  	_ =	strace $0x8FFFFFFF  }
0x98: {  	s18 =	sld [smem:$0x3FDB];
	_ =	sdelay $0x1  }
0x99: {  	s19 =	simm.s32 $_scs_section_size  }
0x9a: {  	s4 =	simm.s32 $_size__tile_overlayer_lowered;
	s5 =	simm.s32 $_tile_overlayer_lowered  }
0x9b: {  	s22 =	simm.s32 $0x1BFF;
	s21 =	sshll.u32 s5, $0x1;
	s2 =	sadd.s32 s19, s18  }
0x9c: {  	s6 =	simm.s32 $0x0;
	s20 =	sshll.u32 s4, $0x1;
	s4 =	sadd.s32 s21, s2  }
0x9d: {  	[timem:s6], [sflag:s22] =	dma.local [hbm:s4], s20  }
0x9e: {  	_ =	swait.ge [sflag:s22], s20  }
0x9f: {  	s3 =	ssub.s32 $0x0, s20;
	[sflag:s22] =	ssyncset.done $0x0  }
0xa0: {  	[sflag:s22] =	ssyncadd.s32 s3;
	_ =	sdelay $0x1  }
0xa1: {  	s23 =	simm.s32 $0x1B8B  }
0xa2: {  	_ =	swait.ge [sflag:s23], $0x1  }
0xa3: {  	[sflag:s23] =	ssyncset.done $0x0  }
0xa4: {  	s25 =	simm.s32 $0x1B8E;
	s24 =	sld [smem:$0x3FFE];
	[sflag:s23] =	ssyncadd.s32 $0xFFFFFFFF  }
0xa5: {  	s26 =	simm.s32 $execute0_lowered;
	[smem:$0x3FD2] =	sst s25  }
0xa6: {  	s4 =	sshll.u32 s26, $0x1;
	_ =	strace $0x80000049;
	[dreg:$0x1] =	wrdreg $0xFFFFFFFF  }
0xa7: {  	s28 =	simm.s32 $_size_execute0_lowered;
	s2 =	sadd.s32 s2, s4;
	[dreg:$0x0] =	wrdreg $0x0  }
0xa8: {  	s4 =	sshll.u32 s28, $0x1;
	[dreg:$0x2] =	wrdreg s2  }
0xa9: {  	[dreg:$0x3] =	wrdreg s4  }
0xaa: {  	[dreg:$0x4] =	wrdreg $0xC0  }
0xab: {  	_ =	task [dreg:s6], $0x5FFFF  }
0xac: {  	[dreg:$0x1] =	wrdreg $0xFFFFFFFF  }
0xad: {  	[dreg:$0x0] =	wrdreg $0x60  }
0xae: {  	[dreg:$0x2] =	wrdreg s24  }
0xaf: {  	[dreg:$0x3] =	wrdreg $0x0  }
0xb0: {  	[dreg:$0x4] =	wrdreg $0xA0000  }
0xb1: {  	[dreg:$0x5] =	wrdreg $0x9  }
0xb2: {  	_ =	task.clear_ibuf [dreg:s6], $0x6FFFF;
	_ =	strace $0x90000049  }
0xb3: {  	s29 =	simm.s32 $0x9;
	_ =	strace $0x8000004B  }
0xb4: {  	_ =	swait.ge [sflag:s29], $0x1  }
0xb5: {  	[sflag:s29] =	ssyncadd.s32 $0xFFFFFFFF  }
0xb6: {  	_ =	strace $0x9000004B  }
0xb7: {  	_ =	sfence  }
0xb8: {  	s30 =	sld [smem:$0x0];
	_ =	sdelay $0x2  }
0xb9: {  	s31 =	sshll.u32 s1, $0xD;
	s1 =	sshrl.u32 s1, $0x2  }
0xba: {  	s3 =	sand.u32 $0x4000, s31;
	s1 =	sadd.s32 s1, s30  }
0xbb: {  	s0 =	sor.u32 s3, s0;
	s1 =	sshll.u32 s1, $0x11  }
0xbc: {  	s0 =	sor.u32 s1, s0  }
0xbd: {  	s0 =	sadd.s32 $0x8F2B, s0  }
0xbe: {  	[sflag:s0] =	ssyncadd.remote.s32 $0x1  }
0xbf: {  	_ =	sfence.sel $0xFFFF  }
0xc0: {  	[dreg:$0x0] =	wrdreg $0xFFFFFFFF;
	(pc) =	sbr.abs _section_cstart, $3  }
0xc1: {  	[dreg:$0x1] =	wrdreg $0xFFFFFFFF  }
0xc2: {  	_ =	task.clear_ibuf [dreg:s6], $0x2FFFF;
	_ =	strace $0x9FFFFFFF  }
0xc3: {  	(tm) =	ssettm $0x7FFFFFFF  }
tec
execute0_lowered:
.L_overlay_start_1:
0x0: {  	(tag) =	ssettag $0x1  }
0x1: {  	s0 =	rddreg [dreg:$0x0]  }
0x2: {  	s2 =	rddreg [dreg:$0x1];
	s1 =	srdreg.scid  }
0x3: {  	s3 =	rddreg [dreg:$0x2];
	s9 =	stileid.u32  }
0x4: {  	s7 =	simm.s32 $0x0;
	s14 =	simm.s32 $0x5;
	s16 =	simm.s32 $0x14000  }
0x5: {  	s17 =	simm.s32 $0x15400;
	s18 =	simm.s32 $0x80;
	s19 =	simm.s32 $0x16800  }
0x6: {  	s20 =	simm.s32 $0x14080;
	s28 =	simm.s32 $0x14180;
	s29 =	simm.s32 $0x1C800  }
0x7: {  	s30 =	simm.s32 $0x3;
	s31 =	simm.s32 $0x4;
	s1 =	sand.u32 $0x1, s1  }
0x8: {  	s4 =	smul.u32 $0xA000, s9;
	[smem:$0x7FF] =	sst s7;
	s23 =	sshll.u32 s9, $0x6  }
0x9: {  	s5 =	sshll.u32 s1, $0x4;
	s6 =	smul.u32 $0xA0000, s1;
	_ =	strace $0x8000004A  }
0xa: {  	s1 =	ssub.s32 $0x2, s1;
	s5 =	sor.u32 s9, s5;
	s21 =	sshrl.u32 s4, $0x3  }
0xb: {  	s22 =	sshrl.u32 s1, $0x1;
	s13 =	sadd.s32 s4, s2;
	s5 =	smul.u32 $0x2800, s5  }
0xc: {  	s7 =	sadd.s32 s21, s0;
	s6 =	sadd.s32 s4, s6;
	s1 =	ssub.s32 s1, s22  }
0xd: {  	s4 =	sadd.s32 s4, s3;
	s13 =	sshrl.u32 s13, $0x3;
	s21 =	simm.s32 $0x18800  }
0xe: {  	s22 =	simm.s32 $0x1;
	s6 =	sshrl.u32 s6, $0x3;
	s12 =	smax.u32 s1, $0x1  }
0xf: {  	s15 =	sshrl.u32 s4, $0x3;
	s1 =	simm.s32 $0x16780;
	s5 =	sshrl.u32 s5, $0x3  }
0x10: {  	s4 =	simm.s32 $0x0;
	s8 =	sadd.s32 s5, s0;
	s0 =	sadd.s32 s6, s0  }
0x11: {  	s5 =	sadd.s32 $0x15C00, s7;
	s6 =	sor.u32 $0x1C05, s23;
	s24 =	sadd.s32 $0x1C00, s8  }
0x12: {  	s23 =	simm.s32 $0x14100;
	s25 =	sadd.s32 $0xBC00, s8;
	[dreg:$0x4] =	wrdreg s24  }
0x13: {  	s26 =	sadd.s32 $0x1E80, s8;
	s10 =	sadd.s32 $0xBE80, s8;
	[dreg:$0x5] =	wrdreg s25  }
0x14: {  	s11 =	sadd.s32 $0x29C00, s0;
	s0 =	simm.s32 $0x16700;
	[dreg:$0x6] =	wrdreg s26  }
0x15: {  	s24 =	simm.s32 $0x1A800;
	s25 =	simm.s32 $0x2;
	s26 =	simm.s32 $0x15480  }
.LBB2_1:
0x16: {  	[spmem:s13], [sflag:s6] =	dma.local [hbm:s5], $0x1400  }
0x17: {  	_ =	swait.ge [sflag:s14], $0x1400  }
0x18: {  	[sflag:s14] =	ssyncset.done $0x0  }
0x19: {  	[sflag:s14] =	ssyncadd.s32 $0xFFFFEC00  }
0x1a: {  	[spmem:s15], [sflag:s6] =	dma.local [hbm:s5], $0x1400  }
0x1b: {  	_ =	swait.ge [sflag:s14], $0x1400  }
0x1c: {  	[sflag:s14] =	ssyncset.done $0x0  }
0x1d: {  	[sflag:s14] =	ssyncadd.s32 $0xFFFFEC00  }
0x1e: {  	[bflag:$0x0] =	sbarrier.arrive $0xFFFF  }
0x1f: {  	s7 =	simm.s32 $0x0;
	s8 =	rddreg [dreg:$0x4]  }
0x20: {  	[tilespmem:s16], [sflag:$0x5] =	stream.linear.gather [hbm4b:s8+s7], $0x1400, $0x38;
	[tilespmem:$0x1E800] =	vst v63  }
0x21: {  	_ =	swait.ge [sflag:s14], $0x1400  }
0x22: {  	[sflag:s14] =	ssyncset.done $0x0  }
0x23: {  	s9 =	rddreg [dreg:$0x5];
	[sflag:s14] =	ssyncadd.s32 $0xFFFFEC00  }
0x24: {  	[tilespmem:s17], [sflag:$0x5] =	stream.linear.gather [hbm4b:s9+s7], $0x1400, $0x38;
	[tilespmem:$0x1E800] =	vst v63  }
0x25: {  	_ =	swait.ge [sflag:s14], $0x1400  }
0x26: {  	[sflag:s14] =	ssyncset.done $0x0  }
0x27: {  	[sflag:s14] =	ssyncadd.s32 $0xFFFFEC00  }
0x28: {  	[tilespmem:s19], [sflag:$0x1] =	stream.indirect.gather [spmem:s3], $0x40, s16, s18, $0xb8;
	[tilespmem:$0x1E800] =	vst v63  }
0x29: {  	_ = 	snop  }
0x2a: {  	[tilespmem:s21], [sflag:$0x2] =	stream.indirect.gather [spmem:s3], $0x40, s20, s18, $0xb8;
	[tilespmem:$0x1E800] =	vst v63  }
0x2b: {  	_ =	swait.ge [sflag:s22], $0x2000  }
0x2c: {  	[sflag:s22] =	ssyncset.done $0x0  }
0x2d: {  	[sflag:s22] =	ssyncadd.s32 $0xFFFFE000  }
0x2e: {  	[spmem:s2] =	stream.indirect.scatter.add.f32 [tilespmem:s19], [sflag:$0x1], $0x40, s17, s18, $0xb8;
	[tilespmem:$0x1E800] =	vst v63  }
0x2f: {  	_ = 	snop  }
0x30: {  	[tilespmem:s24], [sflag:$0x3] =	stream.indirect.gather [spmem:s3], $0x40, s23, s18, $0xb8;
	[tilespmem:$0x1E800] =	vst v63  }
0x31: {  	_ =	swait.ge [sflag:s25], $0x2000  }
0x32: {  	[sflag:s25] =	ssyncset.done $0x0  }
0x33: {  	[sflag:s25] =	ssyncadd.s32 $0xFFFFE000  }
0x34: {  	[spmem:s2] =	stream.indirect.scatter.add.f32 [tilespmem:s21], [sflag:$0x2], $0x40, s26, s18, $0xb8;
	[tilespmem:$0x1E800] =	vst v63  }
0x35: {  	_ = 	snop  }
0x36: {  	[tilespmem:s29], [sflag:$0x4] =	stream.indirect.gather [spmem:s3], $0x40, s28, s18, $0xb8;
	[tilespmem:$0x1E800] =	vst v63  }
0x37: {  	_ =	swait.ge [sflag:s30], $0x2000  }
0x38: {  	[sflag:s30] =	ssyncset.done $0x0  }
0x39: {  	s9 =	simm.s32 $0x15500;
	[sflag:s30] =	ssyncadd.s32 $0xFFFFE000  }
0x3a: {  	[spmem:s2] =	stream.indirect.scatter.add.f32 [tilespmem:s24], [sflag:$0x3], $0x40, s9, s18, $0xb8;
	[tilespmem:$0x1E800] =	vst v63  }
0x3b: {  	_ =	swait.ge [sflag:s22], $0x2000  }
0x3c: {  	[sflag:s22] =	ssyncset.done $0x0  }
0x3d: {  	s8 =	simm.s32 $0x14200;
	[sflag:s22] =	ssyncadd.s32 $0xFFFFE000  }
0x3e: {  	[tilespmem:s19], [sflag:$0x1] =	stream.indirect.gather [spmem:s3], $0x40, s8, s18, $0xb8;
	[tilespmem:$0x1E800] =	vst v63  }
0x3f: {  	_ =	swait.ge [sflag:s31], $0x2000  }
0x40: {  	[sflag:s31] =	ssyncset.done $0x0  }
0x41: {  	s9 =	simm.s32 $0x15580;
	[sflag:s31] =	ssyncadd.s32 $0xFFFFE000  }
0x42: {  	[spmem:s2] =	stream.indirect.scatter.add.f32 [tilespmem:s29], [sflag:$0x4], $0x40, s9, s18, $0xb8;
	[tilespmem:$0x1E800] =	vst v63  }
0x43: {  	_ =	swait.ge [sflag:s25], $0x2000  }
0x44: {  	[sflag:s25] =	ssyncset.done $0x0  }
0x45: {  	s8 =	simm.s32 $0x14280;
	[sflag:s25] =	ssyncadd.s32 $0xFFFFE000  }
0x46: {  	[tilespmem:s21], [sflag:$0x2] =	stream.indirect.gather [spmem:s3], $0x40, s8, s18, $0xb8;
	[tilespmem:$0x1E800] =	vst v63  }
0x47: {  	_ =	swait.ge [sflag:s22], $0x2000  }
0x48: {  	[sflag:s22] =	ssyncset.done $0x0  }
0x49: {  	s9 =	simm.s32 $0x15600;
	[sflag:s22] =	ssyncadd.s32 $0xFFFFE000  }
0x4a: {  	[spmem:s2] =	stream.indirect.scatter.add.f32 [tilespmem:s19], [sflag:$0x1], $0x40, s9, s18, $0xb8;
	[tilespmem:$0x1E800] =	vst v63  }
0x4b: {  	_ =	swait.ge [sflag:s30], $0x2000  }
0x4c: {  	[sflag:s30] =	ssyncset.done $0x0  }
0x4d: {  	s8 =	simm.s32 $0x14300;
	[sflag:s30] =	ssyncadd.s32 $0xFFFFE000  }
0x4e: {  	[tilespmem:s24], [sflag:$0x3] =	stream.indirect.gather [spmem:s3], $0x40, s8, s18, $0xb8;
	[tilespmem:$0x1E800] =	vst v63  }
0x4f: {  	_ =	swait.ge [sflag:s25], $0x2000  }
0x50: {  	[sflag:s25] =	ssyncset.done $0x0  }
0x51: {  	s9 =	simm.s32 $0x15680;
	[sflag:s25] =	ssyncadd.s32 $0xFFFFE000  }
0x52: {  	[spmem:s2] =	stream.indirect.scatter.add.f32 [tilespmem:s21], [sflag:$0x2], $0x40, s9, s18, $0xb8;
	[tilespmem:$0x1E800] =	vst v63  }
0x53: {  	_ =	swait.ge [sflag:s31], $0x2000  }
0x54: {  	[sflag:s31] =	ssyncset.done $0x0  }
0x55: {  	s7 =	simm.s32 $0x800;
	s8 =	simm.s32 $0x14380;
	[sflag:s31] =	ssyncadd.s32 $0xFFFFE000  }
.LBB2_2:
0x56: {  	[tilespmem:s29], [sflag:$0x4] =	stream.indirect.gather [spmem:s3], $0x40, s8, s18, $0xb8;
	[tilespmem:$0x1E800] =	vst v63  }
0x57: {  	s8 =	smov.u32 s7  }
0x58: {  	p0 =	sne.s32 s7, $0x4000;
	s7 =	sadd.s32 $0x800, s7;
	_ =	swait.ge [sflag:s30], $0x2000  }
0x59: {  	s8 =	sshra.s32 s8, $0x2;
	[sflag:s30] =	ssyncset.done $0x0  }
0x5a: {  	s9 =	sadd.s32 $0x15500, s8;
	[sflag:s30] =	ssyncadd.s32 $0xFFFFE000  }
0x5b: {  	[spmem:s2] =	stream.indirect.scatter.add.f32 [tilespmem:s24], [sflag:$0x3], $0x40, s9, s18, $0xb8;
	[tilespmem:$0x1E800] =	vst v63  }
0x5c: {  	_ =	swait.ge [sflag:s22], $0x2000  }
0x5d: {  	[sflag:s22] =	ssyncset.done $0x0  }
0x5e: {  	s9 =	sadd.s32 $0x14200, s8;
	[sflag:s22] =	ssyncadd.s32 $0xFFFFE000  }
0x5f: {  	[tilespmem:s19], [sflag:$0x1] =	stream.indirect.gather [spmem:s3], $0x40, s9, s18, $0xb8;
	[tilespmem:$0x1E800] =	vst v63  }
0x60: {  	_ =	swait.ge [sflag:s31], $0x2000  }
0x61: {  	[sflag:s31] =	ssyncset.done $0x0  }
0x62: {  	s9 =	sadd.s32 $0x15580, s8;
	[sflag:s31] =	ssyncadd.s32 $0xFFFFE000  }
0x63: {  	[spmem:s2] =	stream.indirect.scatter.add.f32 [tilespmem:s29], [sflag:$0x4], $0x40, s9, s18, $0xb8;
	[tilespmem:$0x1E800] =	vst v63  }
0x64: {  	_ =	swait.ge [sflag:s25], $0x2000  }
0x65: {  	[sflag:s25] =	ssyncset.done $0x0  }
0x66: {  	s9 =	sadd.s32 $0x14280, s8;
	[sflag:s25] =	ssyncadd.s32 $0xFFFFE000  }
0x67: {  	[tilespmem:s21], [sflag:$0x2] =	stream.indirect.gather [spmem:s3], $0x40, s9, s18, $0xb8;
	[tilespmem:$0x1E800] =	vst v63  }
0x68: {  	_ =	swait.ge [sflag:s22], $0x2000  }
0x69: {  	[sflag:s22] =	ssyncset.done $0x0  }
0x6a: {  	s9 =	sadd.s32 $0x15600, s8;
	[sflag:s22] =	ssyncadd.s32 $0xFFFFE000  }
0x6b: {  	[spmem:s2] =	stream.indirect.scatter.add.f32 [tilespmem:s19], [sflag:$0x1], $0x40, s9, s18, $0xb8;
	[tilespmem:$0x1E800] =	vst v63  }
0x6c: {  	_ =	swait.ge [sflag:s30], $0x2000  }
0x6d: {  	[sflag:s30] =	ssyncset.done $0x0  }
0x6e: {  	s9 =	sadd.s32 $0x14300, s8;
	[sflag:s30] =	ssyncadd.s32 $0xFFFFE000  }
0x6f: {  	[tilespmem:s24], [sflag:$0x3] =	stream.indirect.gather [spmem:s3], $0x40, s9, s18, $0xb8;
	[tilespmem:$0x1E800] =	vst v63  }
0x70: {  	_ =	swait.ge [sflag:s25], $0x2000  }
0x71: {  	[sflag:s25] =	ssyncset.done $0x0  }
.Ltmp0:
0x72: {  	s9 =	sadd.s32 $0x15680, s8;
	[sflag:s25] =	ssyncadd.s32 $0xFFFFE000;
	(pc) =	sbr.rel @p0 .LBB2_2-.Ltmp0, $4  }
0x73: {  	[spmem:s2] =	stream.indirect.scatter.add.f32 [tilespmem:s21], [sflag:$0x2], $0x40, s9, s18, $0xb8;
	[tilespmem:$0x1E800] =	vst v63  }
0x74: {  	_ =	swait.ge [sflag:s31], $0x2000  }
0x75: {  	[sflag:s31] =	ssyncset.done $0x0  }
0x76: {  	s8 =	sadd.s32 $0x14380, s8;
	[sflag:s31] =	ssyncadd.s32 $0xFFFFE000  }
0x77: {  	[tilespmem:s29], [sflag:$0x4] =	stream.indirect.gather [spmem:s3], $0x40, s8, s18, $0xb8;
	[tilespmem:$0x1E800] =	vst v63  }
0x78: {  	_ =	swait.ge [sflag:s30], $0x2000  }
0x79: {  	[sflag:s30] =	ssyncset.done $0x0  }
0x7a: {  	[sflag:s30] =	ssyncadd.s32 $0xFFFFE000  }
0x7b: {  	[spmem:s2] =	stream.indirect.scatter.add.f32 [tilespmem:s24], [sflag:$0x3], $0x40, s0, s18, $0xb8;
	[tilespmem:$0x1E800] =	vst v63  }
0x7c: {  	_ =	swait.ge [sflag:s22], $0x2000  }
0x7d: {  	[sflag:s22] =	ssyncset.done $0x0  }
0x7e: {  	[sflag:s22] =	ssyncadd.s32 $0xFFFFE000  }
0x7f: {  	_ =	swait.ge [sflag:s31], $0x2000  }
0x80: {  	[sflag:s31] =	ssyncset.done $0x0  }
0x81: {  	[sflag:s31] =	ssyncadd.s32 $0xFFFFE000  }
0x82: {  	[spmem:s2] =	stream.indirect.scatter.add.f32 [tilespmem:s29], [sflag:$0x4], $0x40, s1, s18, $0xb8;
	[tilespmem:$0x1E800] =	vst v63  }
0x83: {  	_ =	swait.ge [sflag:s25], $0x2000  }
0x84: {  	[sflag:s25] =	ssyncset.done $0x0  }
0x85: {  	[sflag:s25] =	ssyncadd.s32 $0xFFFFE000  }
0x86: {  	_ =	swait.ge [sflag:s30], $0x2000  }
0x87: {  	[sflag:s30] =	ssyncset.done $0x0  }
0x88: {  	[sflag:s30] =	ssyncadd.s32 $0xFFFFE000  }
0x89: {  	_ =	swait.ge [sflag:s31], $0x2000  }
0x8a: {  	[sflag:s31] =	ssyncset.done $0x0  }
0x8b: {  	s7 =	simm.s32 $0x0;
	s9 =	rddreg [dreg:$0x6];
	[sflag:s31] =	ssyncadd.s32 $0xFFFFE000  }
0x8c: {  	[tilespmem:s16], [sflag:$0x5] =	stream.linear.gather [hbm4b:s9+s7], $0x1400, $0x38;
	[tilespmem:$0x1E800] =	vst v63  }
0x8d: {  	_ =	swait.ge [sflag:s14], $0x1400  }
0x8e: {  	[sflag:s14] =	ssyncset.done $0x0  }
0x8f: {  	[sflag:s14] =	ssyncadd.s32 $0xFFFFEC00  }
0x90: {  	[tilespmem:s17], [sflag:$0x5] =	stream.linear.gather [hbm4b:s10+s7], $0x1400, $0x38;
	[tilespmem:$0x1E800] =	vst v63  }
0x91: {  	_ =	swait.ge [sflag:s14], $0x1400  }
0x92: {  	[sflag:s14] =	ssyncset.done $0x0  }
0x93: {  	[sflag:s14] =	ssyncadd.s32 $0xFFFFEC00  }
0x94: {  	[tilespmem:s19], [sflag:$0x1] =	stream.indirect.gather [spmem:s3], $0x40, s16, s18, $0xb8;
	[tilespmem:$0x1E800] =	vst v63  }
0x95: {  	_ = 	snop  }
0x96: {  	[tilespmem:s21], [sflag:$0x2] =	stream.indirect.gather [spmem:s3], $0x40, s20, s18, $0xb8;
	[tilespmem:$0x1E800] =	vst v63  }
0x97: {  	_ =	swait.ge [sflag:s22], $0x2000  }
0x98: {  	[sflag:s22] =	ssyncset.done $0x0  }
0x99: {  	[sflag:s22] =	ssyncadd.s32 $0xFFFFE000  }
0x9a: {  	[spmem:s2] =	stream.indirect.scatter.add.f32 [tilespmem:s19], [sflag:$0x1], $0x40, s17, s18, $0xb8;
	[tilespmem:$0x1E800] =	vst v63  }
0x9b: {  	_ = 	snop  }
0x9c: {  	[tilespmem:s24], [sflag:$0x3] =	stream.indirect.gather [spmem:s3], $0x40, s23, s18, $0xb8;
	[tilespmem:$0x1E800] =	vst v63  }
0x9d: {  	_ =	swait.ge [sflag:s25], $0x2000  }
0x9e: {  	[sflag:s25] =	ssyncset.done $0x0  }
0x9f: {  	[sflag:s25] =	ssyncadd.s32 $0xFFFFE000  }
0xa0: {  	[spmem:s2] =	stream.indirect.scatter.add.f32 [tilespmem:s21], [sflag:$0x2], $0x40, s26, s18, $0xb8;
	[tilespmem:$0x1E800] =	vst v63  }
0xa1: {  	_ = 	snop  }
0xa2: {  	[tilespmem:s29], [sflag:$0x4] =	stream.indirect.gather [spmem:s3], $0x40, s28, s18, $0xb8;
	[tilespmem:$0x1E800] =	vst v63  }
0xa3: {  	_ =	swait.ge [sflag:s30], $0x2000  }
0xa4: {  	[sflag:s30] =	ssyncset.done $0x0  }
0xa5: {  	s9 =	simm.s32 $0x15500;
	[sflag:s30] =	ssyncadd.s32 $0xFFFFE000  }
0xa6: {  	[spmem:s2] =	stream.indirect.scatter.add.f32 [tilespmem:s24], [sflag:$0x3], $0x40, s9, s18, $0xb8;
	[tilespmem:$0x1E800] =	vst v63  }
0xa7: {  	_ =	swait.ge [sflag:s22], $0x2000  }
0xa8: {  	[sflag:s22] =	ssyncset.done $0x0  }
0xa9: {  	s8 =	simm.s32 $0x14200;
	[sflag:s22] =	ssyncadd.s32 $0xFFFFE000  }
0xaa: {  	[tilespmem:s19], [sflag:$0x1] =	stream.indirect.gather [spmem:s3], $0x40, s8, s18, $0xb8;
	[tilespmem:$0x1E800] =	vst v63  }
0xab: {  	_ =	swait.ge [sflag:s31], $0x2000  }
0xac: {  	[sflag:s31] =	ssyncset.done $0x0  }
0xad: {  	s9 =	simm.s32 $0x15580;
	[sflag:s31] =	ssyncadd.s32 $0xFFFFE000  }
0xae: {  	[spmem:s2] =	stream.indirect.scatter.add.f32 [tilespmem:s29], [sflag:$0x4], $0x40, s9, s18, $0xb8;
	[tilespmem:$0x1E800] =	vst v63  }
0xaf: {  	_ =	swait.ge [sflag:s25], $0x2000  }
0xb0: {  	[sflag:s25] =	ssyncset.done $0x0  }
0xb1: {  	s8 =	simm.s32 $0x14280;
	[sflag:s25] =	ssyncadd.s32 $0xFFFFE000  }
0xb2: {  	[tilespmem:s21], [sflag:$0x2] =	stream.indirect.gather [spmem:s3], $0x40, s8, s18, $0xb8;
	[tilespmem:$0x1E800] =	vst v63  }
0xb3: {  	_ =	swait.ge [sflag:s22], $0x2000  }
0xb4: {  	[sflag:s22] =	ssyncset.done $0x0  }
0xb5: {  	s9 =	simm.s32 $0x15600;
	[sflag:s22] =	ssyncadd.s32 $0xFFFFE000  }
0xb6: {  	[spmem:s2] =	stream.indirect.scatter.add.f32 [tilespmem:s19], [sflag:$0x1], $0x40, s9, s18, $0xb8;
	[tilespmem:$0x1E800] =	vst v63  }
0xb7: {  	_ =	swait.ge [sflag:s30], $0x2000  }
0xb8: {  	[sflag:s30] =	ssyncset.done $0x0  }
0xb9: {  	s8 =	simm.s32 $0x14300;
	[sflag:s30] =	ssyncadd.s32 $0xFFFFE000  }
0xba: {  	[tilespmem:s24], [sflag:$0x3] =	stream.indirect.gather [spmem:s3], $0x40, s8, s18, $0xb8;
	[tilespmem:$0x1E800] =	vst v63  }
0xbb: {  	_ =	swait.ge [sflag:s25], $0x2000  }
0xbc: {  	[sflag:s25] =	ssyncset.done $0x0  }
0xbd: {  	s9 =	simm.s32 $0x15680;
	[sflag:s25] =	ssyncadd.s32 $0xFFFFE000  }
0xbe: {  	[spmem:s2] =	stream.indirect.scatter.add.f32 [tilespmem:s21], [sflag:$0x2], $0x40, s9, s18, $0xb8;
	[tilespmem:$0x1E800] =	vst v63  }
0xbf: {  	_ =	swait.ge [sflag:s31], $0x2000  }
0xc0: {  	[sflag:s31] =	ssyncset.done $0x0  }
0xc1: {  	s7 =	simm.s32 $0x800;
	s8 =	simm.s32 $0x14380;
	[sflag:s31] =	ssyncadd.s32 $0xFFFFE000  }
.LBB2_4:
0xc2: {  	[tilespmem:s29], [sflag:$0x4] =	stream.indirect.gather [spmem:s3], $0x40, s8, s18, $0xb8;
	[tilespmem:$0x1E800] =	vst v63  }
0xc3: {  	s8 =	smov.u32 s7  }
0xc4: {  	p0 =	sne.s32 s7, $0x4000;
	s7 =	sadd.s32 $0x800, s7;
	_ =	swait.ge [sflag:s30], $0x2000  }
0xc5: {  	s8 =	sshra.s32 s8, $0x2;
	[sflag:s30] =	ssyncset.done $0x0  }
0xc6: {  	s9 =	sadd.s32 $0x15500, s8;
	[sflag:s30] =	ssyncadd.s32 $0xFFFFE000  }
0xc7: {  	[spmem:s2] =	stream.indirect.scatter.add.f32 [tilespmem:s24], [sflag:$0x3], $0x40, s9, s18, $0xb8;
	[tilespmem:$0x1E800] =	vst v63  }
0xc8: {  	_ =	swait.ge [sflag:s22], $0x2000  }
0xc9: {  	[sflag:s22] =	ssyncset.done $0x0  }
0xca: {  	s9 =	sadd.s32 $0x14200, s8;
	[sflag:s22] =	ssyncadd.s32 $0xFFFFE000  }
0xcb: {  	[tilespmem:s19], [sflag:$0x1] =	stream.indirect.gather [spmem:s3], $0x40, s9, s18, $0xb8;
	[tilespmem:$0x1E800] =	vst v63  }
0xcc: {  	_ =	swait.ge [sflag:s31], $0x2000  }
0xcd: {  	[sflag:s31] =	ssyncset.done $0x0  }
0xce: {  	s9 =	sadd.s32 $0x15580, s8;
	[sflag:s31] =	ssyncadd.s32 $0xFFFFE000  }
0xcf: {  	[spmem:s2] =	stream.indirect.scatter.add.f32 [tilespmem:s29], [sflag:$0x4], $0x40, s9, s18, $0xb8;
	[tilespmem:$0x1E800] =	vst v63  }
0xd0: {  	_ =	swait.ge [sflag:s25], $0x2000  }
0xd1: {  	[sflag:s25] =	ssyncset.done $0x0  }
0xd2: {  	s9 =	sadd.s32 $0x14280, s8;
	[sflag:s25] =	ssyncadd.s32 $0xFFFFE000  }
0xd3: {  	[tilespmem:s21], [sflag:$0x2] =	stream.indirect.gather [spmem:s3], $0x40, s9, s18, $0xb8;
	[tilespmem:$0x1E800] =	vst v63  }
0xd4: {  	_ =	swait.ge [sflag:s22], $0x2000  }
0xd5: {  	[sflag:s22] =	ssyncset.done $0x0  }
0xd6: {  	s9 =	sadd.s32 $0x15600, s8;
	[sflag:s22] =	ssyncadd.s32 $0xFFFFE000  }
0xd7: {  	[spmem:s2] =	stream.indirect.scatter.add.f32 [tilespmem:s19], [sflag:$0x1], $0x40, s9, s18, $0xb8;
	[tilespmem:$0x1E800] =	vst v63  }
0xd8: {  	_ =	swait.ge [sflag:s30], $0x2000  }
0xd9: {  	[sflag:s30] =	ssyncset.done $0x0  }
0xda: {  	s9 =	sadd.s32 $0x14300, s8;
	[sflag:s30] =	ssyncadd.s32 $0xFFFFE000  }
0xdb: {  	[tilespmem:s24], [sflag:$0x3] =	stream.indirect.gather [spmem:s3], $0x40, s9, s18, $0xb8;
	[tilespmem:$0x1E800] =	vst v63  }
0xdc: {  	_ =	swait.ge [sflag:s25], $0x2000  }
0xdd: {  	[sflag:s25] =	ssyncset.done $0x0  }
.Ltmp1:
0xde: {  	s9 =	sadd.s32 $0x15680, s8;
	[sflag:s25] =	ssyncadd.s32 $0xFFFFE000;
	(pc) =	sbr.rel @p0 .LBB2_4-.Ltmp1, $4  }
0xdf: {  	[spmem:s2] =	stream.indirect.scatter.add.f32 [tilespmem:s21], [sflag:$0x2], $0x40, s9, s18, $0xb8;
	[tilespmem:$0x1E800] =	vst v63  }
0xe0: {  	_ =	swait.ge [sflag:s31], $0x2000  }
0xe1: {  	[sflag:s31] =	ssyncset.done $0x0  }
0xe2: {  	s8 =	sadd.s32 $0x14380, s8;
	[sflag:s31] =	ssyncadd.s32 $0xFFFFE000  }
0xe3: {  	[tilespmem:s29], [sflag:$0x4] =	stream.indirect.gather [spmem:s3], $0x40, s8, s18, $0xb8;
	[tilespmem:$0x1E800] =	vst v63  }
0xe4: {  	_ =	swait.ge [sflag:s30], $0x2000  }
0xe5: {  	[sflag:s30] =	ssyncset.done $0x0  }
0xe6: {  	[sflag:s30] =	ssyncadd.s32 $0xFFFFE000  }
0xe7: {  	[spmem:s2] =	stream.indirect.scatter.add.f32 [tilespmem:s24], [sflag:$0x3], $0x40, s0, s18, $0xb8;
	[tilespmem:$0x1E800] =	vst v63  }
0xe8: {  	_ =	swait.ge [sflag:s22], $0x2000  }
0xe9: {  	[sflag:s22] =	ssyncset.done $0x0  }
0xea: {  	[sflag:s22] =	ssyncadd.s32 $0xFFFFE000  }
0xeb: {  	_ =	swait.ge [sflag:s31], $0x2000  }
0xec: {  	[sflag:s31] =	ssyncset.done $0x0  }
0xed: {  	[sflag:s31] =	ssyncadd.s32 $0xFFFFE000  }
0xee: {  	[spmem:s2] =	stream.indirect.scatter.add.f32 [tilespmem:s29], [sflag:$0x4], $0x40, s1, s18, $0xb8;
	[tilespmem:$0x1E800] =	vst v63  }
0xef: {  	_ =	swait.ge [sflag:s25], $0x2000  }
0xf0: {  	[sflag:s25] =	ssyncset.done $0x0  }
0xf1: {  	[sflag:s25] =	ssyncadd.s32 $0xFFFFE000  }
0xf2: {  	_ =	swait.ge [sflag:s30], $0x2000  }
0xf3: {  	[sflag:s30] =	ssyncset.done $0x0  }
0xf4: {  	[sflag:s30] =	ssyncadd.s32 $0xFFFFE000  }
0xf5: {  	_ =	swait.ge [sflag:s31], $0x2000  }
0xf6: {  	s4 =	sadd.s32 $0x1, s4;
	[sflag:s31] =	ssyncset.done $0x0  }
0xf7: {  	p0 =	sne.s32 s4, s12;
	[sflag:s31] =	ssyncadd.s32 $0xFFFFE000  }
.Ltmp2:
0xf8: {  	[bflag:$0x0] =	sbarrier.arrive $0xFFFF;
	(pc) =	sbr.rel @p0 .LBB2_1-.Ltmp2, $4  }
0xf9: {  	[hbm:s11], [sflag:s6] =	dma.local [spmem:s13], $0x1400  }
0xfa: {  	_ =	swait.ge [sflag:s14], $0x1400  }
0xfb: {  	[sflag:s14] =	ssyncset.done $0x0  }
0xfc: {  	[sflag:s14] =	ssyncadd.s32 $0xFFFFEC00  }
0xfd: {  	_ =	sfence.sel $0x180000  }
0xfe: {  	[bflag:$0x0] =	sbarrier.arrive $0xFFFF  }
0xff: {  	_ =	strace $0x9000004A  }
0x100: {  	s0 =	stileid.u32;
	[bflag:$0x2] =	sbarrier.arrive $0xFFFF  }
0x101: {  	p0 =	sne.s32 s0, $0x0;
	s0 =	rddreg [dreg:$0x3]  }
0x102: {  	s0 =	sadd.s32 @!p0 $0x100000, s0  }
0x103: {  	[sflag:s0] =	ssyncadd.tile.s32 @!p0 $0x1;
	_ =	shalt  }
.Lfunc_end2:
_tile_overlayer_lowered:
.L_overlay_start_2:
0x104: {  	(tag) =	ssettag $0x2  }
0x105: {  	s0 =	rddreg [dreg:$0x0];
	s2 =	stileid.u32  }
0x106: {  	s1 =	rddreg [dreg:$0x1];
	p0 =	sne.s32 s2, $0x0  }
0x107: {  	s3 =	rddreg [dreg:$0x2];
	[bflag:$0x3] =	sbarrier.arrive $0xFFFF;
	s2 =	simm.s32 @!p0 $0x1C05  }
0x108: {  	[timem:s3], [sflag:s2] =	dma.local @!p0 [hbm:s0], s1  }
0x109: {  	s0 =	simm.s32 @!p0 $0x5  }
0x10a: {  	_ =	swait.ge @!p0 [sflag:s0], s1  }
0x10b: {  	s1 =	ssub.s32 @!p0 $0x0, s1;
	[sflag:s0] =	ssyncset.done @!p0 $0x0  }
0x10c: {  	[sflag:s0] =	ssyncadd.s32 @!p0 s1  }
0x10d: {  	[bflag:$0x3] =	sbarrier.arrive $0xFFFF  }
0x10e: {  	_ =	shalt  }

// kernel: kernel.15.cloned.1.call-start
scs
__scs_entry_jumppad:
0x0: {  	(pc) =	sbr.rel $0x88, $3  }
0x1: {  	(tag) =	ssettag $0x0;
	lr =	simm.s32 $0x1  }
0x2: {  	[smem:$0x3F99] =	sst lr;
	_ =	strace $0xD0000000  }
0x3: {  	_ = 	snop  }
0x4: {  	_ = 	snop  }
0x5: {  	_ = 	snop  }
0x6: {  	_ = 	snop  }
0x7: {  	_ = 	snop  }
__scs_overlays_trampoline_lowered:
0x8: {  	[smem:$0x3FA8] =	sst s0  }
0x9: {  	[smem:$0x3FA9] =	sst s1  }
0xa: {  	[smem:$0x3FAA] =	sst s2  }
0xb: {  	[smem:$0x3FAB] =	sst s3  }
0xc: {  	[smem:$0x3FAC] =	sst s4  }
0xd: {  	[smem:$0x3FAD] =	sst s5  }
0xe: {  	[smem:$0x3FAE] =	sst s6  }
0xf: {  	[smem:$0x3FAF] =	sst s7  }
0x10: {  	[smem:$0x3FB0] =	sst s8  }
0x11: {  	[smem:$0x3FB1] =	sst s9;
	s0 =	simm.s32 @!p0 $0x0  }
0x12: {  	s1 =	sld [smem:$0x3F97];
	s0 =	simm.s32 @p0 $0x1  }
0x13: {  	[smem:$0x3FB2] =	sst s0;
	s0 =	simm.s32 @!p1 $0x0  }
0x14: {  	s2 =	sld [smem:$0x3F96];
	s0 =	simm.s32 @p1 $0x1  }
0x15: {  	[smem:$0x3FB3] =	sst s0;
	s0 =	simm.s32 @!p2 $0x0  }
0x16: {  	s3 =	sld [smem:$0x3FDB];
	s0 =	simm.s32 @p2 $0x1  }
0x17: {  	s4 =	simm.s32 $0x1BF5;
	[smem:$0x3FB5] =	sst s0  }
0x18: {  	s0 =	sld [smem:$0x3F98];
	_ =	swait.ge [sflag:s4], $0x0  }
0x19: {  	s7 =	sld [smem:$0x3F99]  }
0x1a: {  	s8 =	sadd.s32 $0xFFFFE003, lr  }
0x1b: {  	s9 =	sadd.s32 $0xFFFFFEF7, lr;
	s5 =	simm.s32 $0xFFFFFFFF;
	p2 =	slt.u32 s8, $0xFFFFF086  }
0x1c: {  	p1 =	slt.u32 s9, $0xF7A;
	s5 =	simm.s32 @!p2 $0x0  }
0x1d: {  	s5 =	simm.s32 @p1 $0x1;
	p0 =	seq.s32 s7, s2  }
0x1e: {  	s7 =	smul.u32 @!p0 $0xF7A, s2;
	p2 =	seq.s32 @!p0 s5, $0x0  }
0x1f: {  	s9 =	smul.u32 $0xF7A, s1;
	s8 =	simm.s32 @!p0 $0x1BF5;
	p2 =	por !p2, p0  }
0x20: {  	[sflag:s8] =	ssyncset.s32 @!p0 $0xFFFFF086;
	s6 =	sadd.s32 @!p0 s3, s7;
	s7 =	simm.s32 @!p0 $0x108  }
0x21: {  	s3 =	sadd.s32 s3, s9;
	s6 =	sadd.s32 @!p0 $0x88, s6;
	s7 =	simm.s32 @p2 $0x1082  }
0x22: {  	[simem:s7], [sflag:s8] =	dma.local @!p0 [hbm:s6], $0xF7A  }
0x23: {  	s9 =	sor.u32 $0xD0000000, s2;
	s6 =	simm.s32 $0x108;
	_ =	swait.ge @!p0 [sflag:s8], $0x0  }
0x24: {  	s3 =	sadd.s32 $0x88, s3;
	s6 =	simm.s32 @!p1 $0x1082;
	[sflag:s4] =	ssyncset.s32 $0xFFFFF086  }
0x25: {  	[simem:s6], [sflag:s4] =	dma.local [hbm:s3], $0xF7A  }
0x26: {  	[smem:$0x3F99] =	sst s1;
	(tag) =	ssettag s2;
	_ =	strace s9  }
0x27: {  	s1 =	sld [smem:$0x3FA9]  }
0x28: {  	s2 =	sld [smem:$0x3FAA]  }
0x29: {  	s4 =	sld [smem:$0x3FAC]  }
0x2a: {  	p0 =	seq.s32 s5, $0x0;
	s5 =	sld [smem:$0x3FAD]  }
0x2b: {  	s6 =	sld [smem:$0x3FAE]  }
0x2c: {  	s7 =	sld [smem:$0x3FAF]  }
0x2d: {  	s3 =	simm.s32 $0x108;
	s8 =	sld [smem:$0x3FB0]  }
0x2e: {  	s3 =	simm.s32 @!p0 $0x1082;
	s9 =	sld [smem:$0x3FB1]  }
0x2f: {  	lr =	sadd.s32 s0, s3;
	s0 =	sld [smem:$0x3FA8]  }
0x30: {  	s3 =	sld [smem:$0x3FAB]  }
0x31: {  	[smem:$0x3FB4] =	sst s10  }
0x32: {  	s10 =	sld [smem:$0x3FB2];
	_ =	sdelay $0x3  }
0x33: {  	p0 =	seq.s32 s10, $0x1;
	s10 =	sld [smem:$0x3FB4];
	_ =	sdelay $0x3  }
0x34: {  	[smem:$0x3FB4] =	sst s10  }
0x35: {  	s10 =	sld [smem:$0x3FB3];
	_ =	sdelay $0x3  }
0x36: {  	p1 =	seq.s32 s10, $0x1;
	s10 =	sld [smem:$0x3FB4];
	_ =	sdelay $0x3  }
0x37: {  	[smem:$0x3FB4] =	sst s10  }
0x38: {  	s10 =	sld [smem:$0x3FB5]  }
0x39: {  	_ = 	snop;
	(pc) =	sbr.ind lr, $3  }
0x3a: {  	_ = 	snop  }
0x3b: {  	_ = 	snop  }
0x3c: {  	p2 =	seq.s32 s10, $0x1;
	s10 =	sld [smem:$0x3FB4]  }
0x3d: {  	_ =	shalt  }
0x3e: {  	_ =	shalt  }
0x3f: {  	_ =	shalt  }
0x40: {  	_ =	shalt  }
0x41: {  	_ =	shalt  }
0x42: {  	_ =	shalt  }
0x43: {  	_ =	shalt  }
0x44: {  	_ =	shalt  }
0x45: {  	_ =	shalt  }
0x46: {  	_ =	shalt  }
0x47: {  	_ =	shalt  }
0x48: {  	_ =	shalt  }
0x49: {  	_ =	shalt  }
0x4a: {  	_ =	shalt  }
0x4b: {  	_ =	shalt  }
0x4c: {  	_ =	shalt  }
0x4d: {  	_ =	shalt  }
0x4e: {  	_ =	shalt  }
0x4f: {  	_ =	shalt  }
0x50: {  	_ =	shalt  }
0x51: {  	_ =	shalt  }
0x52: {  	_ =	shalt  }
0x53: {  	_ =	shalt  }
0x54: {  	_ =	shalt  }
0x55: {  	_ =	shalt  }
0x56: {  	_ =	shalt  }
0x57: {  	_ =	shalt  }
0x58: {  	_ =	shalt  }
0x59: {  	_ =	shalt  }
0x5a: {  	_ =	shalt  }
0x5b: {  	_ =	shalt  }
0x5c: {  	_ =	shalt  }
0x5d: {  	_ =	shalt  }
0x5e: {  	_ =	shalt  }
0x5f: {  	_ =	shalt  }
0x60: {  	_ =	shalt  }
0x61: {  	_ =	shalt  }
0x62: {  	_ =	shalt  }
0x63: {  	_ =	shalt  }
0x64: {  	_ =	shalt  }
0x65: {  	_ =	shalt  }
0x66: {  	_ =	shalt  }
0x67: {  	_ =	shalt  }
0x68: {  	_ =	shalt  }
0x69: {  	_ =	shalt  }
0x6a: {  	_ =	shalt  }
0x6b: {  	_ =	shalt  }
0x6c: {  	_ =	shalt  }
0x6d: {  	_ =	shalt  }
0x6e: {  	_ =	shalt  }
0x6f: {  	_ =	shalt  }
0x70: {  	_ =	shalt  }
0x71: {  	_ =	shalt  }
0x72: {  	_ =	shalt  }
0x73: {  	_ =	shalt  }
0x74: {  	_ =	shalt  }
0x75: {  	_ =	shalt  }
0x76: {  	_ =	shalt  }
0x77: {  	_ =	shalt  }
0x78: {  	_ =	shalt  }
0x79: {  	_ =	shalt  }
0x7a: {  	_ =	shalt  }
0x7b: {  	_ =	shalt  }
0x7c: {  	_ =	shalt  }
0x7d: {  	_ =	shalt  }
0x7e: {  	_ =	shalt  }
0x7f: {  	_ =	shalt  }
0x80: {  	_ =	shalt  }
0x81: {  	_ =	shalt  }
0x82: {  	_ =	shalt  }
0x83: {  	_ =	shalt  }
0x84: {  	_ =	shalt  }
0x85: {  	_ =	shalt  }
0x86: {  	_ =	shalt  }
0x87: {  	_ =	shalt  }
.Lfunc_end0:
.L_simem_size_0:
called_computation.2_lowered:
.L_overlay_start_0:
0x88: {  	s2 =	sld [smem:$0x3FD9]  }
0x89: {  	s3 =	sld [smem:$0x3FFE];
	_ =	sdelay $0x1  }
0x8a: {  	s1 =	srdreg.scid  }
0x8b: {  	s0 =	sand.u32 $0x1, s1  }
0x8c: {  	s16 =	sshll.u32 s0, $0xA;
	s2 =	sadd.s32 s3, s2  }
0x8d: {  	s2 =	sadd.s32 s2, s16  }
0x8e: {  	[smem:$0x3FC0] =	sst s2  }
0x8f: {  	_ = 	snop  }
0x90: {  	(tm) =	ssettm $0x1  }
0x91: {  	s17 =	sld [smem:$0x3FFB];
	_ =	sdelay $0x3  }
0x92: {  	_ =	strace s17  }
0x93: {  	s2 =	sld [smem:$0x3FFC];
	_ =	sdelay $0x3  }
0x94: {  	_ =	strace s2  }
0x95: {  	s2 =	sld [smem:$0x3FFD];
	_ =	sdelay $0x3  }
0x96: {  	_ =	strace s2  }
0x97: {  	_ =	strace $0x8FFFFFFF  }
0x98: {  	s18 =	sld [smem:$0x3FDB];
	_ =	sdelay $0x1  }
0x99: {  	s19 =	simm.s32 $_scs_section_size  }
0x9a: {  	s4 =	simm.s32 $_size__tile_overlayer_lowered;
	s5 =	simm.s32 $_tile_overlayer_lowered  }
0x9b: {  	s22 =	simm.s32 $0x1BFF;
	s21 =	sshll.u32 s5, $0x1;
	s2 =	sadd.s32 s19, s18  }
0x9c: {  	s6 =	simm.s32 $0x0;
	s20 =	sshll.u32 s4, $0x1;
	s4 =	sadd.s32 s21, s2  }
0x9d: {  	[timem:s6], [sflag:s22] =	dma.local [hbm:s4], s20  }
0x9e: {  	_ =	swait.ge [sflag:s22], s20  }
0x9f: {  	s3 =	ssub.s32 $0x0, s20;
	[sflag:s22] =	ssyncset.done $0x0  }
0xa0: {  	[sflag:s22] =	ssyncadd.s32 s3;
	_ =	sdelay $0x1  }
0xa1: {  	s23 =	simm.s32 $0x1B8B  }
0xa2: {  	_ =	swait.ge [sflag:s23], $0x1  }
0xa3: {  	[sflag:s23] =	ssyncset.done $0x0  }
0xa4: {  	s25 =	simm.s32 $0x1B8E;
	s24 =	sld [smem:$0x3FFE];
	[sflag:s23] =	ssyncadd.s32 $0xFFFFFFFF  }
0xa5: {  	s26 =	simm.s32 $execute0_lowered;
	[smem:$0x3FD2] =	sst s25  }
0xa6: {  	s4 =	sshll.u32 s26, $0x1;
	_ =	strace $0x8000004C;
	[dreg:$0x1] =	wrdreg $0xFFFFFFFF  }
0xa7: {  	s28 =	simm.s32 $_size_execute0_lowered;
	s2 =	sadd.s32 s2, s4;
	[dreg:$0x0] =	wrdreg $0x0  }
0xa8: {  	s4 =	sshll.u32 s28, $0x1;
	[dreg:$0x2] =	wrdreg s2  }
0xa9: {  	[dreg:$0x3] =	wrdreg s4  }
0xaa: {  	[dreg:$0x4] =	wrdreg $0xC0  }
0xab: {  	_ =	task [dreg:s6], $0x5FFFF  }
0xac: {  	[dreg:$0x1] =	wrdreg $0xFFFFFFFF  }
0xad: {  	[dreg:$0x0] =	wrdreg $0x60  }
0xae: {  	[dreg:$0x2] =	wrdreg s24  }
0xaf: {  	[dreg:$0x3] =	wrdreg $0x0  }
0xb0: {  	[dreg:$0x4] =	wrdreg $0xA0000  }
0xb1: {  	[dreg:$0x5] =	wrdreg $0x9  }
0xb2: {  	_ =	task.clear_ibuf [dreg:s6], $0x6FFFF;
	_ =	strace $0x9000004C  }
0xb3: {  	s29 =	simm.s32 $0x9;
	_ =	strace $0x8000004E  }
0xb4: {  	_ =	swait.ge [sflag:s29], $0x1  }
0xb5: {  	[sflag:s29] =	ssyncadd.s32 $0xFFFFFFFF  }
0xb6: {  	_ =	strace $0x9000004E  }
0xb7: {  	_ =	sfence  }
0xb8: {  	s30 =	sld [smem:$0x0];
	_ =	sdelay $0x2  }
0xb9: {  	s31 =	sshll.u32 s1, $0xD;
	s1 =	sshrl.u32 s1, $0x2  }
0xba: {  	s3 =	sand.u32 $0x4000, s31;
	s1 =	sadd.s32 s1, s30  }
0xbb: {  	s0 =	sor.u32 s3, s0;
	s1 =	sshll.u32 s1, $0x11  }
0xbc: {  	s0 =	sor.u32 s1, s0  }
0xbd: {  	s0 =	sadd.s32 $0x8F2B, s0  }
0xbe: {  	[sflag:s0] =	ssyncadd.remote.s32 $0x1  }
0xbf: {  	_ =	sfence.sel $0xFFFF  }
0xc0: {  	[dreg:$0x0] =	wrdreg $0xFFFFFFFF;
	(pc) =	sbr.abs _section_cstart, $3  }
0xc1: {  	[dreg:$0x1] =	wrdreg $0xFFFFFFFF  }
0xc2: {  	_ =	task.clear_ibuf [dreg:s6], $0x2FFFF;
	_ =	strace $0x9FFFFFFF  }
0xc3: {  	(tm) =	ssettm $0x7FFFFFFF  }
tec
execute0_lowered:
.L_overlay_start_1:
0x0: {  	(tag) =	ssettag $0x1  }
0x1: {  	s0 =	rddreg [dreg:$0x0]  }
0x2: {  	s2 =	rddreg [dreg:$0x1];
	s1 =	srdreg.scid  }
0x3: {  	s3 =	rddreg [dreg:$0x2];
	s9 =	stileid.u32  }
0x4: {  	s7 =	simm.s32 $0x0;
	s14 =	simm.s32 $0x5;
	s16 =	simm.s32 $0x14000  }
0x5: {  	s17 =	simm.s32 $0x15400;
	s18 =	simm.s32 $0x80;
	s19 =	simm.s32 $0x16800  }
0x6: {  	s20 =	simm.s32 $0x14080;
	s28 =	simm.s32 $0x14180;
	s29 =	simm.s32 $0x1C800  }
0x7: {  	s30 =	simm.s32 $0x3;
	s31 =	simm.s32 $0x4;
	s1 =	sand.u32 $0x1, s1  }
0x8: {  	s4 =	smul.u32 $0xA000, s9;
	[smem:$0x7FF] =	sst s7;
	s23 =	sshll.u32 s9, $0x6  }
0x9: {  	s5 =	sshll.u32 s1, $0x4;
	s6 =	smul.u32 $0xA0000, s1;
	_ =	strace $0x8000004D  }
0xa: {  	s1 =	ssub.s32 $0x2, s1;
	s5 =	sor.u32 s9, s5;
	s21 =	sshrl.u32 s4, $0x3  }
0xb: {  	s22 =	sshrl.u32 s1, $0x1;
	s13 =	sadd.s32 s4, s2;
	s5 =	smul.u32 $0x2800, s5  }
0xc: {  	s7 =	sadd.s32 s21, s0;
	s6 =	sadd.s32 s4, s6;
	s1 =	ssub.s32 s1, s22  }
0xd: {  	s4 =	sadd.s32 s4, s3;
	s13 =	sshrl.u32 s13, $0x3;
	s21 =	simm.s32 $0x18800  }
0xe: {  	s22 =	simm.s32 $0x1;
	s6 =	sshrl.u32 s6, $0x3;
	s12 =	smax.u32 s1, $0x1  }
0xf: {  	s15 =	sshrl.u32 s4, $0x3;
	s1 =	simm.s32 $0x16780;
	s5 =	sshrl.u32 s5, $0x3  }
0x10: {  	s4 =	simm.s32 $0x0;
	s8 =	sadd.s32 s5, s0;
	s0 =	sadd.s32 s6, s0  }
0x11: {  	s5 =	sadd.s32 $0x15C00, s7;
	s6 =	sor.u32 $0x1C05, s23;
	s24 =	sadd.s32 $0x1C00, s8  }
0x12: {  	s23 =	simm.s32 $0x14100;
	s25 =	sadd.s32 $0xBC00, s8;
	[dreg:$0x4] =	wrdreg s24  }
0x13: {  	s26 =	sadd.s32 $0x1E80, s8;
	s10 =	sadd.s32 $0xBE80, s8;
	[dreg:$0x5] =	wrdreg s25  }
0x14: {  	s11 =	sadd.s32 $0x29C00, s0;
	s0 =	simm.s32 $0x16700;
	[dreg:$0x6] =	wrdreg s26  }
0x15: {  	s24 =	simm.s32 $0x1A800;
	s25 =	simm.s32 $0x2;
	s26 =	simm.s32 $0x15480  }
.LBB2_1:
0x16: {  	[spmem:s13], [sflag:s6] =	dma.local [hbm:s5], $0x1400  }
0x17: {  	_ =	swait.ge [sflag:s14], $0x1400  }
0x18: {  	[sflag:s14] =	ssyncset.done $0x0  }
0x19: {  	[sflag:s14] =	ssyncadd.s32 $0xFFFFEC00  }
0x1a: {  	[spmem:s15], [sflag:s6] =	dma.local [hbm:s5], $0x1400  }
0x1b: {  	_ =	swait.ge [sflag:s14], $0x1400  }
0x1c: {  	[sflag:s14] =	ssyncset.done $0x0  }
0x1d: {  	[sflag:s14] =	ssyncadd.s32 $0xFFFFEC00  }
0x1e: {  	[bflag:$0x0] =	sbarrier.arrive $0xFFFF  }
0x1f: {  	s7 =	simm.s32 $0x0;
	s8 =	rddreg [dreg:$0x4]  }
0x20: {  	[tilespmem:s16], [sflag:$0x5] =	stream.linear.gather [hbm4b:s8+s7], $0x1400, $0x38;
	[tilespmem:$0x1E800] =	vst v63  }
0x21: {  	_ =	swait.ge [sflag:s14], $0x1400  }
0x22: {  	[sflag:s14] =	ssyncset.done $0x0  }
0x23: {  	s9 =	rddreg [dreg:$0x5];
	[sflag:s14] =	ssyncadd.s32 $0xFFFFEC00  }
0x24: {  	[tilespmem:s17], [sflag:$0x5] =	stream.linear.gather [hbm4b:s9+s7], $0x1400, $0x38;
	[tilespmem:$0x1E800] =	vst v63  }
0x25: {  	_ =	swait.ge [sflag:s14], $0x1400  }
0x26: {  	[sflag:s14] =	ssyncset.done $0x0  }
0x27: {  	[sflag:s14] =	ssyncadd.s32 $0xFFFFEC00  }
0x28: {  	[tilespmem:s19], [sflag:$0x1] =	stream.indirect.gather [spmem:s3], $0x40, s16, s18, $0xb8;
	[tilespmem:$0x1E800] =	vst v63  }
0x29: {  	_ = 	snop  }
0x2a: {  	[tilespmem:s21], [sflag:$0x2] =	stream.indirect.gather [spmem:s3], $0x40, s20, s18, $0xb8;
	[tilespmem:$0x1E800] =	vst v63  }
0x2b: {  	_ =	swait.ge [sflag:s22], $0x2000  }
0x2c: {  	[sflag:s22] =	ssyncset.done $0x0  }
0x2d: {  	[sflag:s22] =	ssyncadd.s32 $0xFFFFE000  }
0x2e: {  	[spmem:s2] =	stream.indirect.scatter.add.f32 [tilespmem:s19], [sflag:$0x1], $0x40, s17, s18, $0xb8;
	[tilespmem:$0x1E800] =	vst v63  }
0x2f: {  	_ = 	snop  }
0x30: {  	[tilespmem:s24], [sflag:$0x3] =	stream.indirect.gather [spmem:s3], $0x40, s23, s18, $0xb8;
	[tilespmem:$0x1E800] =	vst v63  }
0x31: {  	_ =	swait.ge [sflag:s25], $0x2000  }
0x32: {  	[sflag:s25] =	ssyncset.done $0x0  }
0x33: {  	[sflag:s25] =	ssyncadd.s32 $0xFFFFE000  }
0x34: {  	[spmem:s2] =	stream.indirect.scatter.add.f32 [tilespmem:s21], [sflag:$0x2], $0x40, s26, s18, $0xb8;
	[tilespmem:$0x1E800] =	vst v63  }
0x35: {  	_ = 	snop  }
0x36: {  	[tilespmem:s29], [sflag:$0x4] =	stream.indirect.gather [spmem:s3], $0x40, s28, s18, $0xb8;
	[tilespmem:$0x1E800] =	vst v63  }
0x37: {  	_ =	swait.ge [sflag:s30], $0x2000  }
0x38: {  	[sflag:s30] =	ssyncset.done $0x0  }
0x39: {  	s9 =	simm.s32 $0x15500;
	[sflag:s30] =	ssyncadd.s32 $0xFFFFE000  }
0x3a: {  	[spmem:s2] =	stream.indirect.scatter.add.f32 [tilespmem:s24], [sflag:$0x3], $0x40, s9, s18, $0xb8;
	[tilespmem:$0x1E800] =	vst v63  }
0x3b: {  	_ =	swait.ge [sflag:s22], $0x2000  }
0x3c: {  	[sflag:s22] =	ssyncset.done $0x0  }
0x3d: {  	s8 =	simm.s32 $0x14200;
	[sflag:s22] =	ssyncadd.s32 $0xFFFFE000  }
0x3e: {  	[tilespmem:s19], [sflag:$0x1] =	stream.indirect.gather [spmem:s3], $0x40, s8, s18, $0xb8;
	[tilespmem:$0x1E800] =	vst v63  }
0x3f: {  	_ =	swait.ge [sflag:s31], $0x2000  }
0x40: {  	[sflag:s31] =	ssyncset.done $0x0  }
0x41: {  	s9 =	simm.s32 $0x15580;
	[sflag:s31] =	ssyncadd.s32 $0xFFFFE000  }
0x42: {  	[spmem:s2] =	stream.indirect.scatter.add.f32 [tilespmem:s29], [sflag:$0x4], $0x40, s9, s18, $0xb8;
	[tilespmem:$0x1E800] =	vst v63  }
0x43: {  	_ =	swait.ge [sflag:s25], $0x2000  }
0x44: {  	[sflag:s25] =	ssyncset.done $0x0  }
0x45: {  	s8 =	simm.s32 $0x14280;
	[sflag:s25] =	ssyncadd.s32 $0xFFFFE000  }
0x46: {  	[tilespmem:s21], [sflag:$0x2] =	stream.indirect.gather [spmem:s3], $0x40, s8, s18, $0xb8;
	[tilespmem:$0x1E800] =	vst v63  }
0x47: {  	_ =	swait.ge [sflag:s22], $0x2000  }
0x48: {  	[sflag:s22] =	ssyncset.done $0x0  }
0x49: {  	s9 =	simm.s32 $0x15600;
	[sflag:s22] =	ssyncadd.s32 $0xFFFFE000  }
0x4a: {  	[spmem:s2] =	stream.indirect.scatter.add.f32 [tilespmem:s19], [sflag:$0x1], $0x40, s9, s18, $0xb8;
	[tilespmem:$0x1E800] =	vst v63  }
0x4b: {  	_ =	swait.ge [sflag:s30], $0x2000  }
0x4c: {  	[sflag:s30] =	ssyncset.done $0x0  }
0x4d: {  	s8 =	simm.s32 $0x14300;
	[sflag:s30] =	ssyncadd.s32 $0xFFFFE000  }
0x4e: {  	[tilespmem:s24], [sflag:$0x3] =	stream.indirect.gather [spmem:s3], $0x40, s8, s18, $0xb8;
	[tilespmem:$0x1E800] =	vst v63  }
0x4f: {  	_ =	swait.ge [sflag:s25], $0x2000  }
0x50: {  	[sflag:s25] =	ssyncset.done $0x0  }
0x51: {  	s9 =	simm.s32 $0x15680;
	[sflag:s25] =	ssyncadd.s32 $0xFFFFE000  }
0x52: {  	[spmem:s2] =	stream.indirect.scatter.add.f32 [tilespmem:s21], [sflag:$0x2], $0x40, s9, s18, $0xb8;
	[tilespmem:$0x1E800] =	vst v63  }
0x53: {  	_ =	swait.ge [sflag:s31], $0x2000  }
0x54: {  	[sflag:s31] =	ssyncset.done $0x0  }
0x55: {  	s7 =	simm.s32 $0x800;
	s8 =	simm.s32 $0x14380;
	[sflag:s31] =	ssyncadd.s32 $0xFFFFE000  }
.LBB2_2:
0x56: {  	[tilespmem:s29], [sflag:$0x4] =	stream.indirect.gather [spmem:s3], $0x40, s8, s18, $0xb8;
	[tilespmem:$0x1E800] =	vst v63  }
0x57: {  	s8 =	smov.u32 s7  }
0x58: {  	p0 =	sne.s32 s7, $0x4000;
	s7 =	sadd.s32 $0x800, s7;
	_ =	swait.ge [sflag:s30], $0x2000  }
0x59: {  	s8 =	sshra.s32 s8, $0x2;
	[sflag:s30] =	ssyncset.done $0x0  }
0x5a: {  	s9 =	sadd.s32 $0x15500, s8;
	[sflag:s30] =	ssyncadd.s32 $0xFFFFE000  }
0x5b: {  	[spmem:s2] =	stream.indirect.scatter.add.f32 [tilespmem:s24], [sflag:$0x3], $0x40, s9, s18, $0xb8;
	[tilespmem:$0x1E800] =	vst v63  }
0x5c: {  	_ =	swait.ge [sflag:s22], $0x2000  }
0x5d: {  	[sflag:s22] =	ssyncset.done $0x0  }
0x5e: {  	s9 =	sadd.s32 $0x14200, s8;
	[sflag:s22] =	ssyncadd.s32 $0xFFFFE000  }
0x5f: {  	[tilespmem:s19], [sflag:$0x1] =	stream.indirect.gather [spmem:s3], $0x40, s9, s18, $0xb8;
	[tilespmem:$0x1E800] =	vst v63  }
0x60: {  	_ =	swait.ge [sflag:s31], $0x2000  }
0x61: {  	[sflag:s31] =	ssyncset.done $0x0  }
0x62: {  	s9 =	sadd.s32 $0x15580, s8;
	[sflag:s31] =	ssyncadd.s32 $0xFFFFE000  }
0x63: {  	[spmem:s2] =	stream.indirect.scatter.add.f32 [tilespmem:s29], [sflag:$0x4], $0x40, s9, s18, $0xb8;
	[tilespmem:$0x1E800] =	vst v63  }
0x64: {  	_ =	swait.ge [sflag:s25], $0x2000  }
0x65: {  	[sflag:s25] =	ssyncset.done $0x0  }
0x66: {  	s9 =	sadd.s32 $0x14280, s8;
	[sflag:s25] =	ssyncadd.s32 $0xFFFFE000  }
0x67: {  	[tilespmem:s21], [sflag:$0x2] =	stream.indirect.gather [spmem:s3], $0x40, s9, s18, $0xb8;
	[tilespmem:$0x1E800] =	vst v63  }
0x68: {  	_ =	swait.ge [sflag:s22], $0x2000  }
0x69: {  	[sflag:s22] =	ssyncset.done $0x0  }
0x6a: {  	s9 =	sadd.s32 $0x15600, s8;
	[sflag:s22] =	ssyncadd.s32 $0xFFFFE000  }
0x6b: {  	[spmem:s2] =	stream.indirect.scatter.add.f32 [tilespmem:s19], [sflag:$0x1], $0x40, s9, s18, $0xb8;
	[tilespmem:$0x1E800] =	vst v63  }
0x6c: {  	_ =	swait.ge [sflag:s30], $0x2000  }
0x6d: {  	[sflag:s30] =	ssyncset.done $0x0  }
0x6e: {  	s9 =	sadd.s32 $0x14300, s8;
	[sflag:s30] =	ssyncadd.s32 $0xFFFFE000  }
0x6f: {  	[tilespmem:s24], [sflag:$0x3] =	stream.indirect.gather [spmem:s3], $0x40, s9, s18, $0xb8;
	[tilespmem:$0x1E800] =	vst v63  }
0x70: {  	_ =	swait.ge [sflag:s25], $0x2000  }
0x71: {  	[sflag:s25] =	ssyncset.done $0x0  }
.Ltmp0:
0x72: {  	s9 =	sadd.s32 $0x15680, s8;
	[sflag:s25] =	ssyncadd.s32 $0xFFFFE000;
	(pc) =	sbr.rel @p0 .LBB2_2-.Ltmp0, $4  }
0x73: {  	[spmem:s2] =	stream.indirect.scatter.add.f32 [tilespmem:s21], [sflag:$0x2], $0x40, s9, s18, $0xb8;
	[tilespmem:$0x1E800] =	vst v63  }
0x74: {  	_ =	swait.ge [sflag:s31], $0x2000  }
0x75: {  	[sflag:s31] =	ssyncset.done $0x0  }
0x76: {  	s8 =	sadd.s32 $0x14380, s8;
	[sflag:s31] =	ssyncadd.s32 $0xFFFFE000  }
0x77: {  	[tilespmem:s29], [sflag:$0x4] =	stream.indirect.gather [spmem:s3], $0x40, s8, s18, $0xb8;
	[tilespmem:$0x1E800] =	vst v63  }
0x78: {  	_ =	swait.ge [sflag:s30], $0x2000  }
0x79: {  	[sflag:s30] =	ssyncset.done $0x0  }
0x7a: {  	[sflag:s30] =	ssyncadd.s32 $0xFFFFE000  }
0x7b: {  	[spmem:s2] =	stream.indirect.scatter.add.f32 [tilespmem:s24], [sflag:$0x3], $0x40, s0, s18, $0xb8;
	[tilespmem:$0x1E800] =	vst v63  }
0x7c: {  	_ =	swait.ge [sflag:s22], $0x2000  }
0x7d: {  	[sflag:s22] =	ssyncset.done $0x0  }
0x7e: {  	[sflag:s22] =	ssyncadd.s32 $0xFFFFE000  }
0x7f: {  	_ =	swait.ge [sflag:s31], $0x2000  }
0x80: {  	[sflag:s31] =	ssyncset.done $0x0  }
0x81: {  	[sflag:s31] =	ssyncadd.s32 $0xFFFFE000  }
0x82: {  	[spmem:s2] =	stream.indirect.scatter.add.f32 [tilespmem:s29], [sflag:$0x4], $0x40, s1, s18, $0xb8;
	[tilespmem:$0x1E800] =	vst v63  }
0x83: {  	_ =	swait.ge [sflag:s25], $0x2000  }
0x84: {  	[sflag:s25] =	ssyncset.done $0x0  }
0x85: {  	[sflag:s25] =	ssyncadd.s32 $0xFFFFE000  }
0x86: {  	_ =	swait.ge [sflag:s30], $0x2000  }
0x87: {  	[sflag:s30] =	ssyncset.done $0x0  }
0x88: {  	[sflag:s30] =	ssyncadd.s32 $0xFFFFE000  }
0x89: {  	_ =	swait.ge [sflag:s31], $0x2000  }
0x8a: {  	[sflag:s31] =	ssyncset.done $0x0  }
0x8b: {  	s7 =	simm.s32 $0x0;
	s9 =	rddreg [dreg:$0x6];
	[sflag:s31] =	ssyncadd.s32 $0xFFFFE000  }
0x8c: {  	[tilespmem:s16], [sflag:$0x5] =	stream.linear.gather [hbm4b:s9+s7], $0x1400, $0x38;
	[tilespmem:$0x1E800] =	vst v63  }
0x8d: {  	_ =	swait.ge [sflag:s14], $0x1400  }
0x8e: {  	[sflag:s14] =	ssyncset.done $0x0  }
0x8f: {  	[sflag:s14] =	ssyncadd.s32 $0xFFFFEC00  }
0x90: {  	[tilespmem:s17], [sflag:$0x5] =	stream.linear.gather [hbm4b:s10+s7], $0x1400, $0x38;
	[tilespmem:$0x1E800] =	vst v63  }
0x91: {  	_ =	swait.ge [sflag:s14], $0x1400  }
0x92: {  	[sflag:s14] =	ssyncset.done $0x0  }
0x93: {  	[sflag:s14] =	ssyncadd.s32 $0xFFFFEC00  }
0x94: {  	[tilespmem:s19], [sflag:$0x1] =	stream.indirect.gather [spmem:s3], $0x40, s16, s18, $0xb8;
	[tilespmem:$0x1E800] =	vst v63  }
0x95: {  	_ = 	snop  }
0x96: {  	[tilespmem:s21], [sflag:$0x2] =	stream.indirect.gather [spmem:s3], $0x40, s20, s18, $0xb8;
	[tilespmem:$0x1E800] =	vst v63  }
0x97: {  	_ =	swait.ge [sflag:s22], $0x2000  }
0x98: {  	[sflag:s22] =	ssyncset.done $0x0  }
0x99: {  	[sflag:s22] =	ssyncadd.s32 $0xFFFFE000  }
0x9a: {  	[spmem:s2] =	stream.indirect.scatter.add.f32 [tilespmem:s19], [sflag:$0x1], $0x40, s17, s18, $0xb8;
	[tilespmem:$0x1E800] =	vst v63  }
0x9b: {  	_ = 	snop  }
0x9c: {  	[tilespmem:s24], [sflag:$0x3] =	stream.indirect.gather [spmem:s3], $0x40, s23, s18, $0xb8;
	[tilespmem:$0x1E800] =	vst v63  }
0x9d: {  	_ =	swait.ge [sflag:s25], $0x2000  }
0x9e: {  	[sflag:s25] =	ssyncset.done $0x0  }
0x9f: {  	[sflag:s25] =	ssyncadd.s32 $0xFFFFE000  }
0xa0: {  	[spmem:s2] =	stream.indirect.scatter.add.f32 [tilespmem:s21], [sflag:$0x2], $0x40, s26, s18, $0xb8;
	[tilespmem:$0x1E800] =	vst v63  }
0xa1: {  	_ = 	snop  }
0xa2: {  	[tilespmem:s29], [sflag:$0x4] =	stream.indirect.gather [spmem:s3], $0x40, s28, s18, $0xb8;
	[tilespmem:$0x1E800] =	vst v63  }
0xa3: {  	_ =	swait.ge [sflag:s30], $0x2000  }
0xa4: {  	[sflag:s30] =	ssyncset.done $0x0  }
0xa5: {  	s9 =	simm.s32 $0x15500;
	[sflag:s30] =	ssyncadd.s32 $0xFFFFE000  }
0xa6: {  	[spmem:s2] =	stream.indirect.scatter.add.f32 [tilespmem:s24], [sflag:$0x3], $0x40, s9, s18, $0xb8;
	[tilespmem:$0x1E800] =	vst v63  }
0xa7: {  	_ =	swait.ge [sflag:s22], $0x2000  }
0xa8: {  	[sflag:s22] =	ssyncset.done $0x0  }
0xa9: {  	s8 =	simm.s32 $0x14200;
	[sflag:s22] =	ssyncadd.s32 $0xFFFFE000  }
0xaa: {  	[tilespmem:s19], [sflag:$0x1] =	stream.indirect.gather [spmem:s3], $0x40, s8, s18, $0xb8;
	[tilespmem:$0x1E800] =	vst v63  }
0xab: {  	_ =	swait.ge [sflag:s31], $0x2000  }
0xac: {  	[sflag:s31] =	ssyncset.done $0x0  }
0xad: {  	s9 =	simm.s32 $0x15580;
	[sflag:s31] =	ssyncadd.s32 $0xFFFFE000  }
0xae: {  	[spmem:s2] =	stream.indirect.scatter.add.f32 [tilespmem:s29], [sflag:$0x4], $0x40, s9, s18, $0xb8;
	[tilespmem:$0x1E800] =	vst v63  }
0xaf: {  	_ =	swait.ge [sflag:s25], $0x2000  }
0xb0: {  	[sflag:s25] =	ssyncset.done $0x0  }
0xb1: {  	s8 =	simm.s32 $0x14280;
	[sflag:s25] =	ssyncadd.s32 $0xFFFFE000  }
0xb2: {  	[tilespmem:s21], [sflag:$0x2] =	stream.indirect.gather [spmem:s3], $0x40, s8, s18, $0xb8;
	[tilespmem:$0x1E800] =	vst v63  }
0xb3: {  	_ =	swait.ge [sflag:s22], $0x2000  }
0xb4: {  	[sflag:s22] =	ssyncset.done $0x0  }
0xb5: {  	s9 =	simm.s32 $0x15600;
	[sflag:s22] =	ssyncadd.s32 $0xFFFFE000  }
0xb6: {  	[spmem:s2] =	stream.indirect.scatter.add.f32 [tilespmem:s19], [sflag:$0x1], $0x40, s9, s18, $0xb8;
	[tilespmem:$0x1E800] =	vst v63  }
0xb7: {  	_ =	swait.ge [sflag:s30], $0x2000  }
0xb8: {  	[sflag:s30] =	ssyncset.done $0x0  }
0xb9: {  	s8 =	simm.s32 $0x14300;
	[sflag:s30] =	ssyncadd.s32 $0xFFFFE000  }
0xba: {  	[tilespmem:s24], [sflag:$0x3] =	stream.indirect.gather [spmem:s3], $0x40, s8, s18, $0xb8;
	[tilespmem:$0x1E800] =	vst v63  }
0xbb: {  	_ =	swait.ge [sflag:s25], $0x2000  }
0xbc: {  	[sflag:s25] =	ssyncset.done $0x0  }
0xbd: {  	s9 =	simm.s32 $0x15680;
	[sflag:s25] =	ssyncadd.s32 $0xFFFFE000  }
0xbe: {  	[spmem:s2] =	stream.indirect.scatter.add.f32 [tilespmem:s21], [sflag:$0x2], $0x40, s9, s18, $0xb8;
	[tilespmem:$0x1E800] =	vst v63  }
0xbf: {  	_ =	swait.ge [sflag:s31], $0x2000  }
0xc0: {  	[sflag:s31] =	ssyncset.done $0x0  }
0xc1: {  	s7 =	simm.s32 $0x800;
	s8 =	simm.s32 $0x14380;
	[sflag:s31] =	ssyncadd.s32 $0xFFFFE000  }
.LBB2_4:
0xc2: {  	[tilespmem:s29], [sflag:$0x4] =	stream.indirect.gather [spmem:s3], $0x40, s8, s18, $0xb8;
	[tilespmem:$0x1E800] =	vst v63  }
0xc3: {  	s8 =	smov.u32 s7  }
0xc4: {  	p0 =	sne.s32 s7, $0x4000;
	s7 =	sadd.s32 $0x800, s7;
	_ =	swait.ge [sflag:s30], $0x2000  }
0xc5: {  	s8 =	sshra.s32 s8, $0x2;
	[sflag:s30] =	ssyncset.done $0x0  }
0xc6: {  	s9 =	sadd.s32 $0x15500, s8;
	[sflag:s30] =	ssyncadd.s32 $0xFFFFE000  }
0xc7: {  	[spmem:s2] =	stream.indirect.scatter.add.f32 [tilespmem:s24], [sflag:$0x3], $0x40, s9, s18, $0xb8;
	[tilespmem:$0x1E800] =	vst v63  }
0xc8: {  	_ =	swait.ge [sflag:s22], $0x2000  }
0xc9: {  	[sflag:s22] =	ssyncset.done $0x0  }
0xca: {  	s9 =	sadd.s32 $0x14200, s8;
	[sflag:s22] =	ssyncadd.s32 $0xFFFFE000  }
0xcb: {  	[tilespmem:s19], [sflag:$0x1] =	stream.indirect.gather [spmem:s3], $0x40, s9, s18, $0xb8;
	[tilespmem:$0x1E800] =	vst v63  }
0xcc: {  	_ =	swait.ge [sflag:s31], $0x2000  }
0xcd: {  	[sflag:s31] =	ssyncset.done $0x0  }
0xce: {  	s9 =	sadd.s32 $0x15580, s8;
	[sflag:s31] =	ssyncadd.s32 $0xFFFFE000  }
0xcf: {  	[spmem:s2] =	stream.indirect.scatter.add.f32 [tilespmem:s29], [sflag:$0x4], $0x40, s9, s18, $0xb8;
	[tilespmem:$0x1E800] =	vst v63  }
0xd0: {  	_ =	swait.ge [sflag:s25], $0x2000  }
0xd1: {  	[sflag:s25] =	ssyncset.done $0x0  }
0xd2: {  	s9 =	sadd.s32 $0x14280, s8;
	[sflag:s25] =	ssyncadd.s32 $0xFFFFE000  }
0xd3: {  	[tilespmem:s21], [sflag:$0x2] =	stream.indirect.gather [spmem:s3], $0x40, s9, s18, $0xb8;
	[tilespmem:$0x1E800] =	vst v63  }
0xd4: {  	_ =	swait.ge [sflag:s22], $0x2000  }
0xd5: {  	[sflag:s22] =	ssyncset.done $0x0  }
0xd6: {  	s9 =	sadd.s32 $0x15600, s8;
	[sflag:s22] =	ssyncadd.s32 $0xFFFFE000  }
0xd7: {  	[spmem:s2] =	stream.indirect.scatter.add.f32 [tilespmem:s19], [sflag:$0x1], $0x40, s9, s18, $0xb8;
	[tilespmem:$0x1E800] =	vst v63  }
0xd8: {  	_ =	swait.ge [sflag:s30], $0x2000  }
0xd9: {  	[sflag:s30] =	ssyncset.done $0x0  }
0xda: {  	s9 =	sadd.s32 $0x14300, s8;
	[sflag:s30] =	ssyncadd.s32 $0xFFFFE000  }
0xdb: {  	[tilespmem:s24], [sflag:$0x3] =	stream.indirect.gather [spmem:s3], $0x40, s9, s18, $0xb8;
	[tilespmem:$0x1E800] =	vst v63  }
0xdc: {  	_ =	swait.ge [sflag:s25], $0x2000  }
0xdd: {  	[sflag:s25] =	ssyncset.done $0x0  }
.Ltmp1:
0xde: {  	s9 =	sadd.s32 $0x15680, s8;
	[sflag:s25] =	ssyncadd.s32 $0xFFFFE000;
	(pc) =	sbr.rel @p0 .LBB2_4-.Ltmp1, $4  }
0xdf: {  	[spmem:s2] =	stream.indirect.scatter.add.f32 [tilespmem:s21], [sflag:$0x2], $0x40, s9, s18, $0xb8;
	[tilespmem:$0x1E800] =	vst v63  }
0xe0: {  	_ =	swait.ge [sflag:s31], $0x2000  }
0xe1: {  	[sflag:s31] =	ssyncset.done $0x0  }
0xe2: {  	s8 =	sadd.s32 $0x14380, s8;
	[sflag:s31] =	ssyncadd.s32 $0xFFFFE000  }
0xe3: {  	[tilespmem:s29], [sflag:$0x4] =	stream.indirect.gather [spmem:s3], $0x40, s8, s18, $0xb8;
	[tilespmem:$0x1E800] =	vst v63  }
0xe4: {  	_ =	swait.ge [sflag:s30], $0x2000  }
0xe5: {  	[sflag:s30] =	ssyncset.done $0x0  }
0xe6: {  	[sflag:s30] =	ssyncadd.s32 $0xFFFFE000  }
0xe7: {  	[spmem:s2] =	stream.indirect.scatter.add.f32 [tilespmem:s24], [sflag:$0x3], $0x40, s0, s18, $0xb8;
	[tilespmem:$0x1E800] =	vst v63  }
0xe8: {  	_ =	swait.ge [sflag:s22], $0x2000  }
0xe9: {  	[sflag:s22] =	ssyncset.done $0x0  }
0xea: {  	[sflag:s22] =	ssyncadd.s32 $0xFFFFE000  }
0xeb: {  	_ =	swait.ge [sflag:s31], $0x2000  }
0xec: {  	[sflag:s31] =	ssyncset.done $0x0  }
0xed: {  	[sflag:s31] =	ssyncadd.s32 $0xFFFFE000  }
0xee: {  	[spmem:s2] =	stream.indirect.scatter.add.f32 [tilespmem:s29], [sflag:$0x4], $0x40, s1, s18, $0xb8;
	[tilespmem:$0x1E800] =	vst v63  }
0xef: {  	_ =	swait.ge [sflag:s25], $0x2000  }
0xf0: {  	[sflag:s25] =	ssyncset.done $0x0  }
0xf1: {  	[sflag:s25] =	ssyncadd.s32 $0xFFFFE000  }
0xf2: {  	_ =	swait.ge [sflag:s30], $0x2000  }
0xf3: {  	[sflag:s30] =	ssyncset.done $0x0  }
0xf4: {  	[sflag:s30] =	ssyncadd.s32 $0xFFFFE000  }
0xf5: {  	_ =	swait.ge [sflag:s31], $0x2000  }
0xf6: {  	s4 =	sadd.s32 $0x1, s4;
	[sflag:s31] =	ssyncset.done $0x0  }
0xf7: {  	p0 =	sne.s32 s4, s12;
	[sflag:s31] =	ssyncadd.s32 $0xFFFFE000  }
.Ltmp2:
0xf8: {  	[bflag:$0x0] =	sbarrier.arrive $0xFFFF;
	(pc) =	sbr.rel @p0 .LBB2_1-.Ltmp2, $4  }
0xf9: {  	[hbm:s11], [sflag:s6] =	dma.local [spmem:s13], $0x1400  }
0xfa: {  	_ =	swait.ge [sflag:s14], $0x1400  }
0xfb: {  	[sflag:s14] =	ssyncset.done $0x0  }
0xfc: {  	[sflag:s14] =	ssyncadd.s32 $0xFFFFEC00  }
0xfd: {  	_ =	sfence.sel $0x180000  }
0xfe: {  	[bflag:$0x0] =	sbarrier.arrive $0xFFFF  }
0xff: {  	_ =	strace $0x9000004D  }
0x100: {  	s0 =	stileid.u32;
	[bflag:$0x2] =	sbarrier.arrive $0xFFFF  }
0x101: {  	p0 =	sne.s32 s0, $0x0;
	s0 =	rddreg [dreg:$0x3]  }
0x102: {  	s0 =	sadd.s32 @!p0 $0x100000, s0  }
0x103: {  	[sflag:s0] =	ssyncadd.tile.s32 @!p0 $0x1;
	_ =	shalt  }
.Lfunc_end2:
_tile_overlayer_lowered:
.L_overlay_start_2:
0x104: {  	(tag) =	ssettag $0x2  }
0x105: {  	s0 =	rddreg [dreg:$0x0];
	s2 =	stileid.u32  }
0x106: {  	s1 =	rddreg [dreg:$0x1];
	p0 =	sne.s32 s2, $0x0  }
0x107: {  	s3 =	rddreg [dreg:$0x2];
	[bflag:$0x3] =	sbarrier.arrive $0xFFFF;
	s2 =	simm.s32 @!p0 $0x1C05  }
0x108: {  	[timem:s3], [sflag:s2] =	dma.local @!p0 [hbm:s0], s1  }
0x109: {  	s0 =	simm.s32 @!p0 $0x5  }
0x10a: {  	_ =	swait.ge @!p0 [sflag:s0], s1  }
0x10b: {  	s1 =	ssub.s32 @!p0 $0x0, s1;
	[sflag:s0] =	ssyncset.done @!p0 $0x0  }
0x10c: {  	[sflag:s0] =	ssyncadd.s32 @!p0 s1  }
0x10d: {  	[bflag:$0x3] =	sbarrier.arrive $0xFFFF  }
0x10e: {  	_ =	shalt  }

// kernel: kernel.9.cloned.1.call-start
scs
__scs_entry_jumppad:
0x0: {  	(pc) =	sbr.rel $0x88, $3  }
0x1: {  	(tag) =	ssettag $0x0;
	lr =	simm.s32 $0x1  }
0x2: {  	[smem:$0x3F99] =	sst lr;
	_ =	strace $0xD0000000  }
0x3: {  	_ = 	snop  }
0x4: {  	_ = 	snop  }
0x5: {  	_ = 	snop  }
0x6: {  	_ = 	snop  }
0x7: {  	_ = 	snop  }
__scs_overlays_trampoline_lowered:
0x8: {  	[smem:$0x3FA8] =	sst s0  }
0x9: {  	[smem:$0x3FA9] =	sst s1  }
0xa: {  	[smem:$0x3FAA] =	sst s2  }
0xb: {  	[smem:$0x3FAB] =	sst s3  }
0xc: {  	[smem:$0x3FAC] =	sst s4  }
0xd: {  	[smem:$0x3FAD] =	sst s5  }
0xe: {  	[smem:$0x3FAE] =	sst s6  }
0xf: {  	[smem:$0x3FAF] =	sst s7  }
0x10: {  	[smem:$0x3FB0] =	sst s8  }
0x11: {  	[smem:$0x3FB1] =	sst s9;
	s0 =	simm.s32 @!p0 $0x0  }
0x12: {  	s1 =	sld [smem:$0x3F97];
	s0 =	simm.s32 @p0 $0x1  }
0x13: {  	[smem:$0x3FB2] =	sst s0;
	s0 =	simm.s32 @!p1 $0x0  }
0x14: {  	s2 =	sld [smem:$0x3F96];
	s0 =	simm.s32 @p1 $0x1  }
0x15: {  	[smem:$0x3FB3] =	sst s0;
	s0 =	simm.s32 @!p2 $0x0  }
0x16: {  	s3 =	sld [smem:$0x3FDB];
	s0 =	simm.s32 @p2 $0x1  }
0x17: {  	s4 =	simm.s32 $0x1BF5;
	[smem:$0x3FB5] =	sst s0  }
0x18: {  	s0 =	sld [smem:$0x3F98];
	_ =	swait.ge [sflag:s4], $0x0  }
0x19: {  	s7 =	sld [smem:$0x3F99]  }
0x1a: {  	s8 =	sadd.s32 $0xFFFFE003, lr  }
0x1b: {  	s9 =	sadd.s32 $0xFFFFFEF7, lr;
	s5 =	simm.s32 $0xFFFFFFFF;
	p2 =	slt.u32 s8, $0xFFFFF086  }
0x1c: {  	p1 =	slt.u32 s9, $0xF7A;
	s5 =	simm.s32 @!p2 $0x0  }
0x1d: {  	s5 =	simm.s32 @p1 $0x1;
	p0 =	seq.s32 s7, s2  }
0x1e: {  	s7 =	smul.u32 @!p0 $0xF7A, s2;
	p2 =	seq.s32 @!p0 s5, $0x0  }
0x1f: {  	s9 =	smul.u32 $0xF7A, s1;
	s8 =	simm.s32 @!p0 $0x1BF5;
	p2 =	por !p2, p0  }
0x20: {  	[sflag:s8] =	ssyncset.s32 @!p0 $0xFFFFF086;
	s6 =	sadd.s32 @!p0 s3, s7;
	s7 =	simm.s32 @!p0 $0x108  }
0x21: {  	s3 =	sadd.s32 s3, s9;
	s6 =	sadd.s32 @!p0 $0x88, s6;
	s7 =	simm.s32 @p2 $0x1082  }
0x22: {  	[simem:s7], [sflag:s8] =	dma.local @!p0 [hbm:s6], $0xF7A  }
0x23: {  	s9 =	sor.u32 $0xD0000000, s2;
	s6 =	simm.s32 $0x108;
	_ =	swait.ge @!p0 [sflag:s8], $0x0  }
0x24: {  	s3 =	sadd.s32 $0x88, s3;
	s6 =	simm.s32 @!p1 $0x1082;
	[sflag:s4] =	ssyncset.s32 $0xFFFFF086  }
0x25: {  	[simem:s6], [sflag:s4] =	dma.local [hbm:s3], $0xF7A  }
0x26: {  	[smem:$0x3F99] =	sst s1;
	(tag) =	ssettag s2;
	_ =	strace s9  }
0x27: {  	s1 =	sld [smem:$0x3FA9]  }
0x28: {  	s2 =	sld [smem:$0x3FAA]  }
0x29: {  	s4 =	sld [smem:$0x3FAC]  }
0x2a: {  	p0 =	seq.s32 s5, $0x0;
	s5 =	sld [smem:$0x3FAD]  }
0x2b: {  	s6 =	sld [smem:$0x3FAE]  }
0x2c: {  	s7 =	sld [smem:$0x3FAF]  }
0x2d: {  	s3 =	simm.s32 $0x108;
	s8 =	sld [smem:$0x3FB0]  }
0x2e: {  	s3 =	simm.s32 @!p0 $0x1082;
	s9 =	sld [smem:$0x3FB1]  }
0x2f: {  	lr =	sadd.s32 s0, s3;
	s0 =	sld [smem:$0x3FA8]  }
0x30: {  	s3 =	sld [smem:$0x3FAB]  }
0x31: {  	[smem:$0x3FB4] =	sst s10  }
0x32: {  	s10 =	sld [smem:$0x3FB2];
	_ =	sdelay $0x3  }
0x33: {  	p0 =	seq.s32 s10, $0x1;
	s10 =	sld [smem:$0x3FB4];
	_ =	sdelay $0x3  }
0x34: {  	[smem:$0x3FB4] =	sst s10  }
0x35: {  	s10 =	sld [smem:$0x3FB3];
	_ =	sdelay $0x3  }
0x36: {  	p1 =	seq.s32 s10, $0x1;
	s10 =	sld [smem:$0x3FB4];
	_ =	sdelay $0x3  }
0x37: {  	[smem:$0x3FB4] =	sst s10  }
0x38: {  	s10 =	sld [smem:$0x3FB5]  }
0x39: {  	_ = 	snop;
	(pc) =	sbr.ind lr, $3  }
0x3a: {  	_ = 	snop  }
0x3b: {  	_ = 	snop  }
0x3c: {  	p2 =	seq.s32 s10, $0x1;
	s10 =	sld [smem:$0x3FB4]  }
0x3d: {  	_ =	shalt  }
0x3e: {  	_ =	shalt  }
0x3f: {  	_ =	shalt  }
0x40: {  	_ =	shalt  }
0x41: {  	_ =	shalt  }
0x42: {  	_ =	shalt  }
0x43: {  	_ =	shalt  }
0x44: {  	_ =	shalt  }
0x45: {  	_ =	shalt  }
0x46: {  	_ =	shalt  }
0x47: {  	_ =	shalt  }
0x48: {  	_ =	shalt  }
0x49: {  	_ =	shalt  }
0x4a: {  	_ =	shalt  }
0x4b: {  	_ =	shalt  }
0x4c: {  	_ =	shalt  }
0x4d: {  	_ =	shalt  }
0x4e: {  	_ =	shalt  }
0x4f: {  	_ =	shalt  }
0x50: {  	_ =	shalt  }
0x51: {  	_ =	shalt  }
0x52: {  	_ =	shalt  }
0x53: {  	_ =	shalt  }
0x54: {  	_ =	shalt  }
0x55: {  	_ =	shalt  }
0x56: {  	_ =	shalt  }
0x57: {  	_ =	shalt  }
0x58: {  	_ =	shalt  }
0x59: {  	_ =	shalt  }
0x5a: {  	_ =	shalt  }
0x5b: {  	_ =	shalt  }
0x5c: {  	_ =	shalt  }
0x5d: {  	_ =	shalt  }
0x5e: {  	_ =	shalt  }
0x5f: {  	_ =	shalt  }
0x60: {  	_ =	shalt  }
0x61: {  	_ =	shalt  }
0x62: {  	_ =	shalt  }
0x63: {  	_ =	shalt  }
0x64: {  	_ =	shalt  }
0x65: {  	_ =	shalt  }
0x66: {  	_ =	shalt  }
0x67: {  	_ =	shalt  }
0x68: {  	_ =	shalt  }
0x69: {  	_ =	shalt  }
0x6a: {  	_ =	shalt  }
0x6b: {  	_ =	shalt  }
0x6c: {  	_ =	shalt  }
0x6d: {  	_ =	shalt  }
0x6e: {  	_ =	shalt  }
0x6f: {  	_ =	shalt  }
0x70: {  	_ =	shalt  }
0x71: {  	_ =	shalt  }
0x72: {  	_ =	shalt  }
0x73: {  	_ =	shalt  }
0x74: {  	_ =	shalt  }
0x75: {  	_ =	shalt  }
0x76: {  	_ =	shalt  }
0x77: {  	_ =	shalt  }
0x78: {  	_ =	shalt  }
0x79: {  	_ =	shalt  }
0x7a: {  	_ =	shalt  }
0x7b: {  	_ =	shalt  }
0x7c: {  	_ =	shalt  }
0x7d: {  	_ =	shalt  }
0x7e: {  	_ =	shalt  }
0x7f: {  	_ =	shalt  }
0x80: {  	_ =	shalt  }
0x81: {  	_ =	shalt  }
0x82: {  	_ =	shalt  }
0x83: {  	_ =	shalt  }
0x84: {  	_ =	shalt  }
0x85: {  	_ =	shalt  }
0x86: {  	_ =	shalt  }
0x87: {  	_ =	shalt  }
.Lfunc_end0:
.L_simem_size_0:
called_computation_lowered:
.L_overlay_start_0:
0x88: {  	s2 =	sld [smem:$0x3FD9]  }
0x89: {  	s3 =	sld [smem:$0x3FFE];
	_ =	sdelay $0x1  }
0x8a: {  	s1 =	srdreg.scid  }
0x8b: {  	s0 =	sand.u32 $0x1, s1  }
0x8c: {  	s16 =	sshll.u32 s0, $0xA;
	s2 =	sadd.s32 s3, s2  }
0x8d: {  	s2 =	sadd.s32 s2, s16  }
0x8e: {  	[smem:$0x3FC0] =	sst s2  }
0x8f: {  	_ = 	snop  }
0x90: {  	(tm) =	ssettm $0x1  }
0x91: {  	s17 =	sld [smem:$0x3FFB];
	_ =	sdelay $0x3  }
0x92: {  	_ =	strace s17  }
0x93: {  	s2 =	sld [smem:$0x3FFC];
	_ =	sdelay $0x3  }
0x94: {  	_ =	strace s2  }
0x95: {  	s2 =	sld [smem:$0x3FFD];
	_ =	sdelay $0x3  }
0x96: {  	_ =	strace s2  }
0x97: {  	_ =	strace $0x8FFFFFFF  }
0x98: {  	s18 =	sld [smem:$0x3FDB];
	_ =	sdelay $0x1  }
0x99: {  	s19 =	simm.s32 $_scs_section_size  }
0x9a: {  	s4 =	simm.s32 $_size__tile_overlayer_lowered;
	s5 =	simm.s32 $_tile_overlayer_lowered  }
0x9b: {  	s22 =	simm.s32 $0x1BFF;
	s21 =	sshll.u32 s5, $0x1;
	s2 =	sadd.s32 s19, s18  }
0x9c: {  	s6 =	simm.s32 $0x0;
	s20 =	sshll.u32 s4, $0x1;
	s4 =	sadd.s32 s21, s2  }
0x9d: {  	[timem:s6], [sflag:s22] =	dma.local [hbm:s4], s20  }
0x9e: {  	_ =	swait.ge [sflag:s22], s20  }
0x9f: {  	s3 =	ssub.s32 $0x0, s20;
	[sflag:s22] =	ssyncset.done $0x0  }
0xa0: {  	[sflag:s22] =	ssyncadd.s32 s3;
	_ =	sdelay $0x1  }
0xa1: {  	s23 =	simm.s32 $0x1B8B  }
0xa2: {  	_ =	swait.ge [sflag:s23], $0x1  }
0xa3: {  	[sflag:s23] =	ssyncset.done $0x0  }
0xa4: {  	s25 =	simm.s32 $0x1B8E;
	s24 =	sld [smem:$0x3FFE];
	[sflag:s23] =	ssyncadd.s32 $0xFFFFFFFF  }
0xa5: {  	s26 =	simm.s32 $execute0_lowered;
	[smem:$0x3FD2] =	sst s25  }
0xa6: {  	s4 =	sshll.u32 s26, $0x1;
	_ =	strace $0x80000046;
	[dreg:$0x1] =	wrdreg $0xFFFFFFFF  }
0xa7: {  	s28 =	simm.s32 $_size_execute0_lowered;
	s2 =	sadd.s32 s2, s4;
	[dreg:$0x0] =	wrdreg $0x0  }
0xa8: {  	s4 =	sshll.u32 s28, $0x1;
	[dreg:$0x2] =	wrdreg s2  }
0xa9: {  	[dreg:$0x3] =	wrdreg s4  }
0xaa: {  	[dreg:$0x4] =	wrdreg $0xC0  }
0xab: {  	_ =	task [dreg:s6], $0x5FFFF  }
0xac: {  	[dreg:$0x1] =	wrdreg $0xFFFFFFFF  }
0xad: {  	[dreg:$0x0] =	wrdreg $0x60  }
0xae: {  	[dreg:$0x2] =	wrdreg s24  }
0xaf: {  	[dreg:$0x3] =	wrdreg $0x0  }
0xb0: {  	[dreg:$0x4] =	wrdreg $0x9  }
0xb1: {  	_ =	task.clear_ibuf [dreg:s6], $0x5FFFF;
	_ =	strace $0x90000046  }
0xb2: {  	s29 =	simm.s32 $0x9;
	_ =	strace $0x80000048  }
0xb3: {  	_ =	swait.ge [sflag:s29], $0x1  }
0xb4: {  	[sflag:s29] =	ssyncadd.s32 $0xFFFFFFFF  }
0xb5: {  	_ =	strace $0x90000048  }
0xb6: {  	_ =	sfence  }
0xb7: {  	s30 =	sld [smem:$0x0];
	_ =	sdelay $0x2  }
0xb8: {  	s31 =	sshll.u32 s1, $0xD;
	s1 =	sshrl.u32 s1, $0x2  }
0xb9: {  	s3 =	sand.u32 $0x4000, s31;
	s1 =	sadd.s32 s1, s30  }
0xba: {  	s0 =	sor.u32 s3, s0;
	s1 =	sshll.u32 s1, $0x11  }
0xbb: {  	s0 =	sor.u32 s1, s0  }
0xbc: {  	s0 =	sadd.s32 $0x8F2B, s0  }
0xbd: {  	[sflag:s0] =	ssyncadd.remote.s32 $0x1  }
0xbe: {  	_ =	sfence.sel $0xFFFF  }
0xbf: {  	[dreg:$0x0] =	wrdreg $0xFFFFFFFF;
	(pc) =	sbr.abs _section_cstart, $3  }
0xc0: {  	[dreg:$0x1] =	wrdreg $0xFFFFFFFF  }
0xc1: {  	_ =	task.clear_ibuf [dreg:s6], $0x2FFFF;
	_ =	strace $0x9FFFFFFF  }
0xc2: {  	(tm) =	ssettm $0x7FFFFFFF  }
0xc3: {  	_ =	shalt  }
tec
execute0_lowered:
.L_overlay_start_1:
0x0: {  	(tag) =	ssettag $0x1  }
0x1: {  	s4 =	rddreg [dreg:$0x0]  }
0x2: {  	s0 =	srdreg.scid;
	s2 =	rddreg [dreg:$0x1]  }
0x3: {  	s1 =	stileid.u32;
	s3 =	simm.s32 $0x0;
	s10 =	simm.s32 $0x2B00  }
0x4: {  	s11 =	simm.s32 $0x80;
	s12 =	simm.s32 $0x2A80;
	s13 =	simm.s32 $0x1  }
0x5: {  	s16 =	simm.s32 $0x0;
	s5 =	sand.u32 $0x1, s0;
	s0 =	rddreg [dreg:$0x2]  }
0x6: {  	s6 =	smul.u32 $0x280, s1;
	[smem:$0x7FF] =	sst s3;
	s14 =	sshll.u32 s1, $0x6  }
0x7: {  	s7 =	sshll.u32 s5, $0x4;
	s8 =	smul.u32 $0x2800, s5;
	_ =	strace $0x80000047  }
0x8: {  	s5 =	ssub.s32 $0x2, s5;
	s14 =	sor.u32 $0x1C02, s14;
	s7 =	sor.u32 s1, s7  }
0x9: {  	s9 =	sshrl.u32 s5, $0x1;
	s7 =	smul.u32 $0x2800, s7;
	s8 =	sadd.s32 s6, s8  }
0xa: {  	s31 =	ssub.s32 s5, s9;
	s5 =	sadd.s32 s6, s2;
	s8 =	sshrl.u32 s8, $0x3  }
0xb: {  	s9 =	simm.s32 $0x2;
	s7 =	sshrl.u32 s7, $0x3;
	s8 =	sadd.s32 s8, s4  }
0xc: {  	s15 =	sshrl.u32 s5, $0x3;
	s4 =	sadd.s32 s4, s7;
	s6 =	sadd.s32 $0x15C00, s8  }
0xd: {  	v0 =	vimm.f32 $0.0e+00;
	v1 =	vimm.f32 $1.000000000e+00;
	s7 =	smax.u32 s31, $0x1;
	s8 =	simm.s32 $0x280;
	s4 =	sadd.s32 $0xBC00, s4  }
.LBB2_1:
0xe: {  	[tilespmem:$0x2B00] =	vst v0  }
0xf: {  	[tilespmem:$0x2B10] =	vst v0  }
0x10: {  	[tilespmem:$0x2B20] =	vst v0  }
0x11: {  	[tilespmem:$0x2B30] =	vst v0  }
0x12: {  	[tilespmem:$0x2B40] =	vst v0  }
0x13: {  	[tilespmem:$0x2B50] =	vst v0  }
0x14: {  	[tilespmem:$0x2B60] =	vst v0  }
0x15: {  	[tilespmem:$0x2B70] =	vst v0  }
0x16: {  	[tilespmem:$0x2B80] =	vst v0  }
0x17: {  	[tilespmem:$0x2B90] =	vst v0  }
0x18: {  	[tilespmem:$0x2BA0] =	vst v0  }
0x19: {  	[tilespmem:$0x2BB0] =	vst v0  }
0x1a: {  	[tilespmem:$0x2BC0] =	vst v0  }
0x1b: {  	[tilespmem:$0x2BD0] =	vst v0  }
0x1c: {  	[tilespmem:$0x2BE0] =	vst v0  }
0x1d: {  	[tilespmem:$0x2BF0] =	vst v0  }
0x1e: {  	[tilespmem:$0x2C00] =	vst v0  }
0x1f: {  	[tilespmem:$0x2C10] =	vst v0  }
0x20: {  	[tilespmem:$0x2C20] =	vst v0  }
0x21: {  	[tilespmem:$0x2C30] =	vst v0  }
0x22: {  	[tilespmem:$0x2C40] =	vst v0  }
0x23: {  	[tilespmem:$0x2C50] =	vst v0  }
0x24: {  	[tilespmem:$0x2C60] =	vst v0  }
0x25: {  	[tilespmem:$0x2C70] =	vst v0  }
0x26: {  	[tilespmem:$0x2C80] =	vst v0  }
0x27: {  	[tilespmem:$0x2C90] =	vst v0  }
0x28: {  	[tilespmem:$0x2CA0] =	vst v0  }
0x29: {  	[tilespmem:$0x2CB0] =	vst v0  }
0x2a: {  	[tilespmem:$0x2CC0] =	vst v0  }
0x2b: {  	[tilespmem:$0x2CD0] =	vst v0  }
0x2c: {  	[tilespmem:$0x2CE0] =	vst v0  }
0x2d: {  	[tilespmem:$0x2CF0] =	vst v0  }
0x2e: {  	[tilespmem:$0x2D00] =	vst v0  }
0x2f: {  	[tilespmem:$0x2D10] =	vst v0  }
0x30: {  	[tilespmem:$0x2D20] =	vst v0  }
0x31: {  	[tilespmem:$0x2D30] =	vst v0  }
0x32: {  	[tilespmem:$0x2D40] =	vst v0  }
0x33: {  	[tilespmem:$0x2D50] =	vst v0  }
0x34: {  	[tilespmem:$0x2D60] =	vst v0  }
0x35: {  	[tilespmem:$0x2D70] =	vst v0  }
0x36: {  	[tilespmem:$0x2A80] =	vst v1  }
0x37: {  	[tilespmem:$0x2A90] =	vst v1  }
0x38: {  	[tilespmem:$0x2AA0] =	vst v1  }
0x39: {  	[tilespmem:$0x2AB0] =	vst v1  }
0x3a: {  	[tilespmem:$0x2AC0] =	vst v1  }
0x3b: {  	[tilespmem:$0x2AD0] =	vst v1  }
0x3c: {  	[tilespmem:$0x2AE0] =	vst v1  }
0x3d: {  	[tilespmem:$0x2AF0] =	vst v1  }
0x3e: {  	[tilespmem:s8], [sflag:$0x2] =	stream.linear.gather [hbm4b:s4+s3], $0x2800, $0x38;
	[tilespmem:$0x2D80] =	vst v63  }
0x3f: {  	_ =	swait.ge [sflag:s9], $0x2800  }
0x40: {  	[sflag:s9] =	ssyncset.done $0x0  }
0x41: {  	[sflag:s9] =	ssyncadd.s32 $0xFFFFD800  }
0x42: {  	[spmem:s5] =	stream.linear.scatter [tilespmem:s10], [sflag:$0x2], $0x280, $0x38;
	[tilespmem:$0x2D80] =	vst v63  }
0x43: {  	_ =	swait.ge [sflag:s9], $0x280  }
0x44: {  	[sflag:s9] =	ssyncset.done $0x0  }
0x45: {  	[sflag:s9] =	ssyncadd.s32 $0xFFFFFD80  }
0x46: {  	s17 =	simm.s32 $0x0;
	[bflag:$0x0] =	sbarrier.arrive $0xFFFF  }
.LBB2_2:
0x47: {  	p0 =	sne.s32 s17, $0x9E00  }
.Ltmp0:
0x48: {  	_ = 	snop;
	(pc) =	sbr.rel @p0 .LBB2_2-.Ltmp0, $4  }
0x49: {  	_ = 	snop  }
0x4a: {  	s18 =	sshra.s32 s17, $0x2  }
0x4b: {  	s17 =	sadd.s32 $0x200, s17;
	s18 =	sadd.s32 $0x280, s18  }
0x4c: {  	[spmem:s2] =	stream.indirect.scatter.add.f32 [tilespmem:s12], [sflag:$0x1], $0x1, s18, s11, $0xb8;
	[tilespmem:$0x2D80] =	vst v63  }
0x4d: {  	_ =	swait.ge [sflag:s13], $0x80  }
0x4e: {  	s17 =	simm.s32 $0x4F;
	[sflag:s13] =	ssyncset.done $0x0  }
.LBB2_4:
0x4f: {  	p0 =	sne.s32 s17, $0x1;
	s17 =	sadd.s32 $0xFFFFFFFF, s17;
	[sflag:s13] =	ssyncadd.s32 $0xFFFFFF80  }
.Ltmp1:
0x50: {  	(pc) =	sbr.rel @p0 .LBB2_4-.Ltmp1, $3  }
0x51: {  	_ =	sdelay $0x1  }
0x52: {  	_ =	swait.ge [sflag:s13], $0x80  }
0x53: {  	[sflag:s13] =	ssyncset.done $0x0  }
0x54: {  	s16 =	sadd.s32 $0x1, s16  }
0x55: {  	[sflag:s13] =	ssyncadd.s32 $0xFFFFFF80;
	p0 =	sne.s32 s16, s7  }
.Ltmp2:
0x56: {  	[bflag:$0x0] =	sbarrier.arrive $0xFFFF;
	(pc) =	sbr.rel @p0 .LBB2_1-.Ltmp2, $4  }
0x57: {  	[hbm:s6], [sflag:s14] =	dma.local [spmem:s15], $0x50  }
0x58: {  	_ =	swait.ge [sflag:s9], $0x50  }
0x59: {  	[sflag:s9] =	ssyncset.done $0x0  }
0x5a: {  	[sflag:s9] =	ssyncadd.s32 $0xFFFFFFB0  }
0x5b: {  	_ =	sfence.sel $0x180000  }
0x5c: {  	[bflag:$0x0] =	sbarrier.arrive $0xFFFF  }
0x5d: {  	p0 =	sne.s32 s1, $0x0;
	_ =	strace $0x90000047  }
0x5e: {  	s0 =	sadd.s32 @!p0 $0x100000, s0;
	[bflag:$0x2] =	sbarrier.arrive $0xFFFF  }
0x5f: {  	[sflag:s0] =	ssyncadd.tile.s32 @!p0 $0x1;
	_ =	shalt  }
.Lfunc_end2:
_tile_overlayer_lowered:
.L_overlay_start_2:
0x60: {  	(tag) =	ssettag $0x2  }
0x61: {  	s0 =	rddreg [dreg:$0x0];
	s2 =	stileid.u32  }
0x62: {  	s1 =	rddreg [dreg:$0x1];
	p0 =	sne.s32 s2, $0x0  }
0x63: {  	s3 =	rddreg [dreg:$0x2];
	[bflag:$0x3] =	sbarrier.arrive $0xFFFF;
	s2 =	simm.s32 @!p0 $0x1C02  }
0x64: {  	[timem:s3], [sflag:s2] =	dma.local @!p0 [hbm:s0], s1  }
0x65: {  	s0 =	simm.s32 @!p0 $0x2  }
0x66: {  	_ =	swait.ge @!p0 [sflag:s0], s1  }
0x67: {  	s1 =	ssub.s32 @!p0 $0x0, s1;
	[sflag:s0] =	ssyncset.done @!p0 $0x0  }
0x68: {  	[sflag:s0] =	ssyncadd.s32 @!p0 s1  }
0x69: {  	[bflag:$0x3] =	sbarrier.arrive $0xFFFF  }
0x6a: {  	_ =	shalt  }

</sc_bundles>
